<compile_context>
chip_gen: v7x
topology: tpu7x:2x2x1
jax: 0.10.2.dev20260603
libtpu: 0.0.44.dev20260713+nightly
codegen_flags: <defaults>
</compile_context>

<pallas_src>
import functools

import jax
import jax.numpy as jnp
from jax import lax
from jax.experimental import pallas as pl
from jax.experimental.pallas import tpu as pltpu
from jax.experimental.pallas import tpu_sc as plsc

N = 10000
NP = 10240
E = 320000
D = 128
G = 80
NC = 2
NS = 16
NW = NC * NS
CPW = E // (G * NW)
RPS = NP // NS

BM = 1000


def _mesh():
    return plsc.VectorSubcoreMesh(core_axis_name="c", subcore_axis_name="s")



def _fill_rows(ref, val):
    v = jnp.full((16,), val, jnp.float32)
    rows = ref.shape[0]

    def body(i, c):
        for j in range(D // 16):
            ref[i, pl.ds(j * 16, 16)] = v
        return c

    lax.fori_loop(0, rows, body, 0)


def _zero_acc_async(zbuf, acc, sid, sem):
    for k2 in range(RPS // G):
        pltpu.async_copy(zbuf, acc.at[pl.ds(sid * RPS + k2 * G, G)], sem)


def _zero_acc_wait(zbuf, acc, sid, sem):
    for k2 in range(RPS // G):
        pltpu.make_async_copy(
            zbuf, acc.at[pl.ds(sid * RPS + k2 * G, G)], sem).wait()


def _sc_hist(col2d):

    @functools.partial(
        pl.kernel,
        out_type=jax.ShapeDtypeStruct((NC, NP, D), jnp.float32),
        mesh=_mesh(),
        scratch_types=[
            pltpu.VMEM((CPW, G), jnp.int32),
            pltpu.VMEM((G, D), jnp.float32),
            pltpu.VMEM((G, D), jnp.float32),
            pltpu.VMEM_SHARED((NP, D), jnp.float32),
            pltpu.SemaphoreType.DMA,
            pltpu.SemaphoreType.DMA,
        ],
    )
    def k(col_hbm, out_hbm, cidx_v, ones_v, zbuf, acc, semi, semz):
        cid = lax.axis_index("c")
        sid = lax.axis_index("s")
        wid = sid * NC + cid
        pltpu.async_copy(col_hbm.at[wid], cidx_v, semi)
        _fill_rows(zbuf, 0.0)
        _zero_acc_async(zbuf, acc, sid, semz)
        _fill_rows(ones_v, 1.0)
        pltpu.make_async_copy(col_hbm.at[wid], cidx_v, semi).wait()
        _zero_acc_wait(zbuf, acc, sid, semz)
        plsc.subcore_barrier()

        pltpu.async_copy(ones_v, acc.at[cidx_v.at[0]], semz, add=True)

        def body(g, c):
            pltpu.async_copy(ones_v, acc.at[cidx_v.at[g + 1]], semz,
                             add=True)
            pltpu.make_async_copy(ones_v, acc.at[cidx_v.at[g]], semz).wait()
            return c

        lax.fori_loop(0, CPW - 1, body, 0)
        pltpu.make_async_copy(ones_v, acc.at[cidx_v.at[CPW - 1]],
                              semz).wait()
        plsc.subcore_barrier()
        pltpu.sync_copy(acc.at[pl.ds(sid * RPS, RPS)],
                        out_hbm.at[cid, pl.ds(sid * RPS, RPS)])

    return k(col2d)


def _sc_prop(row1d, col2d, y):

    @functools.partial(
        pl.kernel,
        out_type=jax.ShapeDtypeStruct((NC, NP, D), jnp.float32),
        mesh=_mesh(),
        scratch_types=[
            pltpu.VMEM((CPW * G,), jnp.int32),
            pltpu.VMEM((CPW, G), jnp.int32),
            pltpu.VMEM((G, D), jnp.float32),
            pltpu.VMEM((G, D), jnp.float32),
            pltpu.VMEM_SHARED((NP, D), jnp.float32),
            pltpu.SemaphoreType.DMA,
            pltpu.SemaphoreType.DMA,
            pltpu.SemaphoreType.DMA,
        ],
    )
    def k(row_hbm, col_hbm, y_hbm, out_hbm,
          ridx_v, cidx_v, buf0, buf1, acc, sem0, sem1, semz):
        cid = lax.axis_index("c")
        sid = lax.axis_index("s")
        wid = sid * NC + cid
        pltpu.async_copy(row_hbm.at[pl.ds(wid * (CPW * G), CPW * G)],
                         ridx_v, sem0)
        pltpu.async_copy(col_hbm.at[wid], cidx_v, sem1)
        _fill_rows(buf0, 0.0)
        _zero_acc_async(buf0, acc, sid, semz)
        pltpu.make_async_copy(row_hbm.at[pl.ds(wid * (CPW * G), CPW * G)],
                              ridx_v, sem0).wait()
        pltpu.make_async_copy(col_hbm.at[wid], cidx_v, sem1).wait()
        _zero_acc_wait(buf0, acc, sid, semz)
        plsc.subcore_barrier()

        H = G // 2

        def gfire(g, buf, sem):
            pltpu.async_copy(y_hbm.at[ridx_v.at[pl.ds(g * G, H)]],
                             buf.at[pl.ds(0, H)], sem)
            pltpu.async_copy(y_hbm.at[ridx_v.at[pl.ds(g * G + H, H)]],
                             buf.at[pl.ds(H, H)], sem)

        def gwait(g, buf, sem):
            pltpu.make_async_copy(y_hbm.at[ridx_v.at[pl.ds(g * G, H)]],
                                  buf.at[pl.ds(0, H)], sem).wait()
            pltpu.make_async_copy(y_hbm.at[ridx_v.at[pl.ds(g * G + H, H)]],
                                  buf.at[pl.ds(H, H)], sem).wait()

        gfire(0, buf0, sem0)

        def body(gg, c):
            g = 2 * gg
            gwait(g, buf0, sem0)
            gfire(g + 1, buf1, sem1)
            pltpu.sync_copy(buf0, acc.at[cidx_v.at[g]], add=True)
            gwait(g + 1, buf1, sem1)
            gfire(g + 2, buf0, sem0)
            pltpu.sync_copy(buf1, acc.at[cidx_v.at[g + 1]], add=True)
            return c

        lax.fori_loop(0, CPW // 2, body, 0)
        gwait(CPW - 1, buf0, sem0)
        pltpu.sync_copy(buf0, acc.at[cidx_v.at[CPW - 1]], add=True)
        plsc.subcore_barrier()
        pltpu.sync_copy(acc.at[pl.ds(sid * RPS, RPS)],
                        out_hbm.at[cid, pl.ds(sid * RPS, RPS)])

    return k(row1d, col2d, y)



_ROW = pl.BlockSpec((BM, D), lambda i: (i, 0))
_PARTA = pl.BlockSpec((1, BM, D), lambda i: (0, i, 0))
_PARTB = pl.BlockSpec((1, BM, D), lambda i: (1, i, 0))
_DEGA = pl.BlockSpec((1, BM, D), lambda i: (0, i, 0))
_DEGB = pl.BlockSpec((1, BM, D), lambda i: (1, i, 0))
_WFULL = pl.BlockSpec((D, D), lambda i: (0, 0))
_BIAS = pl.BlockSpec((1, D), lambda i: (0, 0))
_FLAG = pl.BlockSpec((1, 1), lambda i: (0, 0), memory_space=pltpu.SMEM)


def _deg_of(da_ref, db_ref):
    return da_ref[0][:, :1] + db_ref[0][:, :1] + 1.0


def _linear_l2(m, w, b, f):
    t = lax.dot_general(m, w, (((1,), (1,)), ((), ())),
                        preferred_element_type=jnp.float32) + b
    nrm = jnp.sqrt(jnp.sum(t * t, axis=1, keepdims=True))
    tn = t / jnp.maximum(nrm, 1e-12)
    return jnp.where(f == 1, tn, t)


def _dense1(h, degp):

    def body(h_ref, da_ref, db_ref, o_ref):
        o_ref[...] = h_ref[...] * lax.rsqrt(_deg_of(da_ref, db_ref))

    return pl.pallas_call(
        body,
        grid=(N // BM,),
        in_specs=[_ROW, _DEGA, _DEGB],
        out_specs=_ROW,
        out_shape=jax.ShapeDtypeStruct((N, D), jnp.float32),
    )(h, degp, degp)


def _dense2(p1, h, degp):

    def body(pa_ref, pb_ref, h_ref, da_ref, db_ref, xo_ref, yo_ref):
        d = _deg_of(da_ref, db_ref)
        s = lax.rsqrt(d)
        x = s * (pa_ref[0] + pb_ref[0]) + h_ref[...] / d
        xo_ref[...] = x
        yo_ref[...] = s * x

    return pl.pallas_call(
        body,
        grid=(N // BM,),
        in_specs=[_PARTA, _PARTB, _ROW, _DEGA, _DEGB],
        out_specs=[_ROW, _ROW],
        out_shape=[jax.ShapeDtypeStruct((N, D), jnp.float32),
                   jax.ShapeDtypeStruct((N, D), jnp.float32)],
    )(p1, p1, h, degp, degp)


def _final01(h, x1, W0, b0, W1, b1, flag):

    def body(h_ref, x1_ref, w0_ref, b0_ref, w1_ref, b1_ref, f_ref, o_ref):
        f = f_ref[0, 0]
        o_ref[:, 0:D] = _linear_l2(h_ref[...], w0_ref[...], b0_ref[...], f)
        o_ref[:, D:2 * D] = _linear_l2(x1_ref[...], w1_ref[...],
                                       b1_ref[...], f)

    return pl.pallas_call(
        body,
        grid=(N // BM,),
        in_specs=[_ROW, _ROW, _WFULL, _BIAS, _WFULL, _BIAS, _FLAG],
        out_specs=pl.BlockSpec((BM, 2 * D), lambda i: (i, 0)),
        out_shape=jax.ShapeDtypeStruct((N, 2 * D), jnp.float32),
    )(h, x1, W0, b0, W1, b1, flag)


def _final2(p2, x1, degp, W2, b2, flag):

    def body(pa_ref, pb_ref, x1_ref, da_ref, db_ref,
             w2_ref, b2_ref, f_ref, o_ref):
        d = _deg_of(da_ref, db_ref)
        s = lax.rsqrt(d)
        x2 = s * (pa_ref[0] + pb_ref[0]) + x1_ref[...] / d
        o_ref[...] = _linear_l2(x2, w2_ref[...], b2_ref[...], f_ref[0, 0])

    return pl.pallas_call(
        body,
        grid=(N // BM,),
        in_specs=[_PARTA, _PARTB, _ROW, _DEGA, _DEGB,
                  _WFULL, _BIAS, _FLAG],
        out_specs=_ROW,
        out_shape=jax.ShapeDtypeStruct((N, D), jnp.float32),
    )(p2, p2, x1, degp, degp, W2, b2, flag)



def kernel(h, edge_index, Norm, W0, b0, W1, b1, W2, b2):
    row1d = edge_index[0].astype(jnp.int32)
    col2d = edge_index[1].astype(jnp.int32).reshape(NW, CPW, G)
    flag = jnp.asarray(Norm, jnp.int32).reshape(1, 1)
    b0r = b0.reshape(1, D)
    b1r = b1.reshape(1, D)
    b2r = b2.reshape(1, D)

    degp = _sc_hist(col2d)
    y0 = _dense1(h, degp)
    p1 = _sc_prop(row1d, col2d, y0)
    x1, y1 = _dense2(p1, h, degp)
    p2 = _sc_prop(row1d, col2d, y1)
    out01 = _final01(h, x1, W0, b0r, W1, b1r, flag)
    out2 = _final2(p2, x1, degp, W2, b2r, flag)
    return jnp.concatenate([out01, out2], axis=1)

# --- scband reference (transcript-rebuilt; emitter-appended) ---
"""Pipeline reference for scband-lsgcl-54030688583861 (READ-ONLY COPY).

The authoritative reference and input builder live on the scoring server;
editing this copy changes nothing except your own understanding.
"""

import jax, jax.numpy as jnp
import numpy as np

N = 10000
E = 320000
NFEAT = 128
EACHDIM = 128
K = 2  # layer_num


def _gcn_norm(edge_index, num_nodes):
    # add self loops (torch_geometric gcn_norm default fill_value=1.0)
    loop = jnp.arange(num_nodes, dtype=edge_index.dtype)
    ei = jnp.concatenate([edge_index, jnp.stack([loop, loop])], axis=1)
    w = jnp.ones((ei.shape[1],), dtype=jnp.float32)
    row, col = ei[0], ei[1]
    deg = jnp.zeros((num_nodes,), dtype=jnp.float32).at[col].add(w)
    deg_inv_sqrt = jnp.where(deg > 0, deg ** -0.5, 0.0)
    norm = deg_inv_sqrt[row] * w * deg_inv_sqrt[col]
    return ei, norm


def _propagate(ei, norm, x, num_nodes):
    # message: norm * x[src]; aggregate: add at dst
    msg = norm[:, None] * x[ei[0]]
    return jnp.zeros((num_nodes, x.shape[1]), dtype=x.dtype).at[ei[1]].add(msg)


def _l2_normalize(x):
    n = jnp.sqrt(jnp.sum(x * x, axis=1, keepdims=True))
    return x / jnp.maximum(n, 1e-12)


def setup_inputs(seed: int = 0):
    key = jax.random.key(seed)
    ks = jax.random.split(key, 12)
    h = jax.random.normal(ks[0], (N, NFEAT), dtype=jnp.float32)
    edge_index = jax.random.randint(ks[1], (2, E), 0, N).astype(jnp.int64)
    inp = {"h": h, "edge_index": edge_index, "Norm": 1}
    # lin1 layers: layer_num + 1 = 3 linear layers [EACHDIM, NFEAT]
    bound = 1.0 / np.sqrt(NFEAT)
    for i in range(K + 1):
        inp[f"W{i}"] = jax.random.uniform(ks[2 + 2 * i], (EACHDIM, NFEAT), minval=-bound, maxval=bound, dtype=jnp.float32)
        inp[f"b{i}"] = jax.random.uniform(ks[3 + 2 * i], (EACHDIM,), minval=-bound, maxval=bound, dtype=jnp.float32)
    return inp


def reference(h, edge_index, Norm, W0, b0, W1, b1, W2, b2):
    num_nodes = h.shape[0]
    ei, norm = _gcn_norm(edge_index, num_nodes)
    # List_prop: K propagation steps, collect intermediate features
    list_mat = [h]
    x = h
    for _ in range(K):
        x = _propagate(ei, norm, x, num_nodes)
        list_mat.append(x)
    Ws = [(W0, b0), (W1, b1), (W2, b2)]
    list_out = []
    for mat, (W, b) in zip(list_mat, Ws):
        tmp = mat @ W.T + b
        tmp = jnp.where(Norm == 1, _l2_normalize(tmp), tmp)
        list_out.append(tmp)
    final_mat = jnp.concatenate(list_out, axis=1)
    return final_mat

if __name__ == "__main__":
    import jax
    _d = setup_inputs()
    print(jax.jit(kernel)(*tuple(_d.values())))

</pallas_src>

<mosaic_0001>
#map = affine_map<(d0, d1) -> (0, 0, 0)>
module attributes {stable_mosaic.version = 14 : i64} {
  func.func @k(%arg0: i32, %arg1: i32, %arg2: memref<32x125x80xi32, #tpu.memory_space<hbm>>, %arg3: memref<2x10240x128xf32, #tpu.memory_space<hbm>>, %arg4: memref<125x80xi32, #tpu.memory_space<vmem>>, %arg5: memref<80x128xf32, #tpu.memory_space<vmem>>, %arg6: memref<80x128xf32, #tpu.memory_space<vmem>>, %arg7: memref<10240x128xf32, #tpu.memory_space<vmem_shared>>, %arg8: memref<!tpu.dma_semaphore, #tpu.memory_space<semaphore_mem>>, %arg9: memref<!tpu.dma_semaphore, #tpu.memory_space<semaphore_mem>>) attributes {dimension_semantics = [#tpu.dimension_semantics<core_parallel>, #tpu.dimension_semantics<subcore_parallel>], iteration_bounds = array<i64: 2, 16>, scalar_prefetch = 0 : i64, scratch_operands = 6 : i64, tpu.core_type = #tpu.core_type<sc_vector_subcore>, window_params = [{transform_indices = #map}, {transform_indices = #map}]} {
    %mul3A = arith.constant 2 : i32
    %mul3A_0 = arith.muli %arg1, %mul3A : i32
    %add3A = arith.addi %mul3A_0, %arg0 : i32
    %dma_start3A = arith.constant 0 : i32
    %dma_start3A_1 = arith.constant 0 : i32
    %dma_start3A_2 = tpu.memref_slice %arg2[%add3A, %dma_start3A, %dma_start3A_1] : memref<32x125x80xi32, #tpu.memory_space<hbm>> -> memref<1x125x80xi32, #tpu.memory_space<hbm>>
    %dma_start3A_3 = tpu.memref_squeeze %dma_start3A_2 : memref<1x125x80xi32, #tpu.memory_space<hbm>> -> memref<125x80xi32, #tpu.memory_space<hbm>>
    %dma_start3A_4 = arith.constant 0 : i32
    %dma_start3A_5 = arith.constant 0 : i32
    %dma_start3A_6 = tpu.memref_slice %arg2[%add3A, %dma_start3A_4, %dma_start3A_5] : memref<32x125x80xi32, #tpu.memory_space<hbm>> -> memref<1x125x80xi32, #tpu.memory_space<hbm>>
    %dma_start3A_7 = tpu.memref_squeeze %dma_start3A_6 : memref<1x125x80xi32, #tpu.memory_space<hbm>> -> memref<125x80xi32, #tpu.memory_space<hbm>>
    tpu.enqueue_dma source(%dma_start3A_7 : memref<125x80xi32, #tpu.memory_space<hbm>>) target(%arg4 : memref<125x80xi32, #tpu.memory_space<vmem>>) target_semaphore(%arg8 : memref<!tpu.dma_semaphore, #tpu.memory_space<semaphore_mem>>)
    %broadcast_in_dim3A = arith.constant 0.000000e+00 : f32
    %broadcast_in_dim3A_8 = vector.broadcast %broadcast_in_dim3A : f32 to vector<16xf32>
    %scan3A = arith.constant 0 : i32
    %scan3A_9 = arith.constant 0 : i32
    %scan3A_10 = arith.constant 80 : i32
    %scan3A_11 = arith.addi %scan3A_9, %scan3A_10 : i32
    %scan3A_12 = arith.constant 1 : i32
    scf.for %scan3A_182 = %scan3A_9 to %scan3A_11 step %scan3A_12  : i32 {
      %swap3A = arith.index_cast %scan3A_182 : i32 to index
      %swap3A_183 = arith.constant 0 : index
      %swap3A_184 = tpu.vector_load %arg6[%swap3A, %swap3A_183] {strides = array<i32>} : memref<80x128xf32, #tpu.memory_space<vmem>>, vector<1x16xf32>,
      %swap3A_185 = vector.shape_cast %swap3A_184 : vector<1x16xf32> to vector<16xf32>
      %swap3A_186 = vector.shape_cast %broadcast_in_dim3A_8 : vector<16xf32> to vector<1x16xf32>
      tpu.vector_store %arg6[%swap3A, %swap3A_183], %swap3A_186 {strides = array<i32>} : memref<80x128xf32, #tpu.memory_space<vmem>>, vector<1x16xf32>,
      %swap3A_187 = arith.index_cast %scan3A_182 : i32 to index
      %swap3A_188 = arith.constant 16 : index
      %swap3A_189 = tpu.vector_load %arg6[%swap3A_187, %swap3A_188] {strides = array<i32>} : memref<80x128xf32, #tpu.memory_space<vmem>>, vector<1x16xf32>,
      %swap3A_190 = vector.shape_cast %swap3A_189 : vector<1x16xf32> to vector<16xf32>
      %swap3A_191 = vector.shape_cast %broadcast_in_dim3A_8 : vector<16xf32> to vector<1x16xf32>
      tpu.vector_store %arg6[%swap3A_187, %swap3A_188], %swap3A_191 {strides = array<i32>} : memref<80x128xf32, #tpu.memory_space<vmem>>, vector<1x16xf32>,
      %swap3A_192 = arith.index_cast %scan3A_182 : i32 to index
      %swap3A_193 = arith.constant 32 : index
      %swap3A_194 = tpu.vector_load %arg6[%swap3A_192, %swap3A_193] {strides = array<i32>} : memref<80x128xf32, #tpu.memory_space<vmem>>, vector<1x16xf32>,
      %swap3A_195 = vector.shape_cast %swap3A_194 : vector<1x16xf32> to vector<16xf32>
      %swap3A_196 = vector.shape_cast %broadcast_in_dim3A_8 : vector<16xf32> to vector<1x16xf32>
      tpu.vector_store %arg6[%swap3A_192, %swap3A_193], %swap3A_196 {strides = array<i32>} : memref<80x128xf32, #tpu.memory_space<vmem>>, vector<1x16xf32>,
      %swap3A_197 = arith.index_cast %scan3A_182 : i32 to index
      %swap3A_198 = arith.constant 48 : index
      %swap3A_199 = tpu.vector_load %arg6[%swap3A_197, %swap3A_198] {strides = array<i32>} : memref<80x128xf32, #tpu.memory_space<vmem>>, vector<1x16xf32>,
      %swap3A_200 = vector.shape_cast %swap3A_199 : vector<1x16xf32> to vector<16xf32>
      %swap3A_201 = vector.shape_cast %broadcast_in_dim3A_8 : vector<16xf32> to vector<1x16xf32>
      tpu.vector_store %arg6[%swap3A_197, %swap3A_198], %swap3A_201 {strides = array<i32>} : memref<80x128xf32, #tpu.memory_space<vmem>>, vector<1x16xf32>,
      %swap3A_202 = arith.index_cast %scan3A_182 : i32 to index
      %swap3A_203 = arith.constant 64 : index
      %swap3A_204 = tpu.vector_load %arg6[%swap3A_202, %swap3A_203] {strides = array<i32>} : memref<80x128xf32, #tpu.memory_space<vmem>>, vector<1x16xf32>,
      %swap3A_205 = vector.shape_cast %swap3A_204 : vector<1x16xf32> to vector<16xf32>
      %swap3A_206 = vector.shape_cast %broadcast_in_dim3A_8 : vector<16xf32> to vector<1x16xf32>
      tpu.vector_store %arg6[%swap3A_202, %swap3A_203], %swap3A_206 {strides = array<i32>} : memref<80x128xf32, #tpu.memory_space<vmem>>, vector<1x16xf32>,
      %swap3A_207 = arith.index_cast %scan3A_182 : i32 to index
      %swap3A_208 = arith.constant 80 : index
      %swap3A_209 = tpu.vector_load %arg6[%swap3A_207, %swap3A_208] {strides = array<i32>} : memref<80x128xf32, #tpu.memory_space<vmem>>, vector<1x16xf32>,
      %swap3A_210 = vector.shape_cast %swap3A_209 : vector<1x16xf32> to vector<16xf32>
      %swap3A_211 = vector.shape_cast %broadcast_in_dim3A_8 : vector<16xf32> to vector<1x16xf32>
      tpu.vector_store %arg6[%swap3A_207, %swap3A_208], %swap3A_211 {strides = array<i32>} : memref<80x128xf32, #tpu.memory_space<vmem>>, vector<1x16xf32>,
      %swap3A_212 = arith.index_cast %scan3A_182 : i32 to index
      %swap3A_213 = arith.constant 96 : index
      %swap3A_214 = tpu.vector_load %arg6[%swap3A_212, %swap3A_213] {strides = array<i32>} : memref<80x128xf32, #tpu.memory_space<vmem>>, vector<1x16xf32>,
      %swap3A_215 = vector.shape_cast %swap3A_214 : vector<1x16xf32> to vector<16xf32>
      %swap3A_216 = vector.shape_cast %broadcast_in_dim3A_8 : vector<16xf32> to vector<1x16xf32>
      tpu.vector_store %arg6[%swap3A_212, %swap3A_213], %swap3A_216 {strides = array<i32>} : memref<80x128xf32, #tpu.memory_space<vmem>>, vector<1x16xf32>,
      %swap3A_217 = arith.index_cast %scan3A_182 : i32 to index
      %swap3A_218 = arith.constant 112 : index
      %swap3A_219 = tpu.vector_load %arg6[%swap3A_217, %swap3A_218] {strides = array<i32>} : memref<80x128xf32, #tpu.memory_space<vmem>>, vector<1x16xf32>,
      %swap3A_220 = vector.shape_cast %swap3A_219 : vector<1x16xf32> to vector<16xf32>
      %swap3A_221 = vector.shape_cast %broadcast_in_dim3A_8 : vector<16xf32> to vector<1x16xf32>
      tpu.vector_store %arg6[%swap3A_217, %swap3A_218], %swap3A_221 {strides = array<i32>} : memref<80x128xf32, #tpu.memory_space<vmem>>, vector<1x16xf32>,
    }
    %scan3A_13 = arith.constant 80 : i32
    %mul3A_14 = arith.constant 640 : i32
    %mul3A_15 = arith.muli %arg1, %mul3A_14 : i32
    %add3A_16 = arith.constant 0 : i32
    %add3A_17 = arith.addi %mul3A_15, %add3A_16 : i32
    %dma_start3A_18 = arith.constant 0 : i32
    %dma_start3A_19 = tpu.memref_slice %arg7[%add3A_17, %dma_start3A_18] : memref<10240x128xf32, #tpu.memory_space<vmem_shared>> -> memref<80x128xf32, #tpu.memory_space<vmem_shared>>
    %dma_start3A_20 = arith.constant 0 : i32
    %dma_start3A_21 = tpu.memref_slice %arg7[%add3A_17, %dma_start3A_20] : memref<10240x128xf32, #tpu.memory_space<vmem_shared>> -> memref<80x128xf32, #tpu.memory_space<vmem_shared>>
    tpu.enqueue_dma source(%arg6 : memref<80x128xf32, #tpu.memory_space<vmem>>) target(%dma_start3A_21 : memref<80x128xf32, #tpu.memory_space<vmem_shared>>) target_semaphore(%arg9 : memref<!tpu.dma_semaphore, #tpu.memory_space<semaphore_mem>>)
    %mul3A_22 = arith.constant 640 : i32
    %mul3A_23 = arith.muli %arg1, %mul3A_22 : i32
    %add3A_24 = arith.constant 80 : i32
    %add3A_25 = arith.addi %mul3A_23, %add3A_24 : i32
    %dma_start3A_26 = arith.constant 0 : i32
    %dma_start3A_27 = tpu.memref_slice %arg7[%add3A_25, %dma_start3A_26] : memref<10240x128xf32, #tpu.memory_space<vmem_shared>> -> memref<80x128xf32, #tpu.memory_space<vmem_shared>>
    %dma_start3A_28 = arith.constant 0 : i32
    %dma_start3A_29 = tpu.memref_slice %arg7[%add3A_25, %dma_start3A_28] : memref<10240x128xf32, #tpu.memory_space<vmem_shared>> -> memref<80x128xf32, #tpu.memory_space<vmem_shared>>
    tpu.enqueue_dma source(%arg6 : memref<80x128xf32, #tpu.memory_space<vmem>>) target(%dma_start3A_29 : memref<80x128xf32, #tpu.memory_space<vmem_shared>>) target_semaphore(%arg9 : memref<!tpu.dma_semaphore, #tpu.memory_space<semaphore_mem>>)
    %mul3A_30 = arith.constant 640 : i32
    %mul3A_31 = arith.muli %arg1, %mul3A_30 : i32
    %add3A_32 = arith.constant 160 : i32
    %add3A_33 = arith.addi %mul3A_31, %add3A_32 : i32
    %dma_start3A_34 = arith.constant 0 : i32
    %dma_start3A_35 = tpu.memref_slice %arg7[%add3A_33, %dma_start3A_34] : memref<10240x128xf32, #tpu.memory_space<vmem_shared>> -> memref<80x128xf32, #tpu.memory_space<vmem_shared>>
    %dma_start3A_36 = arith.constant 0 : i32
    %dma_start3A_37 = tpu.memref_slice %arg7[%add3A_33, %dma_start3A_36] : memref<10240x128xf32, #tpu.memory_space<vmem_shared>> -> memref<80x128xf32, #tpu.memory_space<vmem_shared>>
    tpu.enqueue_dma source(%arg6 : memref<80x128xf32, #tpu.memory_space<vmem>>) target(%dma_start3A_37 : memref<80x128xf32, #tpu.memory_space<vmem_shared>>) target_semaphore(%arg9 : memref<!tpu.dma_semaphore, #tpu.memory_space<semaphore_mem>>)
    %mul3A_38 = arith.constant 640 : i32
    %mul3A_39 = arith.muli %arg1, %mul3A_38 : i32
    %add3A_40 = arith.constant 240 : i32
    %add3A_41 = arith.addi %mul3A_39, %add3A_40 : i32
    %dma_start3A_42 = arith.constant 0 : i32
    %dma_start3A_43 = tpu.memref_slice %arg7[%add3A_41, %dma_start3A_42] : memref<10240x128xf32, #tpu.memory_space<vmem_shared>> -> memref<80x128xf32, #tpu.memory_space<vmem_shared>>
    %dma_start3A_44 = arith.constant 0 : i32
    %dma_start3A_45 = tpu.memref_slice %arg7[%add3A_41, %dma_start3A_44] : memref<10240x128xf32, #tpu.memory_space<vmem_shared>> -> memref<80x128xf32, #tpu.memory_space<vmem_shared>>
    tpu.enqueue_dma source(%arg6 : memref<80x128xf32, #tpu.memory_space<vmem>>) target(%dma_start3A_45 : memref<80x128xf32, #tpu.memory_space<vmem_shared>>) target_semaphore(%arg9 : memref<!tpu.dma_semaphore, #tpu.memory_space<semaphore_mem>>)
    %mul3A_46 = arith.constant 640 : i32
    %mul3A_47 = arith.muli %arg1, %mul3A_46 : i32
    %add3A_48 = arith.constant 320 : i32
    %add3A_49 = arith.addi %mul3A_47, %add3A_48 : i32
    %dma_start3A_50 = arith.constant 0 : i32
    %dma_start3A_51 = tpu.memref_slice %arg7[%add3A_49, %dma_start3A_50] : memref<10240x128xf32, #tpu.memory_space<vmem_shared>> -> memref<80x128xf32, #tpu.memory_space<vmem_shared>>
    %dma_start3A_52 = arith.constant 0 : i32
    %dma_start3A_53 = tpu.memref_slice %arg7[%add3A_49, %dma_start3A_52] : memref<10240x128xf32, #tpu.memory_space<vmem_shared>> -> memref<80x128xf32, #tpu.memory_space<vmem_shared>>
    tpu.enqueue_dma source(%arg6 : memref<80x128xf32, #tpu.memory_space<vmem>>) target(%dma_start3A_53 : memref<80x128xf32, #tpu.memory_space<vmem_shared>>) target_semaphore(%arg9 : memref<!tpu.dma_semaphore, #tpu.memory_space<semaphore_mem>>)
    %mul3A_54 = arith.constant 640 : i32
    %mul3A_55 = arith.muli %arg1, %mul3A_54 : i32
    %add3A_56 = arith.constant 400 : i32
    %add3A_57 = arith.addi %mul3A_55, %add3A_56 : i32
    %dma_start3A_58 = arith.constant 0 : i32
    %dma_start3A_59 = tpu.memref_slice %arg7[%add3A_57, %dma_start3A_58] : memref<10240x128xf32, #tpu.memory_space<vmem_shared>> -> memref<80x128xf32, #tpu.memory_space<vmem_shared>>
    %dma_start3A_60 = arith.constant 0 : i32
    %dma_start3A_61 = tpu.memref_slice %arg7[%add3A_57, %dma_start3A_60] : memref<10240x128xf32, #tpu.memory_space<vmem_shared>> -> memref<80x128xf32, #tpu.memory_space<vmem_shared>>
    tpu.enqueue_dma source(%arg6 : memref<80x128xf32, #tpu.memory_space<vmem>>) target(%dma_start3A_61 : memref<80x128xf32, #tpu.memory_space<vmem_shared>>) target_semaphore(%arg9 : memref<!tpu.dma_semaphore, #tpu.memory_space<semaphore_mem>>)
    %mul3A_62 = arith.constant 640 : i32
    %mul3A_63 = arith.muli %arg1, %mul3A_62 : i32
    %add3A_64 = arith.constant 480 : i32
    %add3A_65 = arith.addi %mul3A_63, %add3A_64 : i32
    %dma_start3A_66 = arith.constant 0 : i32
    %dma_start3A_67 = tpu.memref_slice %arg7[%add3A_65, %dma_start3A_66] : memref<10240x128xf32, #tpu.memory_space<vmem_shared>> -> memref<80x128xf32, #tpu.memory_space<vmem_shared>>
    %dma_start3A_68 = arith.constant 0 : i32
    %dma_start3A_69 = tpu.memref_slice %arg7[%add3A_65, %dma_start3A_68] : memref<10240x128xf32, #tpu.memory_space<vmem_shared>> -> memref<80x128xf32, #tpu.memory_space<vmem_shared>>
    tpu.enqueue_dma source(%arg6 : memref<80x128xf32, #tpu.memory_space<vmem>>) target(%dma_start3A_69 : memref<80x128xf32, #tpu.memory_space<vmem_shared>>) target_semaphore(%arg9 : memref<!tpu.dma_semaphore, #tpu.memory_space<semaphore_mem>>)
    %mul3A_70 = arith.constant 640 : i32
    %mul3A_71 = arith.muli %arg1, %mul3A_70 : i32
    %add3A_72 = arith.constant 560 : i32
    %add3A_73 = arith.addi %mul3A_71, %add3A_72 : i32
    %dma_start3A_74 = arith.constant 0 : i32
    %dma_start3A_75 = tpu.memref_slice %arg7[%add3A_73, %dma_start3A_74] : memref<10240x128xf32, #tpu.memory_space<vmem_shared>> -> memref<80x128xf32, #tpu.memory_space<vmem_shared>>
    %dma_start3A_76 = arith.constant 0 : i32
    %dma_start3A_77 = tpu.memref_slice %arg7[%add3A_73, %dma_start3A_76] : memref<10240x128xf32, #tpu.memory_space<vmem_shared>> -> memref<80x128xf32, #tpu.memory_space<vmem_shared>>
    tpu.enqueue_dma source(%arg6 : memref<80x128xf32, #tpu.memory_space<vmem>>) target(%dma_start3A_77 : memref<80x128xf32, #tpu.memory_space<vmem_shared>>) target_semaphore(%arg9 : memref<!tpu.dma_semaphore, #tpu.memory_space<semaphore_mem>>)
    %broadcast_in_dim3A_78 = arith.constant 1.000000e+00 : f32
    %broadcast_in_dim3A_79 = vector.broadcast %broadcast_in_dim3A_78 : f32 to vector<16xf32>
    %scan3A_80 = arith.constant 0 : i32
    %scan3A_81 = arith.constant 0 : i32
    %scan3A_82 = arith.constant 80 : i32
    %scan3A_83 = arith.addi %scan3A_81, %scan3A_82 : i32
    %scan3A_84 = arith.constant 1 : i32
    scf.for %scan3A_182 = %scan3A_81 to %scan3A_83 step %scan3A_84  : i32 {
      %swap3A = arith.index_cast %scan3A_182 : i32 to index
      %swap3A_183 = arith.constant 0 : index
      %swap3A_184 = tpu.vector_load %arg5[%swap3A, %swap3A_183] {strides = array<i32>} : memref<80x128xf32, #tpu.memory_space<vmem>>, vector<1x16xf32>,
      %swap3A_185 = vector.shape_cast %swap3A_184 : vector<1x16xf32> to vector<16xf32>
      %swap3A_186 = vector.shape_cast %broadcast_in_dim3A_79 : vector<16xf32> to vector<1x16xf32>
      tpu.vector_store %arg5[%swap3A, %swap3A_183], %swap3A_186 {strides = array<i32>} : memref<80x128xf32, #tpu.memory_space<vmem>>, vector<1x16xf32>,
      %swap3A_187 = arith.index_cast %scan3A_182 : i32 to index
      %swap3A_188 = arith.constant 16 : index
      %swap3A_189 = tpu.vector_load %arg5[%swap3A_187, %swap3A_188] {strides = array<i32>} : memref<80x128xf32, #tpu.memory_space<vmem>>, vector<1x16xf32>,
      %swap3A_190 = vector.shape_cast %swap3A_189 : vector<1x16xf32> to vector<16xf32>
      %swap3A_191 = vector.shape_cast %broadcast_in_dim3A_79 : vector<16xf32> to vector<1x16xf32>
      tpu.vector_store %arg5[%swap3A_187, %swap3A_188], %swap3A_191 {strides = array<i32>} : memref<80x128xf32, #tpu.memory_space<vmem>>, vector<1x16xf32>,
      %swap3A_192 = arith.index_cast %scan3A_182 : i32 to index
      %swap3A_193 = arith.constant 32 : index
      %swap3A_194 = tpu.vector_load %arg5[%swap3A_192, %swap3A_193] {strides = array<i32>} : memref<80x128xf32, #tpu.memory_space<vmem>>, vector<1x16xf32>,
      %swap3A_195 = vector.shape_cast %swap3A_194 : vector<1x16xf32> to vector<16xf32>
      %swap3A_196 = vector.shape_cast %broadcast_in_dim3A_79 : vector<16xf32> to vector<1x16xf32>
      tpu.vector_store %arg5[%swap3A_192, %swap3A_193], %swap3A_196 {strides = array<i32>} : memref<80x128xf32, #tpu.memory_space<vmem>>, vector<1x16xf32>,
      %swap3A_197 = arith.index_cast %scan3A_182 : i32 to index
      %swap3A_198 = arith.constant 48 : index
      %swap3A_199 = tpu.vector_load %arg5[%swap3A_197, %swap3A_198] {strides = array<i32>} : memref<80x128xf32, #tpu.memory_space<vmem>>, vector<1x16xf32>,
      %swap3A_200 = vector.shape_cast %swap3A_199 : vector<1x16xf32> to vector<16xf32>
      %swap3A_201 = vector.shape_cast %broadcast_in_dim3A_79 : vector<16xf32> to vector<1x16xf32>
      tpu.vector_store %arg5[%swap3A_197, %swap3A_198], %swap3A_201 {strides = array<i32>} : memref<80x128xf32, #tpu.memory_space<vmem>>, vector<1x16xf32>,
      %swap3A_202 = arith.index_cast %scan3A_182 : i32 to index
      %swap3A_203 = arith.constant 64 : index
      %swap3A_204 = tpu.vector_load %arg5[%swap3A_202, %swap3A_203] {strides = array<i32>} : memref<80x128xf32, #tpu.memory_space<vmem>>, vector<1x16xf32>,
      %swap3A_205 = vector.shape_cast %swap3A_204 : vector<1x16xf32> to vector<16xf32>
      %swap3A_206 = vector.shape_cast %broadcast_in_dim3A_79 : vector<16xf32> to vector<1x16xf32>
      tpu.vector_store %arg5[%swap3A_202, %swap3A_203], %swap3A_206 {strides = array<i32>} : memref<80x128xf32, #tpu.memory_space<vmem>>, vector<1x16xf32>,
      %swap3A_207 = arith.index_cast %scan3A_182 : i32 to index
      %swap3A_208 = arith.constant 80 : index
      %swap3A_209 = tpu.vector_load %arg5[%swap3A_207, %swap3A_208] {strides = array<i32>} : memref<80x128xf32, #tpu.memory_space<vmem>>, vector<1x16xf32>,
      %swap3A_210 = vector.shape_cast %swap3A_209 : vector<1x16xf32> to vector<16xf32>
      %swap3A_211 = vector.shape_cast %broadcast_in_dim3A_79 : vector<16xf32> to vector<1x16xf32>
      tpu.vector_store %arg5[%swap3A_207, %swap3A_208], %swap3A_211 {strides = array<i32>} : memref<80x128xf32, #tpu.memory_space<vmem>>, vector<1x16xf32>,
      %swap3A_212 = arith.index_cast %scan3A_182 : i32 to index
      %swap3A_213 = arith.constant 96 : index
      %swap3A_214 = tpu.vector_load %arg5[%swap3A_212, %swap3A_213] {strides = array<i32>} : memref<80x128xf32, #tpu.memory_space<vmem>>, vector<1x16xf32>,
      %swap3A_215 = vector.shape_cast %swap3A_214 : vector<1x16xf32> to vector<16xf32>
      %swap3A_216 = vector.shape_cast %broadcast_in_dim3A_79 : vector<16xf32> to vector<1x16xf32>
      tpu.vector_store %arg5[%swap3A_212, %swap3A_213], %swap3A_216 {strides = array<i32>} : memref<80x128xf32, #tpu.memory_space<vmem>>, vector<1x16xf32>,
      %swap3A_217 = arith.index_cast %scan3A_182 : i32 to index
      %swap3A_218 = arith.constant 112 : index
      %swap3A_219 = tpu.vector_load %arg5[%swap3A_217, %swap3A_218] {strides = array<i32>} : memref<80x128xf32, #tpu.memory_space<vmem>>, vector<1x16xf32>,
      %swap3A_220 = vector.shape_cast %swap3A_219 : vector<1x16xf32> to vector<16xf32>
      %swap3A_221 = vector.shape_cast %broadcast_in_dim3A_79 : vector<16xf32> to vector<1x16xf32>
      tpu.vector_store %arg5[%swap3A_217, %swap3A_218], %swap3A_221 {strides = array<i32>} : memref<80x128xf32, #tpu.memory_space<vmem>>, vector<1x16xf32>,
    }
    %scan3A_85 = arith.constant 80 : i32
    %dma_wait3A = arith.constant 0 : i32
    %dma_wait3A_86 = arith.constant 0 : i32
    %dma_wait3A_87 = tpu.memref_slice %arg2[%add3A, %dma_wait3A, %dma_wait3A_86] : memref<32x125x80xi32, #tpu.memory_space<hbm>> -> memref<1x125x80xi32, #tpu.memory_space<hbm>>
    %dma_wait3A_88 = tpu.memref_squeeze %dma_wait3A_87 : memref<1x125x80xi32, #tpu.memory_space<hbm>> -> memref<125x80xi32, #tpu.memory_space<hbm>>
    %dma_wait3A_89 = arith.constant 0 : i32
    %dma_wait3A_90 = arith.constant 0 : i32
    %dma_wait3A_91 = tpu.memref_slice %arg2[%add3A, %dma_wait3A_89, %dma_wait3A_90] : memref<32x125x80xi32, #tpu.memory_space<hbm>> -> memref<1x125x80xi32, #tpu.memory_space<hbm>>
    %dma_wait3A_92 = tpu.memref_squeeze %dma_wait3A_91 : memref<1x125x80xi32, #tpu.memory_space<hbm>> -> memref<125x80xi32, #tpu.memory_space<hbm>>
    tpu.wait_dma2 semaphore(%arg8 : memref<!tpu.dma_semaphore, #tpu.memory_space<semaphore_mem>>) src(%dma_wait3A_92 : memref<125x80xi32, #tpu.memory_space<hbm>>) dst(%arg4 : memref<125x80xi32, #tpu.memory_space<vmem>>)
    %mul3A_93 = arith.constant 640 : i32
    %mul3A_94 = arith.muli %arg1, %mul3A_93 : i32
    %add3A_95 = arith.constant 0 : i32
    %add3A_96 = arith.addi %mul3A_94, %add3A_95 : i32
    %dma_wait3A_97 = arith.constant 0 : i32
    %dma_wait3A_98 = tpu.memref_slice %arg7[%add3A_96, %dma_wait3A_97] : memref<10240x128xf32, #tpu.memory_space<vmem_shared>> -> memref<80x128xf32, #tpu.memory_space<vmem_shared>>
    %dma_wait3A_99 = arith.constant 0 : i32
    %dma_wait3A_100 = tpu.memref_slice %arg7[%add3A_96, %dma_wait3A_99] : memref<10240x128xf32, #tpu.memory_space<vmem_shared>> -> memref<80x128xf32, #tpu.memory_space<vmem_shared>>
    tpu.wait_dma2 semaphore(%arg9 : memref<!tpu.dma_semaphore, #tpu.memory_space<semaphore_mem>>) src(%arg6 : memref<80x128xf32, #tpu.memory_space<vmem>>) dst(%dma_wait3A_100 : memref<80x128xf32, #tpu.memory_space<vmem_shared>>)
    %mul3A_101 = arith.constant 640 : i32
    %mul3A_102 = arith.muli %arg1, %mul3A_101 : i32
    %add3A_103 = arith.constant 80 : i32
    %add3A_104 = arith.addi %mul3A_102, %add3A_103 : i32
    %dma_wait3A_105 = arith.constant 0 : i32
    %dma_wait3A_106 = tpu.memref_slice %arg7[%add3A_104, %dma_wait3A_105] : memref<10240x128xf32, #tpu.memory_space<vmem_shared>> -> memref<80x128xf32, #tpu.memory_space<vmem_shared>>
    %dma_wait3A_107 = arith.constant 0 : i32
    %dma_wait3A_108 = tpu.memref_slice %arg7[%add3A_104, %dma_wait3A_107] : memref<10240x128xf32, #tpu.memory_space<vmem_shared>> -> memref<80x128xf32, #tpu.memory_space<vmem_shared>>
    tpu.wait_dma2 semaphore(%arg9 : memref<!tpu.dma_semaphore, #tpu.memory_space<semaphore_mem>>) src(%arg6 : memref<80x128xf32, #tpu.memory_space<vmem>>) dst(%dma_wait3A_108 : memref<80x128xf32, #tpu.memory_space<vmem_shared>>)
    %mul3A_109 = arith.constant 640 : i32
    %mul3A_110 = arith.muli %arg1, %mul3A_109 : i32
    %add3A_111 = arith.constant 160 : i32
    %add3A_112 = arith.addi %mul3A_110, %add3A_111 : i32
    %dma_wait3A_113 = arith.constant 0 : i32
    %dma_wait3A_114 = tpu.memref_slice %arg7[%add3A_112, %dma_wait3A_113] : memref<10240x128xf32, #tpu.memory_space<vmem_shared>> -> memref<80x128xf32, #tpu.memory_space<vmem_shared>>
    %dma_wait3A_115 = arith.constant 0 : i32
    %dma_wait3A_116 = tpu.memref_slice %arg7[%add3A_112, %dma_wait3A_115] : memref<10240x128xf32, #tpu.memory_space<vmem_shared>> -> memref<80x128xf32, #tpu.memory_space<vmem_shared>>
    tpu.wait_dma2 semaphore(%arg9 : memref<!tpu.dma_semaphore, #tpu.memory_space<semaphore_mem>>) src(%arg6 : memref<80x128xf32, #tpu.memory_space<vmem>>) dst(%dma_wait3A_116 : memref<80x128xf32, #tpu.memory_space<vmem_shared>>)
    %mul3A_117 = arith.constant 640 : i32
    %mul3A_118 = arith.muli %arg1, %mul3A_117 : i32
    %add3A_119 = arith.constant 240 : i32
    %add3A_120 = arith.addi %mul3A_118, %add3A_119 : i32
    %dma_wait3A_121 = arith.constant 0 : i32
    %dma_wait3A_122 = tpu.memref_slice %arg7[%add3A_120, %dma_wait3A_121] : memref<10240x128xf32, #tpu.memory_space<vmem_shared>> -> memref<80x128xf32, #tpu.memory_space<vmem_shared>>
    %dma_wait3A_123 = arith.constant 0 : i32
    %dma_wait3A_124 = tpu.memref_slice %arg7[%add3A_120, %dma_wait3A_123] : memref<10240x128xf32, #tpu.memory_space<vmem_shared>> -> memref<80x128xf32, #tpu.memory_space<vmem_shared>>
    tpu.wait_dma2 semaphore(%arg9 : memref<!tpu.dma_semaphore, #tpu.memory_space<semaphore_mem>>) src(%arg6 : memref<80x128xf32, #tpu.memory_space<vmem>>) dst(%dma_wait3A_124 : memref<80x128xf32, #tpu.memory_space<vmem_shared>>)
    %mul3A_125 = arith.constant 640 : i32
    %mul3A_126 = arith.muli %arg1, %mul3A_125 : i32
    %add3A_127 = arith.constant 320 : i32
    %add3A_128 = arith.addi %mul3A_126, %add3A_127 : i32
    %dma_wait3A_129 = arith.constant 0 : i32
    %dma_wait3A_130 = tpu.memref_slice %arg7[%add3A_128, %dma_wait3A_129] : memref<10240x128xf32, #tpu.memory_space<vmem_shared>> -> memref<80x128xf32, #tpu.memory_space<vmem_shared>>
    %dma_wait3A_131 = arith.constant 0 : i32
    %dma_wait3A_132 = tpu.memref_slice %arg7[%add3A_128, %dma_wait3A_131] : memref<10240x128xf32, #tpu.memory_space<vmem_shared>> -> memref<80x128xf32, #tpu.memory_space<vmem_shared>>
    tpu.wait_dma2 semaphore(%arg9 : memref<!tpu.dma_semaphore, #tpu.memory_space<semaphore_mem>>) src(%arg6 : memref<80x128xf32, #tpu.memory_space<vmem>>) dst(%dma_wait3A_132 : memref<80x128xf32, #tpu.memory_space<vmem_shared>>)
    %mul3A_133 = arith.constant 640 : i32
    %mul3A_134 = arith.muli %arg1, %mul3A_133 : i32
    %add3A_135 = arith.constant 400 : i32
    %add3A_136 = arith.addi %mul3A_134, %add3A_135 : i32
    %dma_wait3A_137 = arith.constant 0 : i32
    %dma_wait3A_138 = tpu.memref_slice %arg7[%add3A_136, %dma_wait3A_137] : memref<10240x128xf32, #tpu.memory_space<vmem_shared>> -> memref<80x128xf32, #tpu.memory_space<vmem_shared>>
    %dma_wait3A_139 = arith.constant 0 : i32
    %dma_wait3A_140 = tpu.memref_slice %arg7[%add3A_136, %dma_wait3A_139] : memref<10240x128xf32, #tpu.memory_space<vmem_shared>> -> memref<80x128xf32, #tpu.memory_space<vmem_shared>>
    tpu.wait_dma2 semaphore(%arg9 : memref<!tpu.dma_semaphore, #tpu.memory_space<semaphore_mem>>) src(%arg6 : memref<80x128xf32, #tpu.memory_space<vmem>>) dst(%dma_wait3A_140 : memref<80x128xf32, #tpu.memory_space<vmem_shared>>)
    %mul3A_141 = arith.constant 640 : i32
    %mul3A_142 = arith.muli %arg1, %mul3A_141 : i32
    %add3A_143 = arith.constant 480 : i32
    %add3A_144 = arith.addi %mul3A_142, %add3A_143 : i32
    %dma_wait3A_145 = arith.constant 0 : i32
    %dma_wait3A_146 = tpu.memref_slice %arg7[%add3A_144, %dma_wait3A_145] : memref<10240x128xf32, #tpu.memory_space<vmem_shared>> -> memref<80x128xf32, #tpu.memory_space<vmem_shared>>
    %dma_wait3A_147 = arith.constant 0 : i32
    %dma_wait3A_148 = tpu.memref_slice %arg7[%add3A_144, %dma_wait3A_147] : memref<10240x128xf32, #tpu.memory_space<vmem_shared>> -> memref<80x128xf32, #tpu.memory_space<vmem_shared>>
    tpu.wait_dma2 semaphore(%arg9 : memref<!tpu.dma_semaphore, #tpu.memory_space<semaphore_mem>>) src(%arg6 : memref<80x128xf32, #tpu.memory_space<vmem>>) dst(%dma_wait3A_148 : memref<80x128xf32, #tpu.memory_space<vmem_shared>>)
    %mul3A_149 = arith.constant 640 : i32
    %mul3A_150 = arith.muli %arg1, %mul3A_149 : i32
    %add3A_151 = arith.constant 560 : i32
    %add3A_152 = arith.addi %mul3A_150, %add3A_151 : i32
    %dma_wait3A_153 = arith.constant 0 : i32
    %dma_wait3A_154 = tpu.memref_slice %arg7[%add3A_152, %dma_wait3A_153] : memref<10240x128xf32, #tpu.memory_space<vmem_shared>> -> memref<80x128xf32, #tpu.memory_space<vmem_shared>>
    %dma_wait3A_155 = arith.constant 0 : i32
    %dma_wait3A_156 = tpu.memref_slice %arg7[%add3A_152, %dma_wait3A_155] : memref<10240x128xf32, #tpu.memory_space<vmem_shared>> -> memref<80x128xf32, #tpu.memory_space<vmem_shared>>
    tpu.wait_dma2 semaphore(%arg9 : memref<!tpu.dma_semaphore, #tpu.memory_space<semaphore_mem>>) src(%arg6 : memref<80x128xf32, #tpu.memory_space<vmem>>) dst(%dma_wait3A_156 : memref<80x128xf32, #tpu.memory_space<vmem_shared>>)
    %barrier3A = arith.constant 0 : index
    tpu.barrier barrier_id(%barrier3A)
    %dma_start3A_157 = arith.constant 0 : i32
    %dma_start3A_158 = arith.constant 0 : i32
    %dma_start3A_159 = tpu.memref_slice %arg4[%dma_start3A_157, %dma_start3A_158] : memref<125x80xi32, #tpu.memory_space<vmem>> -> memref<1x80xi32, #tpu.memory_space<vmem>>
    %dma_start3A_160 = tpu.memref_squeeze %dma_start3A_159 : memref<1x80xi32, #tpu.memory_space<vmem>> -> memref<80xi32, #tpu.memory_space<vmem>>
    %dma_start3A_161 = arith.constant 0 : i32
    %dma_start3A_162 = arith.constant 0 : i32
    %dma_start3A_163 = tpu.memref_slice %arg7[%dma_start3A_161, %dma_start3A_162] : memref<10240x128xf32, #tpu.memory_space<vmem_shared>> -> memref<10240x128xf32, #tpu.memory_space<vmem_shared>>
    tpu.enqueue_indirect_dma source(%arg5 : memref<80x128xf32, #tpu.memory_space<vmem>>) target(%dma_start3A_163 : memref<10240x128xf32, #tpu.memory_space<vmem_shared>>) offsets(%dma_start3A_160 : memref<80xi32, #tpu.memory_space<vmem>>) semaphore(%arg9 : memref<!tpu.dma_semaphore, #tpu.memory_space<semaphore_mem>>) {add = true}
    %scan3A_164 = arith.constant 0 : i32
    %scan3A_165 = arith.constant 0 : i32
    %scan3A_166 = arith.constant 124 : i32
    %scan3A_167 = arith.addi %scan3A_165, %scan3A_166 : i32
    %scan3A_168 = arith.constant 1 : i32
    scf.for %scan3A_182 = %scan3A_165 to %scan3A_167 step %scan3A_168  : i32 {
      %add3A_183 = arith.constant 1 : i32
      %add3A_184 = arith.addi %scan3A_182, %add3A_183 : i32
      %dma_start3A_185 = arith.constant 0 : i32
      %dma_start3A_186 = tpu.memref_slice %arg4[%add3A_184, %dma_start3A_185] : memref<125x80xi32, #tpu.memory_space<vmem>> -> memref<1x80xi32, #tpu.memory_space<vmem>>
      %dma_start3A_187 = tpu.memref_squeeze %dma_start3A_186 : memref<1x80xi32, #tpu.memory_space<vmem>> -> memref<80xi32, #tpu.memory_space<vmem>>
      %dma_start3A_188 = arith.constant 0 : i32
      %dma_start3A_189 = arith.constant 0 : i32
      %dma_start3A_190 = tpu.memref_slice %arg7[%dma_start3A_188, %dma_start3A_189] : memref<10240x128xf32, #tpu.memory_space<vmem_shared>> -> memref<10240x128xf32, #tpu.memory_space<vmem_shared>>
      tpu.enqueue_indirect_dma source(%arg5 : memref<80x128xf32, #tpu.memory_space<vmem>>) target(%dma_start3A_190 : memref<10240x128xf32, #tpu.memory_space<vmem_shared>>) offsets(%dma_start3A_187 : memref<80xi32, #tpu.memory_space<vmem>>) semaphore(%arg9 : memref<!tpu.dma_semaphore, #tpu.memory_space<semaphore_mem>>) {add = true}
      %dma_wait3A_191 = arith.constant 0 : i32
      %dma_wait3A_192 = tpu.memref_slice %arg4[%scan3A_182, %dma_wait3A_191] : memref<125x80xi32, #tpu.memory_space<vmem>> -> memref<1x80xi32, #tpu.memory_space<vmem>>
      %dma_wait3A_193 = tpu.memref_squeeze %dma_wait3A_192 : memref<1x80xi32, #tpu.memory_space<vmem>> -> memref<80xi32, #tpu.memory_space<vmem>>
      %dma_wait3A_194 = arith.constant 0 : i32
      %dma_wait3A_195 = arith.constant 0 : i32
      %dma_wait3A_196 = tpu.memref_slice %arg7[%dma_wait3A_194, %dma_wait3A_195] : memref<10240x128xf32, #tpu.memory_space<vmem_shared>> -> memref<10240x128xf32, #tpu.memory_space<vmem_shared>>
      tpu.wait_indirect_dma semaphore(%arg9 : memref<!tpu.dma_semaphore, #tpu.memory_space<semaphore_mem>>) src(%arg5 : memref<80x128xf32, #tpu.memory_space<vmem>>) dst(%dma_wait3A_196 : memref<10240x128xf32, #tpu.memory_space<vmem_shared>>)
    }
    %scan3A_169 = arith.constant 124 : i32
    %dma_wait3A_170 = arith.constant 124 : i32
    %dma_wait3A_171 = arith.constant 0 : i32
    %dma_wait3A_172 = tpu.memref_slice %arg4[%dma_wait3A_170, %dma_wait3A_171] : memref<125x80xi32, #tpu.memory_space<vmem>> -> memref<1x80xi32, #tpu.memory_space<vmem>>
    %dma_wait3A_173 = tpu.memref_squeeze %dma_wait3A_172 : memref<1x80xi32, #tpu.memory_space<vmem>> -> memref<80xi32, #tpu.memory_space<vmem>>
    %dma_wait3A_174 = arith.constant 0 : i32
    %dma_wait3A_175 = arith.constant 0 : i32
    %dma_wait3A_176 = tpu.memref_slice %arg7[%dma_wait3A_174, %dma_wait3A_175] : memref<10240x128xf32, #tpu.memory_space<vmem_shared>> -> memref<10240x128xf32, #tpu.memory_space<vmem_shared>>
    tpu.wait_indirect_dma semaphore(%arg9 : memref<!tpu.dma_semaphore, #tpu.memory_space<semaphore_mem>>) src(%arg5 : memref<80x128xf32, #tpu.memory_space<vmem>>) dst(%dma_wait3A_176 : memref<10240x128xf32, #tpu.memory_space<vmem_shared>>)
    %barrier3A_177 = arith.constant 0 : index
    tpu.barrier barrier_id(%barrier3A_177)
    %mul3A_178 = arith.constant 640 : i32
    %mul3A_179 = arith.muli %arg1, %mul3A_178 : i32
    %mul3A_180 = arith.constant 640 : i32
    %mul3A_181 = arith.muli %arg1, %mul3A_180 : i32
    "tpu.region"() ({
      %run_scoped3A = tpu.sem_alloc : memref<!tpu.dma_semaphore, #tpu.memory_space<semaphore_mem>>
      %dma_start3A_182 = arith.constant 0 : i32
      %dma_start3A_183 = tpu.memref_slice %arg3[%arg0, %mul3A_181, %dma_start3A_182] : memref<2x10240x128xf32, #tpu.memory_space<hbm>> -> memref<1x640x128xf32, #tpu.memory_space<hbm>>
      %dma_start3A_184 = tpu.memref_squeeze %dma_start3A_183 : memref<1x640x128xf32, #tpu.memory_space<hbm>> -> memref<640x128xf32, #tpu.memory_space<hbm>>
      %dma_start3A_185 = arith.constant 0 : i32
      %dma_start3A_186 = tpu.memref_slice %arg7[%mul3A_179, %dma_start3A_185] : memref<10240x128xf32, #tpu.memory_space<vmem_shared>> -> memref<640x128xf32, #tpu.memory_space<vmem_shared>>
      tpu.enqueue_dma source(%dma_start3A_186 : memref<640x128xf32, #tpu.memory_space<vmem_shared>>) target(%dma_start3A_184 : memref<640x128xf32, #tpu.memory_space<hbm>>) target_semaphore(%run_scoped3A : memref<!tpu.dma_semaphore, #tpu.memory_space<semaphore_mem>>)
      %dma_wait3A_187 = arith.constant 0 : i32
      %dma_wait3A_188 = tpu.memref_slice %arg3[%arg0, %mul3A_181, %dma_wait3A_187] : memref<2x10240x128xf32, #tpu.memory_space<hbm>> -> memref<1x640x128xf32, #tpu.memory_space<hbm>>
      %dma_wait3A_189 = tpu.memref_squeeze %dma_wait3A_188 : memref<1x640x128xf32, #tpu.memory_space<hbm>> -> memref<640x128xf32, #tpu.memory_space<hbm>>
      %dma_wait3A_190 = arith.constant 0 : i32
      %dma_wait3A_191 = tpu.memref_slice %arg7[%mul3A_179, %dma_wait3A_190] : memref<10240x128xf32, #tpu.memory_space<vmem_shared>> -> memref<640x128xf32, #tpu.memory_space<vmem_shared>>
      tpu.wait_dma2 semaphore(%run_scoped3A : memref<!tpu.dma_semaphore, #tpu.memory_space<semaphore_mem>>) src(%dma_wait3A_191 : memref<640x128xf32, #tpu.memory_space<vmem_shared>>) dst(%dma_wait3A_189 : memref<640x128xf32, #tpu.memory_space<hbm>>)
      tpu.yield
    }) : () -> ()
    return
  }
}

#map = affine_map<(d0, d1) -> (0)>
#map1 = affine_map<(d0, d1) -> (0, 0, 0)>
#map2 = affine_map<(d0, d1) -> (0, 0)>
module attributes {stable_mosaic.version = 14 : i64} {
  func.func @k(%arg0: i32, %arg1: i32, %arg2: memref<320000xi32, #tpu.memory_space<hbm>>, %arg3: memref<32x125x80xi32, #tpu.memory_space<hbm>>, %arg4: memref<10000x128xf32, #tpu.memory_space<hbm>>, %arg5: memref<2x10240x128xf32, #tpu.memory_space<hbm>>, %arg6: memref<10000xi32, #tpu.memory_space<vmem>>, %arg7: memref<125x80xi32, #tpu.memory_space<vmem>>, %arg8: memref<80x128xf32, #tpu.memory_space<vmem>>, %arg9: memref<80x128xf32, #tpu.memory_space<vmem>>, %arg10: memref<10240x128xf32, #tpu.memory_space<vmem_shared>>, %arg11: memref<!tpu.dma_semaphore, #tpu.memory_space<semaphore_mem>>, %arg12: memref<!tpu.dma_semaphore, #tpu.memory_space<semaphore_mem>>, %arg13: memref<!tpu.dma_semaphore, #tpu.memory_space<semaphore_mem>>) attributes {dimension_semantics = [#tpu.dimension_semantics<core_parallel>, #tpu.dimension_semantics<subcore_parallel>], iteration_bounds = array<i64: 2, 16>, scalar_prefetch = 0 : i64, scratch_operands = 8 : i64, tpu.core_type = #tpu.core_type<sc_vector_subcore>, window_params = [{transform_indices = #map}, {transform_indices = #map1}, {transform_indices = #map2}, {transform_indices = #map1}]} {
    %mul3A = arith.constant 2 : i32
    %mul3A_0 = arith.muli %arg1, %mul3A : i32
    %add3A = arith.addi %mul3A_0, %arg0 : i32
    %mul3A_1 = arith.constant 10000 : i32
    %mul3A_2 = arith.muli %add3A, %mul3A_1 : i32
    %dma_start3A = tpu.memref_slice %arg2[%mul3A_2] : memref<320000xi32, #tpu.memory_space<hbm>> -> memref<10000xi32, #tpu.memory_space<hbm>>
    %dma_start3A_3 = tpu.memref_slice %arg2[%mul3A_2] : memref<320000xi32, #tpu.memory_space<hbm>> -> memref<10000xi32, #tpu.memory_space<hbm>>
    tpu.enqueue_dma source(%dma_start3A_3 : memref<10000xi32, #tpu.memory_space<hbm>>) target(%arg6 : memref<10000xi32, #tpu.memory_space<vmem>>) target_semaphore(%arg11 : memref<!tpu.dma_semaphore, #tpu.memory_space<semaphore_mem>>)
    %dma_start3A_4 = arith.constant 0 : i32
    %dma_start3A_5 = arith.constant 0 : i32
    %dma_start3A_6 = tpu.memref_slice %arg3[%add3A, %dma_start3A_4, %dma_start3A_5] : memref<32x125x80xi32, #tpu.memory_space<hbm>> -> memref<1x125x80xi32, #tpu.memory_space<hbm>>
    %dma_start3A_7 = tpu.memref_squeeze %dma_start3A_6 : memref<1x125x80xi32, #tpu.memory_space<hbm>> -> memref<125x80xi32, #tpu.memory_space<hbm>>
    %dma_start3A_8 = arith.constant 0 : i32
    %dma_start3A_9 = arith.constant 0 : i32
    %dma_start3A_10 = tpu.memref_slice %arg3[%add3A, %dma_start3A_8, %dma_start3A_9] : memref<32x125x80xi32, #tpu.memory_space<hbm>> -> memref<1x125x80xi32, #tpu.memory_space<hbm>>
    %dma_start3A_11 = tpu.memref_squeeze %dma_start3A_10 : memref<1x125x80xi32, #tpu.memory_space<hbm>> -> memref<125x80xi32, #tpu.memory_space<hbm>>
    tpu.enqueue_dma source(%dma_start3A_11 : memref<125x80xi32, #tpu.memory_space<hbm>>) target(%arg7 : memref<125x80xi32, #tpu.memory_space<vmem>>) target_semaphore(%arg12 : memref<!tpu.dma_semaphore, #tpu.memory_space<semaphore_mem>>)
    %broadcast_in_dim3A = arith.constant 0.000000e+00 : f32
    %broadcast_in_dim3A_12 = vector.broadcast %broadcast_in_dim3A : f32 to vector<16xf32>
    %scan3A = arith.constant 0 : i32
    %scan3A_13 = arith.constant 0 : i32
    %scan3A_14 = arith.constant 80 : i32
    %scan3A_15 = arith.addi %scan3A_13, %scan3A_14 : i32
    %scan3A_16 = arith.constant 1 : i32
    scf.for %scan3A_200 = %scan3A_13 to %scan3A_15 step %scan3A_16  : i32 {
      %swap3A = arith.index_cast %scan3A_200 : i32 to index
      %swap3A_201 = arith.constant 0 : index
      %swap3A_202 = tpu.vector_load %arg8[%swap3A, %swap3A_201] {strides = array<i32>} : memref<80x128xf32, #tpu.memory_space<vmem>>, vector<1x16xf32>,
      %swap3A_203 = vector.shape_cast %swap3A_202 : vector<1x16xf32> to vector<16xf32>
      %swap3A_204 = vector.shape_cast %broadcast_in_dim3A_12 : vector<16xf32> to vector<1x16xf32>
      tpu.vector_store %arg8[%swap3A, %swap3A_201], %swap3A_204 {strides = array<i32>} : memref<80x128xf32, #tpu.memory_space<vmem>>, vector<1x16xf32>,
      %swap3A_205 = arith.index_cast %scan3A_200 : i32 to index
      %swap3A_206 = arith.constant 16 : index
      %swap3A_207 = tpu.vector_load %arg8[%swap3A_205, %swap3A_206] {strides = array<i32>} : memref<80x128xf32, #tpu.memory_space<vmem>>, vector<1x16xf32>,
      %swap3A_208 = vector.shape_cast %swap3A_207 : vector<1x16xf32> to vector<16xf32>
      %swap3A_209 = vector.shape_cast %broadcast_in_dim3A_12 : vector<16xf32> to vector<1x16xf32>
      tpu.vector_store %arg8[%swap3A_205, %swap3A_206], %swap3A_209 {strides = array<i32>} : memref<80x128xf32, #tpu.memory_space<vmem>>, vector<1x16xf32>,
      %swap3A_210 = arith.index_cast %scan3A_200 : i32 to index
      %swap3A_211 = arith.constant 32 : index
      %swap3A_212 = tpu.vector_load %arg8[%swap3A_210, %swap3A_211] {strides = array<i32>} : memref<80x128xf32, #tpu.memory_space<vmem>>, vector<1x16xf32>,
      %swap3A_213 = vector.shape_cast %swap3A_212 : vector<1x16xf32> to vector<16xf32>
      %swap3A_214 = vector.shape_cast %broadcast_in_dim3A_12 : vector<16xf32> to vector<1x16xf32>
      tpu.vector_store %arg8[%swap3A_210, %swap3A_211], %swap3A_214 {strides = array<i32>} : memref<80x128xf32, #tpu.memory_space<vmem>>, vector<1x16xf32>,
      %swap3A_215 = arith.index_cast %scan3A_200 : i32 to index
      %swap3A_216 = arith.constant 48 : index
      %swap3A_217 = tpu.vector_load %arg8[%swap3A_215, %swap3A_216] {strides = array<i32>} : memref<80x128xf32, #tpu.memory_space<vmem>>, vector<1x16xf32>,
      %swap3A_218 = vector.shape_cast %swap3A_217 : vector<1x16xf32> to vector<16xf32>
      %swap3A_219 = vector.shape_cast %broadcast_in_dim3A_12 : vector<16xf32> to vector<1x16xf32>
      tpu.vector_store %arg8[%swap3A_215, %swap3A_216], %swap3A_219 {strides = array<i32>} : memref<80x128xf32, #tpu.memory_space<vmem>>, vector<1x16xf32>,
      %swap3A_220 = arith.index_cast %scan3A_200 : i32 to index
      %swap3A_221 = arith.constant 64 : index
      %swap3A_222 = tpu.vector_load %arg8[%swap3A_220, %swap3A_221] {strides = array<i32>} : memref<80x128xf32, #tpu.memory_space<vmem>>, vector<1x16xf32>,
      %swap3A_223 = vector.shape_cast %swap3A_222 : vector<1x16xf32> to vector<16xf32>
      %swap3A_224 = vector.shape_cast %broadcast_in_dim3A_12 : vector<16xf32> to vector<1x16xf32>
      tpu.vector_store %arg8[%swap3A_220, %swap3A_221], %swap3A_224 {strides = array<i32>} : memref<80x128xf32, #tpu.memory_space<vmem>>, vector<1x16xf32>,
      %swap3A_225 = arith.index_cast %scan3A_200 : i32 to index
      %swap3A_226 = arith.constant 80 : index
      %swap3A_227 = tpu.vector_load %arg8[%swap3A_225, %swap3A_226] {strides = array<i32>} : memref<80x128xf32, #tpu.memory_space<vmem>>, vector<1x16xf32>,
      %swap3A_228 = vector.shape_cast %swap3A_227 : vector<1x16xf32> to vector<16xf32>
      %swap3A_229 = vector.shape_cast %broadcast_in_dim3A_12 : vector<16xf32> to vector<1x16xf32>
      tpu.vector_store %arg8[%swap3A_225, %swap3A_226], %swap3A_229 {strides = array<i32>} : memref<80x128xf32, #tpu.memory_space<vmem>>, vector<1x16xf32>,
      %swap3A_230 = arith.index_cast %scan3A_200 : i32 to index
      %swap3A_231 = arith.constant 96 : index
      %swap3A_232 = tpu.vector_load %arg8[%swap3A_230, %swap3A_231] {strides = array<i32>} : memref<80x128xf32, #tpu.memory_space<vmem>>, vector<1x16xf32>,
      %swap3A_233 = vector.shape_cast %swap3A_232 : vector<1x16xf32> to vector<16xf32>
      %swap3A_234 = vector.shape_cast %broadcast_in_dim3A_12 : vector<16xf32> to vector<1x16xf32>
      tpu.vector_store %arg8[%swap3A_230, %swap3A_231], %swap3A_234 {strides = array<i32>} : memref<80x128xf32, #tpu.memory_space<vmem>>, vector<1x16xf32>,
      %swap3A_235 = arith.index_cast %scan3A_200 : i32 to index
      %swap3A_236 = arith.constant 112 : index
      %swap3A_237 = tpu.vector_load %arg8[%swap3A_235, %swap3A_236] {strides = array<i32>} : memref<80x128xf32, #tpu.memory_space<vmem>>, vector<1x16xf32>,
      %swap3A_238 = vector.shape_cast %swap3A_237 : vector<1x16xf32> to vector<16xf32>
      %swap3A_239 = vector.shape_cast %broadcast_in_dim3A_12 : vector<16xf32> to vector<1x16xf32>
      tpu.vector_store %arg8[%swap3A_235, %swap3A_236], %swap3A_239 {strides = array<i32>} : memref<80x128xf32, #tpu.memory_space<vmem>>, vector<1x16xf32>,
    }
    %scan3A_17 = arith.constant 80 : i32
    %mul3A_18 = arith.constant 640 : i32
    %mul3A_19 = arith.muli %arg1, %mul3A_18 : i32
    %add3A_20 = arith.constant 0 : i32
    %add3A_21 = arith.addi %mul3A_19, %add3A_20 : i32
    %dma_start3A_22 = arith.constant 0 : i32
    %dma_start3A_23 = tpu.memref_slice %arg10[%add3A_21, %dma_start3A_22] : memref<10240x128xf32, #tpu.memory_space<vmem_shared>> -> memref<80x128xf32, #tpu.memory_space<vmem_shared>>
    %dma_start3A_24 = arith.constant 0 : i32
    %dma_start3A_25 = tpu.memref_slice %arg10[%add3A_21, %dma_start3A_24] : memref<10240x128xf32, #tpu.memory_space<vmem_shared>> -> memref<80x128xf32, #tpu.memory_space<vmem_shared>>
    tpu.enqueue_dma source(%arg8 : memref<80x128xf32, #tpu.memory_space<vmem>>) target(%dma_start3A_25 : memref<80x128xf32, #tpu.memory_space<vmem_shared>>) target_semaphore(%arg13 : memref<!tpu.dma_semaphore, #tpu.memory_space<semaphore_mem>>)
    %mul3A_26 = arith.constant 640 : i32
    %mul3A_27 = arith.muli %arg1, %mul3A_26 : i32
    %add3A_28 = arith.constant 80 : i32
    %add3A_29 = arith.addi %mul3A_27, %add3A_28 : i32
    %dma_start3A_30 = arith.constant 0 : i32
    %dma_start3A_31 = tpu.memref_slice %arg10[%add3A_29, %dma_start3A_30] : memref<10240x128xf32, #tpu.memory_space<vmem_shared>> -> memref<80x128xf32, #tpu.memory_space<vmem_shared>>
    %dma_start3A_32 = arith.constant 0 : i32
    %dma_start3A_33 = tpu.memref_slice %arg10[%add3A_29, %dma_start3A_32] : memref<10240x128xf32, #tpu.memory_space<vmem_shared>> -> memref<80x128xf32, #tpu.memory_space<vmem_shared>>
    tpu.enqueue_dma source(%arg8 : memref<80x128xf32, #tpu.memory_space<vmem>>) target(%dma_start3A_33 : memref<80x128xf32, #tpu.memory_space<vmem_shared>>) target_semaphore(%arg13 : memref<!tpu.dma_semaphore, #tpu.memory_space<semaphore_mem>>)
    %mul3A_34 = arith.constant 640 : i32
    %mul3A_35 = arith.muli %arg1, %mul3A_34 : i32
    %add3A_36 = arith.constant 160 : i32
    %add3A_37 = arith.addi %mul3A_35, %add3A_36 : i32
    %dma_start3A_38 = arith.constant 0 : i32
    %dma_start3A_39 = tpu.memref_slice %arg10[%add3A_37, %dma_start3A_38] : memref<10240x128xf32, #tpu.memory_space<vmem_shared>> -> memref<80x128xf32, #tpu.memory_space<vmem_shared>>
    %dma_start3A_40 = arith.constant 0 : i32
    %dma_start3A_41 = tpu.memref_slice %arg10[%add3A_37, %dma_start3A_40] : memref<10240x128xf32, #tpu.memory_space<vmem_shared>> -> memref<80x128xf32, #tpu.memory_space<vmem_shared>>
    tpu.enqueue_dma source(%arg8 : memref<80x128xf32, #tpu.memory_space<vmem>>) target(%dma_start3A_41 : memref<80x128xf32, #tpu.memory_space<vmem_shared>>) target_semaphore(%arg13 : memref<!tpu.dma_semaphore, #tpu.memory_space<semaphore_mem>>)
    %mul3A_42 = arith.constant 640 : i32
    %mul3A_43 = arith.muli %arg1, %mul3A_42 : i32
    %add3A_44 = arith.constant 240 : i32
    %add3A_45 = arith.addi %mul3A_43, %add3A_44 : i32
    %dma_start3A_46 = arith.constant 0 : i32
    %dma_start3A_47 = tpu.memref_slice %arg10[%add3A_45, %dma_start3A_46] : memref<10240x128xf32, #tpu.memory_space<vmem_shared>> -> memref<80x128xf32, #tpu.memory_space<vmem_shared>>
    %dma_start3A_48 = arith.constant 0 : i32
    %dma_start3A_49 = tpu.memref_slice %arg10[%add3A_45, %dma_start3A_48] : memref<10240x128xf32, #tpu.memory_space<vmem_shared>> -> memref<80x128xf32, #tpu.memory_space<vmem_shared>>
    tpu.enqueue_dma source(%arg8 : memref<80x128xf32, #tpu.memory_space<vmem>>) target(%dma_start3A_49 : memref<80x128xf32, #tpu.memory_space<vmem_shared>>) target_semaphore(%arg13 : memref<!tpu.dma_semaphore, #tpu.memory_space<semaphore_mem>>)
    %mul3A_50 = arith.constant 640 : i32
    %mul3A_51 = arith.muli %arg1, %mul3A_50 : i32
    %add3A_52 = arith.constant 320 : i32
    %add3A_53 = arith.addi %mul3A_51, %add3A_52 : i32
    %dma_start3A_54 = arith.constant 0 : i32
    %dma_start3A_55 = tpu.memref_slice %arg10[%add3A_53, %dma_start3A_54] : memref<10240x128xf32, #tpu.memory_space<vmem_shared>> -> memref<80x128xf32, #tpu.memory_space<vmem_shared>>
    %dma_start3A_56 = arith.constant 0 : i32
    %dma_start3A_57 = tpu.memref_slice %arg10[%add3A_53, %dma_start3A_56] : memref<10240x128xf32, #tpu.memory_space<vmem_shared>> -> memref<80x128xf32, #tpu.memory_space<vmem_shared>>
    tpu.enqueue_dma source(%arg8 : memref<80x128xf32, #tpu.memory_space<vmem>>) target(%dma_start3A_57 : memref<80x128xf32, #tpu.memory_space<vmem_shared>>) target_semaphore(%arg13 : memref<!tpu.dma_semaphore, #tpu.memory_space<semaphore_mem>>)
    %mul3A_58 = arith.constant 640 : i32
    %mul3A_59 = arith.muli %arg1, %mul3A_58 : i32
    %add3A_60 = arith.constant 400 : i32
    %add3A_61 = arith.addi %mul3A_59, %add3A_60 : i32
    %dma_start3A_62 = arith.constant 0 : i32
    %dma_start3A_63 = tpu.memref_slice %arg10[%add3A_61, %dma_start3A_62] : memref<10240x128xf32, #tpu.memory_space<vmem_shared>> -> memref<80x128xf32, #tpu.memory_space<vmem_shared>>
    %dma_start3A_64 = arith.constant 0 : i32
    %dma_start3A_65 = tpu.memref_slice %arg10[%add3A_61, %dma_start3A_64] : memref<10240x128xf32, #tpu.memory_space<vmem_shared>> -> memref<80x128xf32, #tpu.memory_space<vmem_shared>>
    tpu.enqueue_dma source(%arg8 : memref<80x128xf32, #tpu.memory_space<vmem>>) target(%dma_start3A_65 : memref<80x128xf32, #tpu.memory_space<vmem_shared>>) target_semaphore(%arg13 : memref<!tpu.dma_semaphore, #tpu.memory_space<semaphore_mem>>)
    %mul3A_66 = arith.constant 640 : i32
    %mul3A_67 = arith.muli %arg1, %mul3A_66 : i32
    %add3A_68 = arith.constant 480 : i32
    %add3A_69 = arith.addi %mul3A_67, %add3A_68 : i32
    %dma_start3A_70 = arith.constant 0 : i32
    %dma_start3A_71 = tpu.memref_slice %arg10[%add3A_69, %dma_start3A_70] : memref<10240x128xf32, #tpu.memory_space<vmem_shared>> -> memref<80x128xf32, #tpu.memory_space<vmem_shared>>
    %dma_start3A_72 = arith.constant 0 : i32
    %dma_start3A_73 = tpu.memref_slice %arg10[%add3A_69, %dma_start3A_72] : memref<10240x128xf32, #tpu.memory_space<vmem_shared>> -> memref<80x128xf32, #tpu.memory_space<vmem_shared>>
    tpu.enqueue_dma source(%arg8 : memref<80x128xf32, #tpu.memory_space<vmem>>) target(%dma_start3A_73 : memref<80x128xf32, #tpu.memory_space<vmem_shared>>) target_semaphore(%arg13 : memref<!tpu.dma_semaphore, #tpu.memory_space<semaphore_mem>>)
    %mul3A_74 = arith.constant 640 : i32
    %mul3A_75 = arith.muli %arg1, %mul3A_74 : i32
    %add3A_76 = arith.constant 560 : i32
    %add3A_77 = arith.addi %mul3A_75, %add3A_76 : i32
    %dma_start3A_78 = arith.constant 0 : i32
    %dma_start3A_79 = tpu.memref_slice %arg10[%add3A_77, %dma_start3A_78] : memref<10240x128xf32, #tpu.memory_space<vmem_shared>> -> memref<80x128xf32, #tpu.memory_space<vmem_shared>>
    %dma_start3A_80 = arith.constant 0 : i32
    %dma_start3A_81 = tpu.memref_slice %arg10[%add3A_77, %dma_start3A_80] : memref<10240x128xf32, #tpu.memory_space<vmem_shared>> -> memref<80x128xf32, #tpu.memory_space<vmem_shared>>
    tpu.enqueue_dma source(%arg8 : memref<80x128xf32, #tpu.memory_space<vmem>>) target(%dma_start3A_81 : memref<80x128xf32, #tpu.memory_space<vmem_shared>>) target_semaphore(%arg13 : memref<!tpu.dma_semaphore, #tpu.memory_space<semaphore_mem>>)
    %mul3A_82 = arith.constant 10000 : i32
    %mul3A_83 = arith.muli %add3A, %mul3A_82 : i32
    %dma_wait3A = tpu.memref_slice %arg2[%mul3A_83] : memref<320000xi32, #tpu.memory_space<hbm>> -> memref<10000xi32, #tpu.memory_space<hbm>>
    %dma_wait3A_84 = tpu.memref_slice %arg2[%mul3A_83] : memref<320000xi32, #tpu.memory_space<hbm>> -> memref<10000xi32, #tpu.memory_space<hbm>>
    tpu.wait_dma2 semaphore(%arg11 : memref<!tpu.dma_semaphore, #tpu.memory_space<semaphore_mem>>) src(%dma_wait3A_84 : memref<10000xi32, #tpu.memory_space<hbm>>) dst(%arg6 : memref<10000xi32, #tpu.memory_space<vmem>>)
    %dma_wait3A_85 = arith.constant 0 : i32
    %dma_wait3A_86 = arith.constant 0 : i32
    %dma_wait3A_87 = tpu.memref_slice %arg3[%add3A, %dma_wait3A_85, %dma_wait3A_86] : memref<32x125x80xi32, #tpu.memory_space<hbm>> -> memref<1x125x80xi32, #tpu.memory_space<hbm>>
    %dma_wait3A_88 = tpu.memref_squeeze %dma_wait3A_87 : memref<1x125x80xi32, #tpu.memory_space<hbm>> -> memref<125x80xi32, #tpu.memory_space<hbm>>
    %dma_wait3A_89 = arith.constant 0 : i32
    %dma_wait3A_90 = arith.constant 0 : i32
    %dma_wait3A_91 = tpu.memref_slice %arg3[%add3A, %dma_wait3A_89, %dma_wait3A_90] : memref<32x125x80xi32, #tpu.memory_space<hbm>> -> memref<1x125x80xi32, #tpu.memory_space<hbm>>
    %dma_wait3A_92 = tpu.memref_squeeze %dma_wait3A_91 : memref<1x125x80xi32, #tpu.memory_space<hbm>> -> memref<125x80xi32, #tpu.memory_space<hbm>>
    tpu.wait_dma2 semaphore(%arg12 : memref<!tpu.dma_semaphore, #tpu.memory_space<semaphore_mem>>) src(%dma_wait3A_92 : memref<125x80xi32, #tpu.memory_space<hbm>>) dst(%arg7 : memref<125x80xi32, #tpu.memory_space<vmem>>)
    %mul3A_93 = arith.constant 640 : i32
    %mul3A_94 = arith.muli %arg1, %mul3A_93 : i32
    %add3A_95 = arith.constant 0 : i32
    %add3A_96 = arith.addi %mul3A_94, %add3A_95 : i32
    %dma_wait3A_97 = arith.constant 0 : i32
    %dma_wait3A_98 = tpu.memref_slice %arg10[%add3A_96, %dma_wait3A_97] : memref<10240x128xf32, #tpu.memory_space<vmem_shared>> -> memref<80x128xf32, #tpu.memory_space<vmem_shared>>
    %dma_wait3A_99 = arith.constant 0 : i32
    %dma_wait3A_100 = tpu.memref_slice %arg10[%add3A_96, %dma_wait3A_99] : memref<10240x128xf32, #tpu.memory_space<vmem_shared>> -> memref<80x128xf32, #tpu.memory_space<vmem_shared>>
    tpu.wait_dma2 semaphore(%arg13 : memref<!tpu.dma_semaphore, #tpu.memory_space<semaphore_mem>>) src(%arg8 : memref<80x128xf32, #tpu.memory_space<vmem>>) dst(%dma_wait3A_100 : memref<80x128xf32, #tpu.memory_space<vmem_shared>>)
    %mul3A_101 = arith.constant 640 : i32
    %mul3A_102 = arith.muli %arg1, %mul3A_101 : i32
    %add3A_103 = arith.constant 80 : i32
    %add3A_104 = arith.addi %mul3A_102, %add3A_103 : i32
    %dma_wait3A_105 = arith.constant 0 : i32
    %dma_wait3A_106 = tpu.memref_slice %arg10[%add3A_104, %dma_wait3A_105] : memref<10240x128xf32, #tpu.memory_space<vmem_shared>> -> memref<80x128xf32, #tpu.memory_space<vmem_shared>>
    %dma_wait3A_107 = arith.constant 0 : i32
    %dma_wait3A_108 = tpu.memref_slice %arg10[%add3A_104, %dma_wait3A_107] : memref<10240x128xf32, #tpu.memory_space<vmem_shared>> -> memref<80x128xf32, #tpu.memory_space<vmem_shared>>
    tpu.wait_dma2 semaphore(%arg13 : memref<!tpu.dma_semaphore, #tpu.memory_space<semaphore_mem>>) src(%arg8 : memref<80x128xf32, #tpu.memory_space<vmem>>) dst(%dma_wait3A_108 : memref<80x128xf32, #tpu.memory_space<vmem_shared>>)
    %mul3A_109 = arith.constant 640 : i32
    %mul3A_110 = arith.muli %arg1, %mul3A_109 : i32
    %add3A_111 = arith.constant 160 : i32
    %add3A_112 = arith.addi %mul3A_110, %add3A_111 : i32
    %dma_wait3A_113 = arith.constant 0 : i32
    %dma_wait3A_114 = tpu.memref_slice %arg10[%add3A_112, %dma_wait3A_113] : memref<10240x128xf32, #tpu.memory_space<vmem_shared>> -> memref<80x128xf32, #tpu.memory_space<vmem_shared>>
    %dma_wait3A_115 = arith.constant 0 : i32
    %dma_wait3A_116 = tpu.memref_slice %arg10[%add3A_112, %dma_wait3A_115] : memref<10240x128xf32, #tpu.memory_space<vmem_shared>> -> memref<80x128xf32, #tpu.memory_space<vmem_shared>>
    tpu.wait_dma2 semaphore(%arg13 : memref<!tpu.dma_semaphore, #tpu.memory_space<semaphore_mem>>) src(%arg8 : memref<80x128xf32, #tpu.memory_space<vmem>>) dst(%dma_wait3A_116 : memref<80x128xf32, #tpu.memory_space<vmem_shared>>)
    %mul3A_117 = arith.constant 640 : i32
    %mul3A_118 = arith.muli %arg1, %mul3A_117 : i32
    %add3A_119 = arith.constant 240 : i32
    %add3A_120 = arith.addi %mul3A_118, %add3A_119 : i32
    %dma_wait3A_121 = arith.constant 0 : i32
    %dma_wait3A_122 = tpu.memref_slice %arg10[%add3A_120, %dma_wait3A_121] : memref<10240x128xf32, #tpu.memory_space<vmem_shared>> -> memref<80x128xf32, #tpu.memory_space<vmem_shared>>
    %dma_wait3A_123 = arith.constant 0 : i32
    %dma_wait3A_124 = tpu.memref_slice %arg10[%add3A_120, %dma_wait3A_123] : memref<10240x128xf32, #tpu.memory_space<vmem_shared>> -> memref<80x128xf32, #tpu.memory_space<vmem_shared>>
    tpu.wait_dma2 semaphore(%arg13 : memref<!tpu.dma_semaphore, #tpu.memory_space<semaphore_mem>>) src(%arg8 : memref<80x128xf32, #tpu.memory_space<vmem>>) dst(%dma_wait3A_124 : memref<80x128xf32, #tpu.memory_space<vmem_shared>>)
    %mul3A_125 = arith.constant 640 : i32
    %mul3A_126 = arith.muli %arg1, %mul3A_125 : i32
    %add3A_127 = arith.constant 320 : i32
    %add3A_128 = arith.addi %mul3A_126, %add3A_127 : i32
    %dma_wait3A_129 = arith.constant 0 : i32
    %dma_wait3A_130 = tpu.memref_slice %arg10[%add3A_128, %dma_wait3A_129] : memref<10240x128xf32, #tpu.memory_space<vmem_shared>> -> memref<80x128xf32, #tpu.memory_space<vmem_shared>>
    %dma_wait3A_131 = arith.constant 0 : i32
    %dma_wait3A_132 = tpu.memref_slice %arg10[%add3A_128, %dma_wait3A_131] : memref<10240x128xf32, #tpu.memory_space<vmem_shared>> -> memref<80x128xf32, #tpu.memory_space<vmem_shared>>
    tpu.wait_dma2 semaphore(%arg13 : memref<!tpu.dma_semaphore, #tpu.memory_space<semaphore_mem>>) src(%arg8 : memref<80x128xf32, #tpu.memory_space<vmem>>) dst(%dma_wait3A_132 : memref<80x128xf32, #tpu.memory_space<vmem_shared>>)
    %mul3A_133 = arith.constant 640 : i32
    %mul3A_134 = arith.muli %arg1, %mul3A_133 : i32
    %add3A_135 = arith.constant 400 : i32
    %add3A_136 = arith.addi %mul3A_134, %add3A_135 : i32
    %dma_wait3A_137 = arith.constant 0 : i32
    %dma_wait3A_138 = tpu.memref_slice %arg10[%add3A_136, %dma_wait3A_137] : memref<10240x128xf32, #tpu.memory_space<vmem_shared>> -> memref<80x128xf32, #tpu.memory_space<vmem_shared>>
    %dma_wait3A_139 = arith.constant 0 : i32
    %dma_wait3A_140 = tpu.memref_slice %arg10[%add3A_136, %dma_wait3A_139] : memref<10240x128xf32, #tpu.memory_space<vmem_shared>> -> memref<80x128xf32, #tpu.memory_space<vmem_shared>>
    tpu.wait_dma2 semaphore(%arg13 : memref<!tpu.dma_semaphore, #tpu.memory_space<semaphore_mem>>) src(%arg8 : memref<80x128xf32, #tpu.memory_space<vmem>>) dst(%dma_wait3A_140 : memref<80x128xf32, #tpu.memory_space<vmem_shared>>)
    %mul3A_141 = arith.constant 640 : i32
    %mul3A_142 = arith.muli %arg1, %mul3A_141 : i32
    %add3A_143 = arith.constant 480 : i32
    %add3A_144 = arith.addi %mul3A_142, %add3A_143 : i32
    %dma_wait3A_145 = arith.constant 0 : i32
    %dma_wait3A_146 = tpu.memref_slice %arg10[%add3A_144, %dma_wait3A_145] : memref<10240x128xf32, #tpu.memory_space<vmem_shared>> -> memref<80x128xf32, #tpu.memory_space<vmem_shared>>
    %dma_wait3A_147 = arith.constant 0 : i32
    %dma_wait3A_148 = tpu.memref_slice %arg10[%add3A_144, %dma_wait3A_147] : memref<10240x128xf32, #tpu.memory_space<vmem_shared>> -> memref<80x128xf32, #tpu.memory_space<vmem_shared>>
    tpu.wait_dma2 semaphore(%arg13 : memref<!tpu.dma_semaphore, #tpu.memory_space<semaphore_mem>>) src(%arg8 : memref<80x128xf32, #tpu.memory_space<vmem>>) dst(%dma_wait3A_148 : memref<80x128xf32, #tpu.memory_space<vmem_shared>>)
    %mul3A_149 = arith.constant 640 : i32
    %mul3A_150 = arith.muli %arg1, %mul3A_149 : i32
    %add3A_151 = arith.constant 560 : i32
    %add3A_152 = arith.addi %mul3A_150, %add3A_151 : i32
    %dma_wait3A_153 = arith.constant 0 : i32
    %dma_wait3A_154 = tpu.memref_slice %arg10[%add3A_152, %dma_wait3A_153] : memref<10240x128xf32, #tpu.memory_space<vmem_shared>> -> memref<80x128xf32, #tpu.memory_space<vmem_shared>>
    %dma_wait3A_155 = arith.constant 0 : i32
    %dma_wait3A_156 = tpu.memref_slice %arg10[%add3A_152, %dma_wait3A_155] : memref<10240x128xf32, #tpu.memory_space<vmem_shared>> -> memref<80x128xf32, #tpu.memory_space<vmem_shared>>
    tpu.wait_dma2 semaphore(%arg13 : memref<!tpu.dma_semaphore, #tpu.memory_space<semaphore_mem>>) src(%arg8 : memref<80x128xf32, #tpu.memory_space<vmem>>) dst(%dma_wait3A_156 : memref<80x128xf32, #tpu.memory_space<vmem_shared>>)
    %barrier3A = arith.constant 0 : index
    tpu.barrier barrier_id(%barrier3A)
    %dma_start3A_157 = arith.constant 0 : i32
    %dma_start3A_158 = arith.constant 0 : i32
    %dma_start3A_159 = tpu.memref_slice %arg8[%dma_start3A_157, %dma_start3A_158] : memref<80x128xf32, #tpu.memory_space<vmem>> -> memref<40x128xf32, #tpu.memory_space<vmem>>
    %dma_start3A_160 = arith.constant 0 : i32
    %dma_start3A_161 = tpu.memref_slice %arg6[%dma_start3A_160] : memref<10000xi32, #tpu.memory_space<vmem>> -> memref<40xi32, #tpu.memory_space<vmem>>
    %dma_start3A_162 = arith.constant 0 : i32
    %dma_start3A_163 = arith.constant 0 : i32
    %dma_start3A_164 = tpu.memref_slice %arg4[%dma_start3A_162, %dma_start3A_163] : memref<10000x128xf32, #tpu.memory_space<hbm>> -> memref<10000x128xf32, #tpu.memory_space<hbm>>
    tpu.enqueue_indirect_dma source(%dma_start3A_164 : memref<10000x128xf32, #tpu.memory_space<hbm>>) target(%dma_start3A_159 : memref<40x128xf32, #tpu.memory_space<vmem>>) offsets(%dma_start3A_161 : memref<40xi32, #tpu.memory_space<vmem>>) semaphore(%arg11 : memref<!tpu.dma_semaphore, #tpu.memory_space<semaphore_mem>>)
    %dma_start3A_165 = arith.constant 40 : i32
    %dma_start3A_166 = arith.constant 0 : i32
    %dma_start3A_167 = tpu.memref_slice %arg8[%dma_start3A_165, %dma_start3A_166] : memref<80x128xf32, #tpu.memory_space<vmem>> -> memref<40x128xf32, #tpu.memory_space<vmem>>
    %dma_start3A_168 = arith.constant 40 : i32
    %dma_start3A_169 = tpu.memref_slice %arg6[%dma_start3A_168] : memref<10000xi32, #tpu.memory_space<vmem>> -> memref<40xi32, #tpu.memory_space<vmem>>
    %dma_start3A_170 = arith.constant 0 : i32
    %dma_start3A_171 = arith.constant 0 : i32
    %dma_start3A_172 = tpu.memref_slice %arg4[%dma_start3A_170, %dma_start3A_171] : memref<10000x128xf32, #tpu.memory_space<hbm>> -> memref<10000x128xf32, #tpu.memory_space<hbm>>
    tpu.enqueue_indirect_dma source(%dma_start3A_172 : memref<10000x128xf32, #tpu.memory_space<hbm>>) target(%dma_start3A_167 : memref<40x128xf32, #tpu.memory_space<vmem>>) offsets(%dma_start3A_169 : memref<40xi32, #tpu.memory_space<vmem>>) semaphore(%arg11 : memref<!tpu.dma_semaphore, #tpu.memory_space<semaphore_mem>>)
    %scan3A_173 = arith.constant 0 : i32
    %scan3A_174 = arith.constant 0 : i32
    %scan3A_175 = arith.constant 62 : i32
    %scan3A_176 = arith.addi %scan3A_174, %scan3A_175 : i32
    %scan3A_177 = arith.constant 1 : i32
    scf.for %scan3A_200 = %scan3A_174 to %scan3A_176 step %scan3A_177  : i32 {
      %mul3A_201 = arith.constant 2 : i32
      %mul3A_202 = arith.muli %mul3A_201, %scan3A_200 : i32
      %mul3A_203 = arith.constant 80 : i32
      %mul3A_204 = arith.muli %mul3A_202, %mul3A_203 : i32
      %dma_wait3A_205 = arith.constant 0 : i32
      %dma_wait3A_206 = arith.constant 0 : i32
      %dma_wait3A_207 = tpu.memref_slice %arg8[%dma_wait3A_205, %dma_wait3A_206] : memref<80x128xf32, #tpu.memory_space<vmem>> -> memref<40x128xf32, #tpu.memory_space<vmem>>
      %dma_wait3A_208 = tpu.memref_slice %arg6[%mul3A_204] : memref<10000xi32, #tpu.memory_space<vmem>> -> memref<40xi32, #tpu.memory_space<vmem>>
      %dma_wait3A_209 = arith.constant 0 : i32
      %dma_wait3A_210 = arith.constant 0 : i32
      %dma_wait3A_211 = tpu.memref_slice %arg4[%dma_wait3A_209, %dma_wait3A_210] : memref<10000x128xf32, #tpu.memory_space<hbm>> -> memref<10000x128xf32, #tpu.memory_space<hbm>>
      tpu.wait_indirect_dma semaphore(%arg11 : memref<!tpu.dma_semaphore, #tpu.memory_space<semaphore_mem>>) src(%dma_wait3A_211 : memref<10000x128xf32, #tpu.memory_space<hbm>>) dst(%dma_wait3A_207 : memref<40x128xf32, #tpu.memory_space<vmem>>)
      %mul3A_212 = arith.constant 80 : i32
      %mul3A_213 = arith.muli %mul3A_202, %mul3A_212 : i32
      %add3A_214 = arith.constant 40 : i32
      %add3A_215 = arith.addi %mul3A_213, %add3A_214 : i32
      %dma_wait3A_216 = arith.constant 40 : i32
      %dma_wait3A_217 = arith.constant 0 : i32
      %dma_wait3A_218 = tpu.memref_slice %arg8[%dma_wait3A_216, %dma_wait3A_217] : memref<80x128xf32, #tpu.memory_space<vmem>> -> memref<40x128xf32, #tpu.memory_space<vmem>>
      %dma_wait3A_219 = tpu.memref_slice %arg6[%add3A_215] : memref<10000xi32, #tpu.memory_space<vmem>> -> memref<40xi32, #tpu.memory_space<vmem>>
      %dma_wait3A_220 = arith.constant 0 : i32
      %dma_wait3A_221 = arith.constant 0 : i32
      %dma_wait3A_222 = tpu.memref_slice %arg4[%dma_wait3A_220, %dma_wait3A_221] : memref<10000x128xf32, #tpu.memory_space<hbm>> -> memref<10000x128xf32, #tpu.memory_space<hbm>>
      tpu.wait_indirect_dma semaphore(%arg11 : memref<!tpu.dma_semaphore, #tpu.memory_space<semaphore_mem>>) src(%dma_wait3A_222 : memref<10000x128xf32, #tpu.memory_space<hbm>>) dst(%dma_wait3A_218 : memref<40x128xf32, #tpu.memory_space<vmem>>)
      %add3A_223 = arith.constant 1 : i32
      %add3A_224 = arith.addi %mul3A_202, %add3A_223 : i32
      %mul3A_225 = arith.constant 80 : i32
      %mul3A_226 = arith.muli %add3A_224, %mul3A_225 : i32
      %dma_start3A_227 = arith.constant 0 : i32
      %dma_start3A_228 = arith.constant 0 : i32
      %dma_start3A_229 = tpu.memref_slice %arg9[%dma_start3A_227, %dma_start3A_228] : memref<80x128xf32, #tpu.memory_space<vmem>> -> memref<40x128xf32, #tpu.memory_space<vmem>>
      %dma_start3A_230 = tpu.memref_slice %arg6[%mul3A_226] : memref<10000xi32, #tpu.memory_space<vmem>> -> memref<40xi32, #tpu.memory_space<vmem>>
      %dma_start3A_231 = arith.constant 0 : i32
      %dma_start3A_232 = arith.constant 0 : i32
      %dma_start3A_233 = tpu.memref_slice %arg4[%dma_start3A_231, %dma_start3A_232] : memref<10000x128xf32, #tpu.memory_space<hbm>> -> memref<10000x128xf32, #tpu.memory_space<hbm>>
      tpu.enqueue_indirect_dma source(%dma_start3A_233 : memref<10000x128xf32, #tpu.memory_space<hbm>>) target(%dma_start3A_229 : memref<40x128xf32, #tpu.memory_space<vmem>>) offsets(%dma_start3A_230 : memref<40xi32, #tpu.memory_space<vmem>>) semaphore(%arg12 : memref<!tpu.dma_semaphore, #tpu.memory_space<semaphore_mem>>)
      %mul3A_234 = arith.constant 80 : i32
      %mul3A_235 = arith.muli %add3A_224, %mul3A_234 : i32
      %add3A_236 = arith.constant 40 : i32
      %add3A_237 = arith.addi %mul3A_235, %add3A_236 : i32
      %dma_start3A_238 = arith.constant 40 : i32
      %dma_start3A_239 = arith.constant 0 : i32
      %dma_start3A_240 = tpu.memref_slice %arg9[%dma_start3A_238, %dma_start3A_239] : memref<80x128xf32, #tpu.memory_space<vmem>> -> memref<40x128xf32, #tpu.memory_space<vmem>>
      %dma_start3A_241 = tpu.memref_slice %arg6[%add3A_237] : memref<10000xi32, #tpu.memory_space<vmem>> -> memref<40xi32, #tpu.memory_space<vmem>>
      %dma_start3A_242 = arith.constant 0 : i32
      %dma_start3A_243 = arith.constant 0 : i32
      %dma_start3A_244 = tpu.memref_slice %arg4[%dma_start3A_242, %dma_start3A_243] : memref<10000x128xf32, #tpu.memory_space<hbm>> -> memref<10000x128xf32, #tpu.memory_space<hbm>>
      tpu.enqueue_indirect_dma source(%dma_start3A_244 : memref<10000x128xf32, #tpu.memory_space<hbm>>) target(%dma_start3A_240 : memref<40x128xf32, #tpu.memory_space<vmem>>) offsets(%dma_start3A_241 : memref<40xi32, #tpu.memory_space<vmem>>) semaphore(%arg12 : memref<!tpu.dma_semaphore, #tpu.memory_space<semaphore_mem>>)
      "tpu.region"() ({
        %run_scoped3A_291 = tpu.sem_alloc : memref<!tpu.dma_semaphore, #tpu.memory_space<semaphore_mem>>
        %dma_start3A_292 = arith.constant 0 : i32
        %dma_start3A_293 = tpu.memref_slice %arg7[%mul3A_202, %dma_start3A_292] : memref<125x80xi32, #tpu.memory_space<vmem>> -> memref<1x80xi32, #tpu.memory_space<vmem>>
        %dma_start3A_294 = tpu.memref_squeeze %dma_start3A_293 : memref<1x80xi32, #tpu.memory_space<vmem>> -> memref<80xi32, #tpu.memory_space<vmem>>
        %dma_start3A_295 = arith.constant 0 : i32
        %dma_start3A_296 = arith.constant 0 : i32
        %dma_start3A_297 = tpu.memref_slice %arg10[%dma_start3A_295, %dma_start3A_296] : memref<10240x128xf32, #tpu.memory_space<vmem_shared>> -> memref<10240x128xf32, #tpu.memory_space<vmem_shared>>
        tpu.enqueue_indirect_dma source(%arg8 : memref<80x128xf32, #tpu.memory_space<vmem>>) target(%dma_start3A_297 : memref<10240x128xf32, #tpu.memory_space<vmem_shared>>) offsets(%dma_start3A_294 : memref<80xi32, #tpu.memory_space<vmem>>) semaphore(%run_scoped3A_291 : memref<!tpu.dma_semaphore, #tpu.memory_space<semaphore_mem>>) {add = true}
        %dma_wait3A_298 = arith.constant 0 : i32
        %dma_wait3A_299 = tpu.memref_slice %arg7[%mul3A_202, %dma_wait3A_298] : memref<125x80xi32, #tpu.memory_space<vmem>> -> memref<1x80xi32, #tpu.memory_space<vmem>>
        %dma_wait3A_300 = tpu.memref_squeeze %dma_wait3A_299 : memref<1x80xi32, #tpu.memory_space<vmem>> -> memref<80xi32, #tpu.memory_space<vmem>>
        %dma_wait3A_301 = arith.constant 0 : i32
        %dma_wait3A_302 = arith.constant 0 : i32
        %dma_wait3A_303 = tpu.memref_slice %arg10[%dma_wait3A_301, %dma_wait3A_302] : memref<10240x128xf32, #tpu.memory_space<vmem_shared>> -> memref<10240x128xf32, #tpu.memory_space<vmem_shared>>
        tpu.wait_indirect_dma semaphore(%run_scoped3A_291 : memref<!tpu.dma_semaphore, #tpu.memory_space<semaphore_mem>>) src(%arg8 : memref<80x128xf32, #tpu.memory_space<vmem>>) dst(%dma_wait3A_303 : memref<10240x128xf32, #tpu.memory_space<vmem_shared>>)
        tpu.yield
      }) : () -> ()
      %add3A_245 = arith.constant 1 : i32
      %add3A_246 = arith.addi %mul3A_202, %add3A_245 : i32
      %mul3A_247 = arith.constant 80 : i32
      %mul3A_248 = arith.muli %add3A_246, %mul3A_247 : i32
      %dma_wait3A_249 = arith.constant 0 : i32
      %dma_wait3A_250 = arith.constant 0 : i32
      %dma_wait3A_251 = tpu.memref_slice %arg9[%dma_wait3A_249, %dma_wait3A_250] : memref<80x128xf32, #tpu.memory_space<vmem>> -> memref<40x128xf32, #tpu.memory_space<vmem>>
      %dma_wait3A_252 = tpu.memref_slice %arg6[%mul3A_248] : memref<10000xi32, #tpu.memory_space<vmem>> -> memref<40xi32, #tpu.memory_space<vmem>>
      %dma_wait3A_253 = arith.constant 0 : i32
      %dma_wait3A_254 = arith.constant 0 : i32
      %dma_wait3A_255 = tpu.memref_slice %arg4[%dma_wait3A_253, %dma_wait3A_254] : memref<10000x128xf32, #tpu.memory_space<hbm>> -> memref<10000x128xf32, #tpu.memory_space<hbm>>
      tpu.wait_indirect_dma semaphore(%arg12 : memref<!tpu.dma_semaphore, #tpu.memory_space<semaphore_mem>>) src(%dma_wait3A_255 : memref<10000x128xf32, #tpu.memory_space<hbm>>) dst(%dma_wait3A_251 : memref<40x128xf32, #tpu.memory_space<vmem>>)
      %mul3A_256 = arith.constant 80 : i32
      %mul3A_257 = arith.muli %add3A_246, %mul3A_256 : i32
      %add3A_258 = arith.constant 40 : i32
      %add3A_259 = arith.addi %mul3A_257, %add3A_258 : i32
      %dma_wait3A_260 = arith.constant 40 : i32
      %dma_wait3A_261 = arith.constant 0 : i32
      %dma_wait3A_262 = tpu.memref_slice %arg9[%dma_wait3A_260, %dma_wait3A_261] : memref<80x128xf32, #tpu.memory_space<vmem>> -> memref<40x128xf32, #tpu.memory_space<vmem>>
      %dma_wait3A_263 = tpu.memref_slice %arg6[%add3A_259] : memref<10000xi32, #tpu.memory_space<vmem>> -> memref<40xi32, #tpu.memory_space<vmem>>
      %dma_wait3A_264 = arith.constant 0 : i32
      %dma_wait3A_265 = arith.constant 0 : i32
      %dma_wait3A_266 = tpu.memref_slice %arg4[%dma_wait3A_264, %dma_wait3A_265] : memref<10000x128xf32, #tpu.memory_space<hbm>> -> memref<10000x128xf32, #tpu.memory_space<hbm>>
      tpu.wait_indirect_dma semaphore(%arg12 : memref<!tpu.dma_semaphore, #tpu.memory_space<semaphore_mem>>) src(%dma_wait3A_266 : memref<10000x128xf32, #tpu.memory_space<hbm>>) dst(%dma_wait3A_262 : memref<40x128xf32, #tpu.memory_space<vmem>>)
      %add3A_267 = arith.constant 2 : i32
      %add3A_268 = arith.addi %mul3A_202, %add3A_267 : i32
      %mul3A_269 = arith.constant 80 : i32
      %mul3A_270 = arith.muli %add3A_268, %mul3A_269 : i32
      %dma_start3A_271 = arith.constant 0 : i32
      %dma_start3A_272 = arith.constant 0 : i32
      %dma_start3A_273 = tpu.memref_slice %arg8[%dma_start3A_271, %dma_start3A_272] : memref<80x128xf32, #tpu.memory_space<vmem>> -> memref<40x128xf32, #tpu.memory_space<vmem>>
      %dma_start3A_274 = tpu.memref_slice %arg6[%mul3A_270] : memref<10000xi32, #tpu.memory_space<vmem>> -> memref<40xi32, #tpu.memory_space<vmem>>
      %dma_start3A_275 = arith.constant 0 : i32
      %dma_start3A_276 = arith.constant 0 : i32
      %dma_start3A_277 = tpu.memref_slice %arg4[%dma_start3A_275, %dma_start3A_276] : memref<10000x128xf32, #tpu.memory_space<hbm>> -> memref<10000x128xf32, #tpu.memory_space<hbm>>
      tpu.enqueue_indirect_dma source(%dma_start3A_277 : memref<10000x128xf32, #tpu.memory_space<hbm>>) target(%dma_start3A_273 : memref<40x128xf32, #tpu.memory_space<vmem>>) offsets(%dma_start3A_274 : memref<40xi32, #tpu.memory_space<vmem>>) semaphore(%arg11 : memref<!tpu.dma_semaphore, #tpu.memory_space<semaphore_mem>>)
      %mul3A_278 = arith.constant 80 : i32
      %mul3A_279 = arith.muli %add3A_268, %mul3A_278 : i32
      %add3A_280 = arith.constant 40 : i32
      %add3A_281 = arith.addi %mul3A_279, %add3A_280 : i32
      %dma_start3A_282 = arith.constant 40 : i32
      %dma_start3A_283 = arith.constant 0 : i32
      %dma_start3A_284 = tpu.memref_slice %arg8[%dma_start3A_282, %dma_start3A_283] : memref<80x128xf32, #tpu.memory_space<vmem>> -> memref<40x128xf32, #tpu.memory_space<vmem>>
      %dma_start3A_285 = tpu.memref_slice %arg6[%add3A_281] : memref<10000xi32, #tpu.memory_space<vmem>> -> memref<40xi32, #tpu.memory_space<vmem>>
      %dma_start3A_286 = arith.constant 0 : i32
      %dma_start3A_287 = arith.constant 0 : i32
      %dma_start3A_288 = tpu.memref_slice %arg4[%dma_start3A_286, %dma_start3A_287] : memref<10000x128xf32, #tpu.memory_space<hbm>> -> memref<10000x128xf32, #tpu.memory_space<hbm>>
      tpu.enqueue_indirect_dma source(%dma_start3A_288 : memref<10000x128xf32, #tpu.memory_space<hbm>>) target(%dma_start3A_284 : memref<40x128xf32, #tpu.memory_space<vmem>>) offsets(%dma_start3A_285 : memref<40xi32, #tpu.memory_space<vmem>>) semaphore(%arg11 : memref<!tpu.dma_semaphore, #tpu.memory_space<semaphore_mem>>)
      %add3A_289 = arith.constant 1 : i32
      %add3A_290 = arith.addi %mul3A_202, %add3A_289 : i32
      "tpu.region"() ({
        %run_scoped3A_291 = tpu.sem_alloc : memref<!tpu.dma_semaphore, #tpu.memory_space<semaphore_mem>>
        %dma_start3A_292 = arith.constant 0 : i32
        %dma_start3A_293 = tpu.memref_slice %arg7[%add3A_290, %dma_start3A_292] : memref<125x80xi32, #tpu.memory_space<vmem>> -> memref<1x80xi32, #tpu.memory_space<vmem>>
        %dma_start3A_294 = tpu.memref_squeeze %dma_start3A_293 : memref<1x80xi32, #tpu.memory_space<vmem>> -> memref<80xi32, #tpu.memory_space<vmem>>
        %dma_start3A_295 = arith.constant 0 : i32
        %dma_start3A_296 = arith.constant 0 : i32
        %dma_start3A_297 = tpu.memref_slice %arg10[%dma_start3A_295, %dma_start3A_296] : memref<10240x128xf32, #tpu.memory_space<vmem_shared>> -> memref<10240x128xf32, #tpu.memory_space<vmem_shared>>
        tpu.enqueue_indirect_dma source(%arg9 : memref<80x128xf32, #tpu.memory_space<vmem>>) target(%dma_start3A_297 : memref<10240x128xf32, #tpu.memory_space<vmem_shared>>) offsets(%dma_start3A_294 : memref<80xi32, #tpu.memory_space<vmem>>) semaphore(%run_scoped3A_291 : memref<!tpu.dma_semaphore, #tpu.memory_space<semaphore_mem>>) {add = true}
        %dma_wait3A_298 = arith.constant 0 : i32
        %dma_wait3A_299 = tpu.memref_slice %arg7[%add3A_290, %dma_wait3A_298] : memref<125x80xi32, #tpu.memory_space<vmem>> -> memref<1x80xi32, #tpu.memory_space<vmem>>
        %dma_wait3A_300 = tpu.memref_squeeze %dma_wait3A_299 : memref<1x80xi32, #tpu.memory_space<vmem>> -> memref<80xi32, #tpu.memory_space<vmem>>
        %dma_wait3A_301 = arith.constant 0 : i32
        %dma_wait3A_302 = arith.constant 0 : i32
        %dma_wait3A_303 = tpu.memref_slice %arg10[%dma_wait3A_301, %dma_wait3A_302] : memref<10240x128xf32, #tpu.memory_space<vmem_shared>> -> memref<10240x128xf32, #tpu.memory_space<vmem_shared>>
        tpu.wait_indirect_dma semaphore(%run_scoped3A_291 : memref<!tpu.dma_semaphore, #tpu.memory_space<semaphore_mem>>) src(%arg9 : memref<80x128xf32, #tpu.memory_space<vmem>>) dst(%dma_wait3A_303 : memref<10240x128xf32, #tpu.memory_space<vmem_shared>>)
        tpu.yield
      }) : () -> ()
    }
    %scan3A_178 = arith.constant 62 : i32
    %dma_wait3A_179 = arith.constant 0 : i32
    %dma_wait3A_180 = arith.constant 0 : i32
    %dma_wait3A_181 = tpu.memref_slice %arg8[%dma_wait3A_179, %dma_wait3A_180] : memref<80x128xf32, #tpu.memory_space<vmem>> -> memref<40x128xf32, #tpu.memory_space<vmem>>
    %dma_wait3A_182 = arith.constant 9920 : i32
    %dma_wait3A_183 = tpu.memref_slice %arg6[%dma_wait3A_182] : memref<10000xi32, #tpu.memory_space<vmem>> -> memref<40xi32, #tpu.memory_space<vmem>>
    %dma_wait3A_184 = arith.constant 0 : i32
    %dma_wait3A_185 = arith.constant 0 : i32
    %dma_wait3A_186 = tpu.memref_slice %arg4[%dma_wait3A_184, %dma_wait3A_185] : memref<10000x128xf32, #tpu.memory_space<hbm>> -> memref<10000x128xf32, #tpu.memory_space<hbm>>
    tpu.wait_indirect_dma semaphore(%arg11 : memref<!tpu.dma_semaphore, #tpu.memory_space<semaphore_mem>>) src(%dma_wait3A_186 : memref<10000x128xf32, #tpu.memory_space<hbm>>) dst(%dma_wait3A_181 : memref<40x128xf32, #tpu.memory_space<vmem>>)
    %dma_wait3A_187 = arith.constant 40 : i32
    %dma_wait3A_188 = arith.constant 0 : i32
    %dma_wait3A_189 = tpu.memref_slice %arg8[%dma_wait3A_187, %dma_wait3A_188] : memref<80x128xf32, #tpu.memory_space<vmem>> -> memref<40x128xf32, #tpu.memory_space<vmem>>
    %dma_wait3A_190 = arith.constant 9960 : i32
    %dma_wait3A_191 = tpu.memref_slice %arg6[%dma_wait3A_190] : memref<10000xi32, #tpu.memory_space<vmem>> -> memref<40xi32, #tpu.memory_space<vmem>>
    %dma_wait3A_192 = arith.constant 0 : i32
    %dma_wait3A_193 = arith.constant 0 : i32
    %dma_wait3A_194 = tpu.memref_slice %arg4[%dma_wait3A_192, %dma_wait3A_193] : memref<10000x128xf32, #tpu.memory_space<hbm>> -> memref<10000x128xf32, #tpu.memory_space<hbm>>
    tpu.wait_indirect_dma semaphore(%arg11 : memref<!tpu.dma_semaphore, #tpu.memory_space<semaphore_mem>>) src(%dma_wait3A_194 : memref<10000x128xf32, #tpu.memory_space<hbm>>) dst(%dma_wait3A_189 : memref<40x128xf32, #tpu.memory_space<vmem>>)
    %run_scoped3A = arith.constant 124 : i32
    "tpu.region"() ({
      %run_scoped3A_200 = tpu.sem_alloc : memref<!tpu.dma_semaphore, #tpu.memory_space<semaphore_mem>>
      %dma_start3A_201 = arith.constant 0 : i32
      %dma_start3A_202 = tpu.memref_slice %arg7[%run_scoped3A, %dma_start3A_201] : memref<125x80xi32, #tpu.memory_space<vmem>> -> memref<1x80xi32, #tpu.memory_space<vmem>>
      %dma_start3A_203 = tpu.memref_squeeze %dma_start3A_202 : memref<1x80xi32, #tpu.memory_space<vmem>> -> memref<80xi32, #tpu.memory_space<vmem>>
      %dma_start3A_204 = arith.constant 0 : i32
      %dma_start3A_205 = arith.constant 0 : i32
      %dma_start3A_206 = tpu.memref_slice %arg10[%dma_start3A_204, %dma_start3A_205] : memref<10240x128xf32, #tpu.memory_space<vmem_shared>> -> memref<10240x128xf32, #tpu.memory_space<vmem_shared>>
      tpu.enqueue_indirect_dma source(%arg8 : memref<80x128xf32, #tpu.memory_space<vmem>>) target(%dma_start3A_206 : memref<10240x128xf32, #tpu.memory_space<vmem_shared>>) offsets(%dma_start3A_203 : memref<80xi32, #tpu.memory_space<vmem>>) semaphore(%run_scoped3A_200 : memref<!tpu.dma_semaphore, #tpu.memory_space<semaphore_mem>>) {add = true}
      %dma_wait3A_207 = arith.constant 0 : i32
      %dma_wait3A_208 = tpu.memref_slice %arg7[%run_scoped3A, %dma_wait3A_207] : memref<125x80xi32, #tpu.memory_space<vmem>> -> memref<1x80xi32, #tpu.memory_space<vmem>>
      %dma_wait3A_209 = tpu.memref_squeeze %dma_wait3A_208 : memref<1x80xi32, #tpu.memory_space<vmem>> -> memref<80xi32, #tpu.memory_space<vmem>>
      %dma_wait3A_210 = arith.constant 0 : i32
      %dma_wait3A_211 = arith.constant 0 : i32
      %dma_wait3A_212 = tpu.memref_slice %arg10[%dma_wait3A_210, %dma_wait3A_211] : memref<10240x128xf32, #tpu.memory_space<vmem_shared>> -> memref<10240x128xf32, #tpu.memory_space<vmem_shared>>
      tpu.wait_indirect_dma semaphore(%run_scoped3A_200 : memref<!tpu.dma_semaphore, #tpu.memory_space<semaphore_mem>>) src(%arg8 : memref<80x128xf32, #tpu.memory_space<vmem>>) dst(%dma_wait3A_212 : memref<10240x128xf32, #tpu.memory_space<vmem_shared>>)
      tpu.yield
    }) : () -> ()
    %barrier3A_195 = arith.constant 0 : index
    tpu.barrier barrier_id(%barrier3A_195)
    %mul3A_196 = arith.constant 640 : i32
    %mul3A_197 = arith.muli %arg1, %mul3A_196 : i32
    %mul3A_198 = arith.constant 640 : i32
    %mul3A_199 = arith.muli %arg1, %mul3A_198 : i32
    "tpu.region"() ({
      %run_scoped3A_200 = tpu.sem_alloc : memref<!tpu.dma_semaphore, #tpu.memory_space<semaphore_mem>>
      %dma_start3A_201 = arith.constant 0 : i32
      %dma_start3A_202 = tpu.memref_slice %arg5[%arg0, %mul3A_199, %dma_start3A_201] : memref<2x10240x128xf32, #tpu.memory_space<hbm>> -> memref<1x640x128xf32, #tpu.memory_space<hbm>>
      %dma_start3A_203 = tpu.memref_squeeze %dma_start3A_202 : memref<1x640x128xf32, #tpu.memory_space<hbm>> -> memref<640x128xf32, #tpu.memory_space<hbm>>
      %dma_start3A_204 = arith.constant 0 : i32
      %dma_start3A_205 = tpu.memref_slice %arg10[%mul3A_197, %dma_start3A_204] : memref<10240x128xf32, #tpu.memory_space<vmem_shared>> -> memref<640x128xf32, #tpu.memory_space<vmem_shared>>
      tpu.enqueue_dma source(%dma_start3A_205 : memref<640x128xf32, #tpu.memory_space<vmem_shared>>) target(%dma_start3A_203 : memref<640x128xf32, #tpu.memory_space<hbm>>) target_semaphore(%run_scoped3A_200 : memref<!tpu.dma_semaphore, #tpu.memory_space<semaphore_mem>>)
      %dma_wait3A_206 = arith.constant 0 : i32
      %dma_wait3A_207 = tpu.memref_slice %arg5[%arg0, %mul3A_199, %dma_wait3A_206] : memref<2x10240x128xf32, #tpu.memory_space<hbm>> -> memref<1x640x128xf32, #tpu.memory_space<hbm>>
      %dma_wait3A_208 = tpu.memref_squeeze %dma_wait3A_207 : memref<1x640x128xf32, #tpu.memory_space<hbm>> -> memref<640x128xf32, #tpu.memory_space<hbm>>
      %dma_wait3A_209 = arith.constant 0 : i32
      %dma_wait3A_210 = tpu.memref_slice %arg10[%mul3A_197, %dma_wait3A_209] : memref<10240x128xf32, #tpu.memory_space<vmem_shared>> -> memref<640x128xf32, #tpu.memory_space<vmem_shared>>
      tpu.wait_dma2 semaphore(%run_scoped3A_200 : memref<!tpu.dma_semaphore, #tpu.memory_space<semaphore_mem>>) src(%dma_wait3A_210 : memref<640x128xf32, #tpu.memory_space<vmem_shared>>) dst(%dma_wait3A_208 : memref<640x128xf32, #tpu.memory_space<hbm>>)
      tpu.yield
    }) : () -> ()
    return
  }
}

#map = affine_map<(d0, d1) -> (0)>
#map1 = affine_map<(d0, d1) -> (0, 0, 0)>
#map2 = affine_map<(d0, d1) -> (0, 0)>
module attributes {stable_mosaic.version = 14 : i64} {
  func.func @k(%arg0: i32, %arg1: i32, %arg2: memref<320000xi32, #tpu.memory_space<hbm>>, %arg3: memref<32x125x80xi32, #tpu.memory_space<hbm>>, %arg4: memref<10000x128xf32, #tpu.memory_space<hbm>>, %arg5: memref<2x10240x128xf32, #tpu.memory_space<hbm>>, %arg6: memref<10000xi32, #tpu.memory_space<vmem>>, %arg7: memref<125x80xi32, #tpu.memory_space<vmem>>, %arg8: memref<80x128xf32, #tpu.memory_space<vmem>>, %arg9: memref<80x128xf32, #tpu.memory_space<vmem>>, %arg10: memref<10240x128xf32, #tpu.memory_space<vmem_shared>>, %arg11: memref<!tpu.dma_semaphore, #tpu.memory_space<semaphore_mem>>, %arg12: memref<!tpu.dma_semaphore, #tpu.memory_space<semaphore_mem>>, %arg13: memref<!tpu.dma_semaphore, #tpu.memory_space<semaphore_mem>>) attributes {dimension_semantics = [#tpu.dimension_semantics<core_parallel>, #tpu.dimension_semantics<subcore_parallel>], iteration_bounds = array<i64: 2, 16>, scalar_prefetch = 0 : i64, scratch_operands = 8 : i64, tpu.core_type = #tpu.core_type<sc_vector_subcore>, window_params = [{transform_indices = #map}, {transform_indices = #map1}, {transform_indices = #map2}, {transform_indices = #map1}]} {
    %mul3A = arith.constant 2 : i32
    %mul3A_0 = arith.muli %arg1, %mul3A : i32
    %add3A = arith.addi %mul3A_0, %arg0 : i32
    %mul3A_1 = arith.constant 10000 : i32
    %mul3A_2 = arith.muli %add3A, %mul3A_1 : i32
    %dma_start3A = tpu.memref_slice %arg2[%mul3A_2] : memref<320000xi32, #tpu.memory_space<hbm>> -> memref<10000xi32, #tpu.memory_space<hbm>>
    %dma_start3A_3 = tpu.memref_slice %arg2[%mul3A_2] : memref<320000xi32, #tpu.memory_space<hbm>> -> memref<10000xi32, #tpu.memory_space<hbm>>
    tpu.enqueue_dma source(%dma_start3A_3 : memref<10000xi32, #tpu.memory_space<hbm>>) target(%arg6 : memref<10000xi32, #tpu.memory_space<vmem>>) target_semaphore(%arg11 : memref<!tpu.dma_semaphore, #tpu.memory_space<semaphore_mem>>)
    %dma_start3A_4 = arith.constant 0 : i32
    %dma_start3A_5 = arith.constant 0 : i32
    %dma_start3A_6 = tpu.memref_slice %arg3[%add3A, %dma_start3A_4, %dma_start3A_5] : memref<32x125x80xi32, #tpu.memory_space<hbm>> -> memref<1x125x80xi32, #tpu.memory_space<hbm>>
    %dma_start3A_7 = tpu.memref_squeeze %dma_start3A_6 : memref<1x125x80xi32, #tpu.memory_space<hbm>> -> memref<125x80xi32, #tpu.memory_space<hbm>>
    %dma_start3A_8 = arith.constant 0 : i32
    %dma_start3A_9 = arith.constant 0 : i32
    %dma_start3A_10 = tpu.memref_slice %arg3[%add3A, %dma_start3A_8, %dma_start3A_9] : memref<32x125x80xi32, #tpu.memory_space<hbm>> -> memref<1x125x80xi32, #tpu.memory_space<hbm>>
    %dma_start3A_11 = tpu.memref_squeeze %dma_start3A_10 : memref<1x125x80xi32, #tpu.memory_space<hbm>> -> memref<125x80xi32, #tpu.memory_space<hbm>>
    tpu.enqueue_dma source(%dma_start3A_11 : memref<125x80xi32, #tpu.memory_space<hbm>>) target(%arg7 : memref<125x80xi32, #tpu.memory_space<vmem>>) target_semaphore(%arg12 : memref<!tpu.dma_semaphore, #tpu.memory_space<semaphore_mem>>)
    %broadcast_in_dim3A = arith.constant 0.000000e+00 : f32
    %broadcast_in_dim3A_12 = vector.broadcast %broadcast_in_dim3A : f32 to vector<16xf32>
    %scan3A = arith.constant 0 : i32
    %scan3A_13 = arith.constant 0 : i32
    %scan3A_14 = arith.constant 80 : i32
    %scan3A_15 = arith.addi %scan3A_13, %scan3A_14 : i32
    %scan3A_16 = arith.constant 1 : i32
    scf.for %scan3A_200 = %scan3A_13 to %scan3A_15 step %scan3A_16  : i32 {
      %swap3A = arith.index_cast %scan3A_200 : i32 to index
      %swap3A_201 = arith.constant 0 : index
      %swap3A_202 = tpu.vector_load %arg8[%swap3A, %swap3A_201] {strides = array<i32>} : memref<80x128xf32, #tpu.memory_space<vmem>>, vector<1x16xf32>,
      %swap3A_203 = vector.shape_cast %swap3A_202 : vector<1x16xf32> to vector<16xf32>
      %swap3A_204 = vector.shape_cast %broadcast_in_dim3A_12 : vector<16xf32> to vector<1x16xf32>
      tpu.vector_store %arg8[%swap3A, %swap3A_201], %swap3A_204 {strides = array<i32>} : memref<80x128xf32, #tpu.memory_space<vmem>>, vector<1x16xf32>,
      %swap3A_205 = arith.index_cast %scan3A_200 : i32 to index
      %swap3A_206 = arith.constant 16 : index
      %swap3A_207 = tpu.vector_load %arg8[%swap3A_205, %swap3A_206] {strides = array<i32>} : memref<80x128xf32, #tpu.memory_space<vmem>>, vector<1x16xf32>,
      %swap3A_208 = vector.shape_cast %swap3A_207 : vector<1x16xf32> to vector<16xf32>
      %swap3A_209 = vector.shape_cast %broadcast_in_dim3A_12 : vector<16xf32> to vector<1x16xf32>
      tpu.vector_store %arg8[%swap3A_205, %swap3A_206], %swap3A_209 {strides = array<i32>} : memref<80x128xf32, #tpu.memory_space<vmem>>, vector<1x16xf32>,
      %swap3A_210 = arith.index_cast %scan3A_200 : i32 to index
      %swap3A_211 = arith.constant 32 : index
      %swap3A_212 = tpu.vector_load %arg8[%swap3A_210, %swap3A_211] {strides = array<i32>} : memref<80x128xf32, #tpu.memory_space<vmem>>, vector<1x16xf32>,
      %swap3A_213 = vector.shape_cast %swap3A_212 : vector<1x16xf32> to vector<16xf32>
      %swap3A_214 = vector.shape_cast %broadcast_in_dim3A_12 : vector<16xf32> to vector<1x16xf32>
      tpu.vector_store %arg8[%swap3A_210, %swap3A_211], %swap3A_214 {strides = array<i32>} : memref<80x128xf32, #tpu.memory_space<vmem>>, vector<1x16xf32>,
      %swap3A_215 = arith.index_cast %scan3A_200 : i32 to index
      %swap3A_216 = arith.constant 48 : index
      %swap3A_217 = tpu.vector_load %arg8[%swap3A_215, %swap3A_216] {strides = array<i32>} : memref<80x128xf32, #tpu.memory_space<vmem>>, vector<1x16xf32>,
      %swap3A_218 = vector.shape_cast %swap3A_217 : vector<1x16xf32> to vector<16xf32>
      %swap3A_219 = vector.shape_cast %broadcast_in_dim3A_12 : vector<16xf32> to vector<1x16xf32>
      tpu.vector_store %arg8[%swap3A_215, %swap3A_216], %swap3A_219 {strides = array<i32>} : memref<80x128xf32, #tpu.memory_space<vmem>>, vector<1x16xf32>,
      %swap3A_220 = arith.index_cast %scan3A_200 : i32 to index
      %swap3A_221 = arith.constant 64 : index
      %swap3A_222 = tpu.vector_load %arg8[%swap3A_220, %swap3A_221] {strides = array<i32>} : memref<80x128xf32, #tpu.memory_space<vmem>>, vector<1x16xf32>,
      %swap3A_223 = vector.shape_cast %swap3A_222 : vector<1x16xf32> to vector<16xf32>
      %swap3A_224 = vector.shape_cast %broadcast_in_dim3A_12 : vector<16xf32> to vector<1x16xf32>
      tpu.vector_store %arg8[%swap3A_220, %swap3A_221], %swap3A_224 {strides = array<i32>} : memref<80x128xf32, #tpu.memory_space<vmem>>, vector<1x16xf32>,
      %swap3A_225 = arith.index_cast %scan3A_200 : i32 to index
      %swap3A_226 = arith.constant 80 : index
      %swap3A_227 = tpu.vector_load %arg8[%swap3A_225, %swap3A_226] {strides = array<i32>} : memref<80x128xf32, #tpu.memory_space<vmem>>, vector<1x16xf32>,
      %swap3A_228 = vector.shape_cast %swap3A_227 : vector<1x16xf32> to vector<16xf32>
      %swap3A_229 = vector.shape_cast %broadcast_in_dim3A_12 : vector<16xf32> to vector<1x16xf32>
      tpu.vector_store %arg8[%swap3A_225, %swap3A_226], %swap3A_229 {strides = array<i32>} : memref<80x128xf32, #tpu.memory_space<vmem>>, vector<1x16xf32>,
      %swap3A_230 = arith.index_cast %scan3A_200 : i32 to index
      %swap3A_231 = arith.constant 96 : index
      %swap3A_232 = tpu.vector_load %arg8[%swap3A_230, %swap3A_231] {strides = array<i32>} : memref<80x128xf32, #tpu.memory_space<vmem>>, vector<1x16xf32>,
      %swap3A_233 = vector.shape_cast %swap3A_232 : vector<1x16xf32> to vector<16xf32>
      %swap3A_234 = vector.shape_cast %broadcast_in_dim3A_12 : vector<16xf32> to vector<1x16xf32>
      tpu.vector_store %arg8[%swap3A_230, %swap3A_231], %swap3A_234 {strides = array<i32>} : memref<80x128xf32, #tpu.memory_space<vmem>>, vector<1x16xf32>,
      %swap3A_235 = arith.index_cast %scan3A_200 : i32 to index
      %swap3A_236 = arith.constant 112 : index
      %swap3A_237 = tpu.vector_load %arg8[%swap3A_235, %swap3A_236] {strides = array<i32>} : memref<80x128xf32, #tpu.memory_space<vmem>>, vector<1x16xf32>,
      %swap3A_238 = vector.shape_cast %swap3A_237 : vector<1x16xf32> to vector<16xf32>
      %swap3A_239 = vector.shape_cast %broadcast_in_dim3A_12 : vector<16xf32> to vector<1x16xf32>
      tpu.vector_store %arg8[%swap3A_235, %swap3A_236], %swap3A_239 {strides = array<i32>} : memref<80x128xf32, #tpu.memory_space<vmem>>, vector<1x16xf32>,
    }
    %scan3A_17 = arith.constant 80 : i32
    %mul3A_18 = arith.constant 640 : i32
    %mul3A_19 = arith.muli %arg1, %mul3A_18 : i32
    %add3A_20 = arith.constant 0 : i32
    %add3A_21 = arith.addi %mul3A_19, %add3A_20 : i32
    %dma_start3A_22 = arith.constant 0 : i32
    %dma_start3A_23 = tpu.memref_slice %arg10[%add3A_21, %dma_start3A_22] : memref<10240x128xf32, #tpu.memory_space<vmem_shared>> -> memref<80x128xf32, #tpu.memory_space<vmem_shared>>
    %dma_start3A_24 = arith.constant 0 : i32
    %dma_start3A_25 = tpu.memref_slice %arg10[%add3A_21, %dma_start3A_24] : memref<10240x128xf32, #tpu.memory_space<vmem_shared>> -> memref<80x128xf32, #tpu.memory_space<vmem_shared>>
    tpu.enqueue_dma source(%arg8 : memref<80x128xf32, #tpu.memory_space<vmem>>) target(%dma_start3A_25 : memref<80x128xf32, #tpu.memory_space<vmem_shared>>) target_semaphore(%arg13 : memref<!tpu.dma_semaphore, #tpu.memory_space<semaphore_mem>>)
    %mul3A_26 = arith.constant 640 : i32
    %mul3A_27 = arith.muli %arg1, %mul3A_26 : i32
    %add3A_28 = arith.constant 80 : i32
    %add3A_29 = arith.addi %mul3A_27, %add3A_28 : i32
    %dma_start3A_30 = arith.constant 0 : i32
    %dma_start3A_31 = tpu.memref_slice %arg10[%add3A_29, %dma_start3A_30] : memref<10240x128xf32, #tpu.memory_space<vmem_shared>> -> memref<80x128xf32, #tpu.memory_space<vmem_shared>>
    %dma_start3A_32 = arith.constant 0 : i32
    %dma_start3A_33 = tpu.memref_slice %arg10[%add3A_29, %dma_start3A_32] : memref<10240x128xf32, #tpu.memory_space<vmem_shared>> -> memref<80x128xf32, #tpu.memory_space<vmem_shared>>
    tpu.enqueue_dma source(%arg8 : memref<80x128xf32, #tpu.memory_space<vmem>>) target(%dma_start3A_33 : memref<80x128xf32, #tpu.memory_space<vmem_shared>>) target_semaphore(%arg13 : memref<!tpu.dma_semaphore, #tpu.memory_space<semaphore_mem>>)
    %mul3A_34 = arith.constant 640 : i32
    %mul3A_35 = arith.muli %arg1, %mul3A_34 : i32
    %add3A_36 = arith.constant 160 : i32
    %add3A_37 = arith.addi %mul3A_35, %add3A_36 : i32
    %dma_start3A_38 = arith.constant 0 : i32
    %dma_start3A_39 = tpu.memref_slice %arg10[%add3A_37, %dma_start3A_38] : memref<10240x128xf32, #tpu.memory_space<vmem_shared>> -> memref<80x128xf32, #tpu.memory_space<vmem_shared>>
    %dma_start3A_40 = arith.constant 0 : i32
    %dma_start3A_41 = tpu.memref_slice %arg10[%add3A_37, %dma_start3A_40] : memref<10240x128xf32, #tpu.memory_space<vmem_shared>> -> memref<80x128xf32, #tpu.memory_space<vmem_shared>>
    tpu.enqueue_dma source(%arg8 : memref<80x128xf32, #tpu.memory_space<vmem>>) target(%dma_start3A_41 : memref<80x128xf32, #tpu.memory_space<vmem_shared>>) target_semaphore(%arg13 : memref<!tpu.dma_semaphore, #tpu.memory_space<semaphore_mem>>)
    %mul3A_42 = arith.constant 640 : i32
    %mul3A_43 = arith.muli %arg1, %mul3A_42 : i32
    %add3A_44 = arith.constant 240 : i32
    %add3A_45 = arith.addi %mul3A_43, %add3A_44 : i32
    %dma_start3A_46 = arith.constant 0 : i32
    %dma_start3A_47 = tpu.memref_slice %arg10[%add3A_45, %dma_start3A_46] : memref<10240x128xf32, #tpu.memory_space<vmem_shared>> -> memref<80x128xf32, #tpu.memory_space<vmem_shared>>
    %dma_start3A_48 = arith.constant 0 : i32
    %dma_start3A_49 = tpu.memref_slice %arg10[%add3A_45, %dma_start3A_48] : memref<10240x128xf32, #tpu.memory_space<vmem_shared>> -> memref<80x128xf32, #tpu.memory_space<vmem_shared>>
    tpu.enqueue_dma source(%arg8 : memref<80x128xf32, #tpu.memory_space<vmem>>) target(%dma_start3A_49 : memref<80x128xf32, #tpu.memory_space<vmem_shared>>) target_semaphore(%arg13 : memref<!tpu.dma_semaphore, #tpu.memory_space<semaphore_mem>>)
    %mul3A_50 = arith.constant 640 : i32
    %mul3A_51 = arith.muli %arg1, %mul3A_50 : i32
    %add3A_52 = arith.constant 320 : i32
    %add3A_53 = arith.addi %mul3A_51, %add3A_52 : i32
    %dma_start3A_54 = arith.constant 0 : i32
    %dma_start3A_55 = tpu.memref_slice %arg10[%add3A_53, %dma_start3A_54] : memref<10240x128xf32, #tpu.memory_space<vmem_shared>> -> memref<80x128xf32, #tpu.memory_space<vmem_shared>>
    %dma_start3A_56 = arith.constant 0 : i32
    %dma_start3A_57 = tpu.memref_slice %arg10[%add3A_53, %dma_start3A_56] : memref<10240x128xf32, #tpu.memory_space<vmem_shared>> -> memref<80x128xf32, #tpu.memory_space<vmem_shared>>
    tpu.enqueue_dma source(%arg8 : memref<80x128xf32, #tpu.memory_space<vmem>>) target(%dma_start3A_57 : memref<80x128xf32, #tpu.memory_space<vmem_shared>>) target_semaphore(%arg13 : memref<!tpu.dma_semaphore, #tpu.memory_space<semaphore_mem>>)
    %mul3A_58 = arith.constant 640 : i32
    %mul3A_59 = arith.muli %arg1, %mul3A_58 : i32
    %add3A_60 = arith.constant 400 : i32
    %add3A_61 = arith.addi %mul3A_59, %add3A_60 : i32
    %dma_start3A_62 = arith.constant 0 : i32
    %dma_start3A_63 = tpu.memref_slice %arg10[%add3A_61, %dma_start3A_62] : memref<10240x128xf32, #tpu.memory_space<vmem_shared>> -> memref<80x128xf32, #tpu.memory_space<vmem_shared>>
    %dma_start3A_64 = arith.constant 0 : i32
    %dma_start3A_65 = tpu.memref_slice %arg10[%add3A_61, %dma_start3A_64] : memref<10240x128xf32, #tpu.memory_space<vmem_shared>> -> memref<80x128xf32, #tpu.memory_space<vmem_shared>>
    tpu.enqueue_dma source(%arg8 : memref<80x128xf32, #tpu.memory_space<vmem>>) target(%dma_start3A_65 : memref<80x128xf32, #tpu.memory_space<vmem_shared>>) target_semaphore(%arg13 : memref<!tpu.dma_semaphore, #tpu.memory_space<semaphore_mem>>)
    %mul3A_66 = arith.constant 640 : i32
    %mul3A_67 = arith.muli %arg1, %mul3A_66 : i32
    %add3A_68 = arith.constant 480 : i32
    %add3A_69 = arith.addi %mul3A_67, %add3A_68 : i32
    %dma_start3A_70 = arith.constant 0 : i32
    %dma_start3A_71 = tpu.memref_slice %arg10[%add3A_69, %dma_start3A_70] : memref<10240x128xf32, #tpu.memory_space<vmem_shared>> -> memref<80x128xf32, #tpu.memory_space<vmem_shared>>
    %dma_start3A_72 = arith.constant 0 : i32
    %dma_start3A_73 = tpu.memref_slice %arg10[%add3A_69, %dma_start3A_72] : memref<10240x128xf32, #tpu.memory_space<vmem_shared>> -> memref<80x128xf32, #tpu.memory_space<vmem_shared>>
    tpu.enqueue_dma source(%arg8 : memref<80x128xf32, #tpu.memory_space<vmem>>) target(%dma_start3A_73 : memref<80x128xf32, #tpu.memory_space<vmem_shared>>) target_semaphore(%arg13 : memref<!tpu.dma_semaphore, #tpu.memory_space<semaphore_mem>>)
    %mul3A_74 = arith.constant 640 : i32
    %mul3A_75 = arith.muli %arg1, %mul3A_74 : i32
    %add3A_76 = arith.constant 560 : i32
    %add3A_77 = arith.addi %mul3A_75, %add3A_76 : i32
    %dma_start3A_78 = arith.constant 0 : i32
    %dma_start3A_79 = tpu.memref_slice %arg10[%add3A_77, %dma_start3A_78] : memref<10240x128xf32, #tpu.memory_space<vmem_shared>> -> memref<80x128xf32, #tpu.memory_space<vmem_shared>>
    %dma_start3A_80 = arith.constant 0 : i32
    %dma_start3A_81 = tpu.memref_slice %arg10[%add3A_77, %dma_start3A_80] : memref<10240x128xf32, #tpu.memory_space<vmem_shared>> -> memref<80x128xf32, #tpu.memory_space<vmem_shared>>
    tpu.enqueue_dma source(%arg8 : memref<80x128xf32, #tpu.memory_space<vmem>>) target(%dma_start3A_81 : memref<80x128xf32, #tpu.memory_space<vmem_shared>>) target_semaphore(%arg13 : memref<!tpu.dma_semaphore, #tpu.memory_space<semaphore_mem>>)
    %mul3A_82 = arith.constant 10000 : i32
    %mul3A_83 = arith.muli %add3A, %mul3A_82 : i32
    %dma_wait3A = tpu.memref_slice %arg2[%mul3A_83] : memref<320000xi32, #tpu.memory_space<hbm>> -> memref<10000xi32, #tpu.memory_space<hbm>>
    %dma_wait3A_84 = tpu.memref_slice %arg2[%mul3A_83] : memref<320000xi32, #tpu.memory_space<hbm>> -> memref<10000xi32, #tpu.memory_space<hbm>>
    tpu.wait_dma2 semaphore(%arg11 : memref<!tpu.dma_semaphore, #tpu.memory_space<semaphore_mem>>) src(%dma_wait3A_84 : memref<10000xi32, #tpu.memory_space<hbm>>) dst(%arg6 : memref<10000xi32, #tpu.memory_space<vmem>>)
    %dma_wait3A_85 = arith.constant 0 : i32
    %dma_wait3A_86 = arith.constant 0 : i32
    %dma_wait3A_87 = tpu.memref_slice %arg3[%add3A, %dma_wait3A_85, %dma_wait3A_86] : memref<32x125x80xi32, #tpu.memory_space<hbm>> -> memref<1x125x80xi32, #tpu.memory_space<hbm>>
    %dma_wait3A_88 = tpu.memref_squeeze %dma_wait3A_87 : memref<1x125x80xi32, #tpu.memory_space<hbm>> -> memref<125x80xi32, #tpu.memory_space<hbm>>
    %dma_wait3A_89 = arith.constant 0 : i32
    %dma_wait3A_90 = arith.constant 0 : i32
    %dma_wait3A_91 = tpu.memref_slice %arg3[%add3A, %dma_wait3A_89, %dma_wait3A_90] : memref<32x125x80xi32, #tpu.memory_space<hbm>> -> memref<1x125x80xi32, #tpu.memory_space<hbm>>
    %dma_wait3A_92 = tpu.memref_squeeze %dma_wait3A_91 : memref<1x125x80xi32, #tpu.memory_space<hbm>> -> memref<125x80xi32, #tpu.memory_space<hbm>>
    tpu.wait_dma2 semaphore(%arg12 : memref<!tpu.dma_semaphore, #tpu.memory_space<semaphore_mem>>) src(%dma_wait3A_92 : memref<125x80xi32, #tpu.memory_space<hbm>>) dst(%arg7 : memref<125x80xi32, #tpu.memory_space<vmem>>)
    %mul3A_93 = arith.constant 640 : i32
    %mul3A_94 = arith.muli %arg1, %mul3A_93 : i32
    %add3A_95 = arith.constant 0 : i32
    %add3A_96 = arith.addi %mul3A_94, %add3A_95 : i32
    %dma_wait3A_97 = arith.constant 0 : i32
    %dma_wait3A_98 = tpu.memref_slice %arg10[%add3A_96, %dma_wait3A_97] : memref<10240x128xf32, #tpu.memory_space<vmem_shared>> -> memref<80x128xf32, #tpu.memory_space<vmem_shared>>
    %dma_wait3A_99 = arith.constant 0 : i32
    %dma_wait3A_100 = tpu.memref_slice %arg10[%add3A_96, %dma_wait3A_99] : memref<10240x128xf32, #tpu.memory_space<vmem_shared>> -> memref<80x128xf32, #tpu.memory_space<vmem_shared>>
    tpu.wait_dma2 semaphore(%arg13 : memref<!tpu.dma_semaphore, #tpu.memory_space<semaphore_mem>>) src(%arg8 : memref<80x128xf32, #tpu.memory_space<vmem>>) dst(%dma_wait3A_100 : memref<80x128xf32, #tpu.memory_space<vmem_shared>>)
    %mul3A_101 = arith.constant 640 : i32
    %mul3A_102 = arith.muli %arg1, %mul3A_101 : i32
    %add3A_103 = arith.constant 80 : i32
    %add3A_104 = arith.addi %mul3A_102, %add3A_103 : i32
    %dma_wait3A_105 = arith.constant 0 : i32
    %dma_wait3A_106 = tpu.memref_slice %arg10[%add3A_104, %dma_wait3A_105] : memref<10240x128xf32, #tpu.memory_space<vmem_shared>> -> memref<80x128xf32, #tpu.memory_space<vmem_shared>>
    %dma_wait3A_107 = arith.constant 0 : i32
    %dma_wait3A_108 = tpu.memref_slice %arg10[%add3A_104, %dma_wait3A_107] : memref<10240x128xf32, #tpu.memory_space<vmem_shared>> -> memref<80x128xf32, #tpu.memory_space<vmem_shared>>
    tpu.wait_dma2 semaphore(%arg13 : memref<!tpu.dma_semaphore, #tpu.memory_space<semaphore_mem>>) src(%arg8 : memref<80x128xf32, #tpu.memory_space<vmem>>) dst(%dma_wait3A_108 : memref<80x128xf32, #tpu.memory_space<vmem_shared>>)
    %mul3A_109 = arith.constant 640 : i32
    %mul3A_110 = arith.muli %arg1, %mul3A_109 : i32
    %add3A_111 = arith.constant 160 : i32
    %add3A_112 = arith.addi %mul3A_110, %add3A_111 : i32
    %dma_wait3A_113 = arith.constant 0 : i32
    %dma_wait3A_114 = tpu.memref_slice %arg10[%add3A_112, %dma_wait3A_113] : memref<10240x128xf32, #tpu.memory_space<vmem_shared>> -> memref<80x128xf32, #tpu.memory_space<vmem_shared>>
    %dma_wait3A_115 = arith.constant 0 : i32
    %dma_wait3A_116 = tpu.memref_slice %arg10[%add3A_112, %dma_wait3A_115] : memref<10240x128xf32, #tpu.memory_space<vmem_shared>> -> memref<80x128xf32, #tpu.memory_space<vmem_shared>>
    tpu.wait_dma2 semaphore(%arg13 : memref<!tpu.dma_semaphore, #tpu.memory_space<semaphore_mem>>) src(%arg8 : memref<80x128xf32, #tpu.memory_space<vmem>>) dst(%dma_wait3A_116 : memref<80x128xf32, #tpu.memory_space<vmem_shared>>)
    %mul3A_117 = arith.constant 640 : i32
    %mul3A_118 = arith.muli %arg1, %mul3A_117 : i32
    %add3A_119 = arith.constant 240 : i32
    %add3A_120 = arith.addi %mul3A_118, %add3A_119 : i32
    %dma_wait3A_121 = arith.constant 0 : i32
    %dma_wait3A_122 = tpu.memref_slice %arg10[%add3A_120, %dma_wait3A_121] : memref<10240x128xf32, #tpu.memory_space<vmem_shared>> -> memref<80x128xf32, #tpu.memory_space<vmem_shared>>
    %dma_wait3A_123 = arith.constant 0 : i32
    %dma_wait3A_124 = tpu.memref_slice %arg10[%add3A_120, %dma_wait3A_123] : memref<10240x128xf32, #tpu.memory_space<vmem_shared>> -> memref<80x128xf32, #tpu.memory_space<vmem_shared>>
    tpu.wait_dma2 semaphore(%arg13 : memref<!tpu.dma_semaphore, #tpu.memory_space<semaphore_mem>>) src(%arg8 : memref<80x128xf32, #tpu.memory_space<vmem>>) dst(%dma_wait3A_124 : memref<80x128xf32, #tpu.memory_space<vmem_shared>>)
    %mul3A_125 = arith.constant 640 : i32
    %mul3A_126 = arith.muli %arg1, %mul3A_125 : i32
    %add3A_127 = arith.constant 320 : i32
    %add3A_128 = arith.addi %mul3A_126, %add3A_127 : i32
    %dma_wait3A_129 = arith.constant 0 : i32
    %dma_wait3A_130 = tpu.memref_slice %arg10[%add3A_128, %dma_wait3A_129] : memref<10240x128xf32, #tpu.memory_space<vmem_shared>> -> memref<80x128xf32, #tpu.memory_space<vmem_shared>>
    %dma_wait3A_131 = arith.constant 0 : i32
    %dma_wait3A_132 = tpu.memref_slice %arg10[%add3A_128, %dma_wait3A_131] : memref<10240x128xf32, #tpu.memory_space<vmem_shared>> -> memref<80x128xf32, #tpu.memory_space<vmem_shared>>
    tpu.wait_dma2 semaphore(%arg13 : memref<!tpu.dma_semaphore, #tpu.memory_space<semaphore_mem>>) src(%arg8 : memref<80x128xf32, #tpu.memory_space<vmem>>) dst(%dma_wait3A_132 : memref<80x128xf32, #tpu.memory_space<vmem_shared>>)
    %mul3A_133 = arith.constant 640 : i32
    %mul3A_134 = arith.muli %arg1, %mul3A_133 : i32
    %add3A_135 = arith.constant 400 : i32
    %add3A_136 = arith.addi %mul3A_134, %add3A_135 : i32
    %dma_wait3A_137 = arith.constant 0 : i32
    %dma_wait3A_138 = tpu.memref_slice %arg10[%add3A_136, %dma_wait3A_137] : memref<10240x128xf32, #tpu.memory_space<vmem_shared>> -> memref<80x128xf32, #tpu.memory_space<vmem_shared>>
    %dma_wait3A_139 = arith.constant 0 : i32
    %dma_wait3A_140 = tpu.memref_slice %arg10[%add3A_136, %dma_wait3A_139] : memref<10240x128xf32, #tpu.memory_space<vmem_shared>> -> memref<80x128xf32, #tpu.memory_space<vmem_shared>>
    tpu.wait_dma2 semaphore(%arg13 : memref<!tpu.dma_semaphore, #tpu.memory_space<semaphore_mem>>) src(%arg8 : memref<80x128xf32, #tpu.memory_space<vmem>>) dst(%dma_wait3A_140 : memref<80x128xf32, #tpu.memory_space<vmem_shared>>)
    %mul3A_141 = arith.constant 640 : i32
    %mul3A_142 = arith.muli %arg1, %mul3A_141 : i32
    %add3A_143 = arith.constant 480 : i32
    %add3A_144 = arith.addi %mul3A_142, %add3A_143 : i32
    %dma_wait3A_145 = arith.constant 0 : i32
    %dma_wait3A_146 = tpu.memref_slice %arg10[%add3A_144, %dma_wait3A_145] : memref<10240x128xf32, #tpu.memory_space<vmem_shared>> -> memref<80x128xf32, #tpu.memory_space<vmem_shared>>
    %dma_wait3A_147 = arith.constant 0 : i32
    %dma_wait3A_148 = tpu.memref_slice %arg10[%add3A_144, %dma_wait3A_147] : memref<10240x128xf32, #tpu.memory_space<vmem_shared>> -> memref<80x128xf32, #tpu.memory_space<vmem_shared>>
    tpu.wait_dma2 semaphore(%arg13 : memref<!tpu.dma_semaphore, #tpu.memory_space<semaphore_mem>>) src(%arg8 : memref<80x128xf32, #tpu.memory_space<vmem>>) dst(%dma_wait3A_148 : memref<80x128xf32, #tpu.memory_space<vmem_shared>>)
    %mul3A_149 = arith.constant 640 : i32
    %mul3A_150 = arith.muli %arg1, %mul3A_149 : i32
    %add3A_151 = arith.constant 560 : i32
    %add3A_152 = arith.addi %mul3A_150, %add3A_151 : i32
    %dma_wait3A_153 = arith.constant 0 : i32
    %dma_wait3A_154 = tpu.memref_slice %arg10[%add3A_152, %dma_wait3A_153] : memref<10240x128xf32, #tpu.memory_space<vmem_shared>> -> memref<80x128xf32, #tpu.memory_space<vmem_shared>>
    %dma_wait3A_155 = arith.constant 0 : i32
    %dma_wait3A_156 = tpu.memref_slice %arg10[%add3A_152, %dma_wait3A_155] : memref<10240x128xf32, #tpu.memory_space<vmem_shared>> -> memref<80x128xf32, #tpu.memory_space<vmem_shared>>
    tpu.wait_dma2 semaphore(%arg13 : memref<!tpu.dma_semaphore, #tpu.memory_space<semaphore_mem>>) src(%arg8 : memref<80x128xf32, #tpu.memory_space<vmem>>) dst(%dma_wait3A_156 : memref<80x128xf32, #tpu.memory_space<vmem_shared>>)
    %barrier3A = arith.constant 0 : index
    tpu.barrier barrier_id(%barrier3A)
    %dma_start3A_157 = arith.constant 0 : i32
    %dma_start3A_158 = arith.constant 0 : i32
    %dma_start3A_159 = tpu.memref_slice %arg8[%dma_start3A_157, %dma_start3A_158] : memref<80x128xf32, #tpu.memory_space<vmem>> -> memref<40x128xf32, #tpu.memory_space<vmem>>
    %dma_start3A_160 = arith.constant 0 : i32
    %dma_start3A_161 = tpu.memref_slice %arg6[%dma_start3A_160] : memref<10000xi32, #tpu.memory_space<vmem>> -> memref<40xi32, #tpu.memory_space<vmem>>
    %dma_start3A_162 = arith.constant 0 : i32
    %dma_start3A_163 = arith.constant 0 : i32
    %dma_start3A_164 = tpu.memref_slice %arg4[%dma_start3A_162, %dma_start3A_163] : memref<10000x128xf32, #tpu.memory_space<hbm>> -> memref<10000x128xf32, #tpu.memory_space<hbm>>
    tpu.enqueue_indirect_dma source(%dma_start3A_164 : memref<10000x128xf32, #tpu.memory_space<hbm>>) target(%dma_start3A_159 : memref<40x128xf32, #tpu.memory_space<vmem>>) offsets(%dma_start3A_161 : memref<40xi32, #tpu.memory_space<vmem>>) semaphore(%arg11 : memref<!tpu.dma_semaphore, #tpu.memory_space<semaphore_mem>>)
    %dma_start3A_165 = arith.constant 40 : i32
    %dma_start3A_166 = arith.constant 0 : i32
    %dma_start3A_167 = tpu.memref_slice %arg8[%dma_start3A_165, %dma_start3A_166] : memref<80x128xf32, #tpu.memory_space<vmem>> -> memref<40x128xf32, #tpu.memory_space<vmem>>
    %dma_start3A_168 = arith.constant 40 : i32
    %dma_start3A_169 = tpu.memref_slice %arg6[%dma_start3A_168] : memref<10000xi32, #tpu.memory_space<vmem>> -> memref<40xi32, #tpu.memory_space<vmem>>
    %dma_start3A_170 = arith.constant 0 : i32
    %dma_start3A_171 = arith.constant 0 : i32
    %dma_start3A_172 = tpu.memref_slice %arg4[%dma_start3A_170, %dma_start3A_171] : memref<10000x128xf32, #tpu.memory_space<hbm>> -> memref<10000x128xf32, #tpu.memory_space<hbm>>
    tpu.enqueue_indirect_dma source(%dma_start3A_172 : memref<10000x128xf32, #tpu.memory_space<hbm>>) target(%dma_start3A_167 : memref<40x128xf32, #tpu.memory_space<vmem>>) offsets(%dma_start3A_169 : memref<40xi32, #tpu.memory_space<vmem>>) semaphore(%arg11 : memref<!tpu.dma_semaphore, #tpu.memory_space<semaphore_mem>>)
    %scan3A_173 = arith.constant 0 : i32
    %scan3A_174 = arith.constant 0 : i32
    %scan3A_175 = arith.constant 62 : i32
    %scan3A_176 = arith.addi %scan3A_174, %scan3A_175 : i32
    %scan3A_177 = arith.constant 1 : i32
    scf.for %scan3A_200 = %scan3A_174 to %scan3A_176 step %scan3A_177  : i32 {
      %mul3A_201 = arith.constant 2 : i32
      %mul3A_202 = arith.muli %mul3A_201, %scan3A_200 : i32
      %mul3A_203 = arith.constant 80 : i32
      %mul3A_204 = arith.muli %mul3A_202, %mul3A_203 : i32
      %dma_wait3A_205 = arith.constant 0 : i32
      %dma_wait3A_206 = arith.constant 0 : i32
      %dma_wait3A_207 = tpu.memref_slice %arg8[%dma_wait3A_205, %dma_wait3A_206] : memref<80x128xf32, #tpu.memory_space<vmem>> -> memref<40x128xf32, #tpu.memory_space<vmem>>
      %dma_wait3A_208 = tpu.memref_slice %arg6[%mul3A_204] : memref<10000xi32, #tpu.memory_space<vmem>> -> memref<40xi32, #tpu.memory_space<vmem>>
      %dma_wait3A_209 = arith.constant 0 : i32
      %dma_wait3A_210 = arith.constant 0 : i32
      %dma_wait3A_211 = tpu.memref_slice %arg4[%dma_wait3A_209, %dma_wait3A_210] : memref<10000x128xf32, #tpu.memory_space<hbm>> -> memref<10000x128xf32, #tpu.memory_space<hbm>>
      tpu.wait_indirect_dma semaphore(%arg11 : memref<!tpu.dma_semaphore, #tpu.memory_space<semaphore_mem>>) src(%dma_wait3A_211 : memref<10000x128xf32, #tpu.memory_space<hbm>>) dst(%dma_wait3A_207 : memref<40x128xf32, #tpu.memory_space<vmem>>)
      %mul3A_212 = arith.constant 80 : i32
      %mul3A_213 = arith.muli %mul3A_202, %mul3A_212 : i32
      %add3A_214 = arith.constant 40 : i32
      %add3A_215 = arith.addi %mul3A_213, %add3A_214 : i32
      %dma_wait3A_216 = arith.constant 40 : i32
      %dma_wait3A_217 = arith.constant 0 : i32
      %dma_wait3A_218 = tpu.memref_slice %arg8[%dma_wait3A_216, %dma_wait3A_217] : memref<80x128xf32, #tpu.memory_space<vmem>> -> memref<40x128xf32, #tpu.memory_space<vmem>>
      %dma_wait3A_219 = tpu.memref_slice %arg6[%add3A_215] : memref<10000xi32, #tpu.memory_space<vmem>> -> memref<40xi32, #tpu.memory_space<vmem>>
      %dma_wait3A_220 = arith.constant 0 : i32
      %dma_wait3A_221 = arith.constant 0 : i32
      %dma_wait3A_222 = tpu.memref_slice %arg4[%dma_wait3A_220, %dma_wait3A_221] : memref<10000x128xf32, #tpu.memory_space<hbm>> -> memref<10000x128xf32, #tpu.memory_space<hbm>>
      tpu.wait_indirect_dma semaphore(%arg11 : memref<!tpu.dma_semaphore, #tpu.memory_space<semaphore_mem>>) src(%dma_wait3A_222 : memref<10000x128xf32, #tpu.memory_space<hbm>>) dst(%dma_wait3A_218 : memref<40x128xf32, #tpu.memory_space<vmem>>)
      %add3A_223 = arith.constant 1 : i32
      %add3A_224 = arith.addi %mul3A_202, %add3A_223 : i32
      %mul3A_225 = arith.constant 80 : i32
      %mul3A_226 = arith.muli %add3A_224, %mul3A_225 : i32
      %dma_start3A_227 = arith.constant 0 : i32
      %dma_start3A_228 = arith.constant 0 : i32
      %dma_start3A_229 = tpu.memref_slice %arg9[%dma_start3A_227, %dma_start3A_228] : memref<80x128xf32, #tpu.memory_space<vmem>> -> memref<40x128xf32, #tpu.memory_space<vmem>>
      %dma_start3A_230 = tpu.memref_slice %arg6[%mul3A_226] : memref<10000xi32, #tpu.memory_space<vmem>> -> memref<40xi32, #tpu.memory_space<vmem>>
      %dma_start3A_231 = arith.constant 0 : i32
      %dma_start3A_232 = arith.constant 0 : i32
      %dma_start3A_233 = tpu.memref_slice %arg4[%dma_start3A_231, %dma_start3A_232] : memref<10000x128xf32, #tpu.memory_space<hbm>> -> memref<10000x128xf32, #tpu.memory_space<hbm>>
      tpu.enqueue_indirect_dma source(%dma_start3A_233 : memref<10000x128xf32, #tpu.memory_space<hbm>>) target(%dma_start3A_229 : memref<40x128xf32, #tpu.memory_space<vmem>>) offsets(%dma_start3A_230 : memref<40xi32, #tpu.memory_space<vmem>>) semaphore(%arg12 : memref<!tpu.dma_semaphore, #tpu.memory_space<semaphore_mem>>)
      %mul3A_234 = arith.constant 80 : i32
      %mul3A_235 = arith.muli %add3A_224, %mul3A_234 : i32
      %add3A_236 = arith.constant 40 : i32
      %add3A_237 = arith.addi %mul3A_235, %add3A_236 : i32
      %dma_start3A_238 = arith.constant 40 : i32
      %dma_start3A_239 = arith.constant 0 : i32
      %dma_start3A_240 = tpu.memref_slice %arg9[%dma_start3A_238, %dma_start3A_239] : memref<80x128xf32, #tpu.memory_space<vmem>> -> memref<40x128xf32, #tpu.memory_space<vmem>>
      %dma_start3A_241 = tpu.memref_slice %arg6[%add3A_237] : memref<10000xi32, #tpu.memory_space<vmem>> -> memref<40xi32, #tpu.memory_space<vmem>>
      %dma_start3A_242 = arith.constant 0 : i32
      %dma_start3A_243 = arith.constant 0 : i32
      %dma_start3A_244 = tpu.memref_slice %arg4[%dma_start3A_242, %dma_start3A_243] : memref<10000x128xf32, #tpu.memory_space<hbm>> -> memref<10000x128xf32, #tpu.memory_space<hbm>>
      tpu.enqueue_indirect_dma source(%dma_start3A_244 : memref<10000x128xf32, #tpu.memory_space<hbm>>) target(%dma_start3A_240 : memref<40x128xf32, #tpu.memory_space<vmem>>) offsets(%dma_start3A_241 : memref<40xi32, #tpu.memory_space<vmem>>) semaphore(%arg12 : memref<!tpu.dma_semaphore, #tpu.memory_space<semaphore_mem>>)
      "tpu.region"() ({
        %run_scoped3A_291 = tpu.sem_alloc : memref<!tpu.dma_semaphore, #tpu.memory_space<semaphore_mem>>
        %dma_start3A_292 = arith.constant 0 : i32
        %dma_start3A_293 = tpu.memref_slice %arg7[%mul3A_202, %dma_start3A_292] : memref<125x80xi32, #tpu.memory_space<vmem>> -> memref<1x80xi32, #tpu.memory_space<vmem>>
        %dma_start3A_294 = tpu.memref_squeeze %dma_start3A_293 : memref<1x80xi32, #tpu.memory_space<vmem>> -> memref<80xi32, #tpu.memory_space<vmem>>
        %dma_start3A_295 = arith.constant 0 : i32
        %dma_start3A_296 = arith.constant 0 : i32
        %dma_start3A_297 = tpu.memref_slice %arg10[%dma_start3A_295, %dma_start3A_296] : memref<10240x128xf32, #tpu.memory_space<vmem_shared>> -> memref<10240x128xf32, #tpu.memory_space<vmem_shared>>
        tpu.enqueue_indirect_dma source(%arg8 : memref<80x128xf32, #tpu.memory_space<vmem>>) target(%dma_start3A_297 : memref<10240x128xf32, #tpu.memory_space<vmem_shared>>) offsets(%dma_start3A_294 : memref<80xi32, #tpu.memory_space<vmem>>) semaphore(%run_scoped3A_291 : memref<!tpu.dma_semaphore, #tpu.memory_space<semaphore_mem>>) {add = true}
        %dma_wait3A_298 = arith.constant 0 : i32
        %dma_wait3A_299 = tpu.memref_slice %arg7[%mul3A_202, %dma_wait3A_298] : memref<125x80xi32, #tpu.memory_space<vmem>> -> memref<1x80xi32, #tpu.memory_space<vmem>>
        %dma_wait3A_300 = tpu.memref_squeeze %dma_wait3A_299 : memref<1x80xi32, #tpu.memory_space<vmem>> -> memref<80xi32, #tpu.memory_space<vmem>>
        %dma_wait3A_301 = arith.constant 0 : i32
        %dma_wait3A_302 = arith.constant 0 : i32
        %dma_wait3A_303 = tpu.memref_slice %arg10[%dma_wait3A_301, %dma_wait3A_302] : memref<10240x128xf32, #tpu.memory_space<vmem_shared>> -> memref<10240x128xf32, #tpu.memory_space<vmem_shared>>
        tpu.wait_indirect_dma semaphore(%run_scoped3A_291 : memref<!tpu.dma_semaphore, #tpu.memory_space<semaphore_mem>>) src(%arg8 : memref<80x128xf32, #tpu.memory_space<vmem>>) dst(%dma_wait3A_303 : memref<10240x128xf32, #tpu.memory_space<vmem_shared>>)
        tpu.yield
      }) : () -> ()
      %add3A_245 = arith.constant 1 : i32
      %add3A_246 = arith.addi %mul3A_202, %add3A_245 : i32
      %mul3A_247 = arith.constant 80 : i32
      %mul3A_248 = arith.muli %add3A_246, %mul3A_247 : i32
      %dma_wait3A_249 = arith.constant 0 : i32
      %dma_wait3A_250 = arith.constant 0 : i32
      %dma_wait3A_251 = tpu.memref_slice %arg9[%dma_wait3A_249, %dma_wait3A_250] : memref<80x128xf32, #tpu.memory_space<vmem>> -> memref<40x128xf32, #tpu.memory_space<vmem>>
      %dma_wait3A_252 = tpu.memref_slice %arg6[%mul3A_248] : memref<10000xi32, #tpu.memory_space<vmem>> -> memref<40xi32, #tpu.memory_space<vmem>>
      %dma_wait3A_253 = arith.constant 0 : i32
      %dma_wait3A_254 = arith.constant 0 : i32
      %dma_wait3A_255 = tpu.memref_slice %arg4[%dma_wait3A_253, %dma_wait3A_254] : memref<10000x128xf32, #tpu.memory_space<hbm>> -> memref<10000x128xf32, #tpu.memory_space<hbm>>
      tpu.wait_indirect_dma semaphore(%arg12 : memref<!tpu.dma_semaphore, #tpu.memory_space<semaphore_mem>>) src(%dma_wait3A_255 : memref<10000x128xf32, #tpu.memory_space<hbm>>) dst(%dma_wait3A_251 : memref<40x128xf32, #tpu.memory_space<vmem>>)
      %mul3A_256 = arith.constant 80 : i32
      %mul3A_257 = arith.muli %add3A_246, %mul3A_256 : i32
      %add3A_258 = arith.constant 40 : i32
      %add3A_259 = arith.addi %mul3A_257, %add3A_258 : i32
      %dma_wait3A_260 = arith.constant 40 : i32
      %dma_wait3A_261 = arith.constant 0 : i32
      %dma_wait3A_262 = tpu.memref_slice %arg9[%dma_wait3A_260, %dma_wait3A_261] : memref<80x128xf32, #tpu.memory_space<vmem>> -> memref<40x128xf32, #tpu.memory_space<vmem>>
      %dma_wait3A_263 = tpu.memref_slice %arg6[%add3A_259] : memref<10000xi32, #tpu.memory_space<vmem>> -> memref<40xi32, #tpu.memory_space<vmem>>
      %dma_wait3A_264 = arith.constant 0 : i32
      %dma_wait3A_265 = arith.constant 0 : i32
      %dma_wait3A_266 = tpu.memref_slice %arg4[%dma_wait3A_264, %dma_wait3A_265] : memref<10000x128xf32, #tpu.memory_space<hbm>> -> memref<10000x128xf32, #tpu.memory_space<hbm>>
      tpu.wait_indirect_dma semaphore(%arg12 : memref<!tpu.dma_semaphore, #tpu.memory_space<semaphore_mem>>) src(%dma_wait3A_266 : memref<10000x128xf32, #tpu.memory_space<hbm>>) dst(%dma_wait3A_262 : memref<40x128xf32, #tpu.memory_space<vmem>>)
      %add3A_267 = arith.constant 2 : i32
      %add3A_268 = arith.addi %mul3A_202, %add3A_267 : i32
      %mul3A_269 = arith.constant 80 : i32
      %mul3A_270 = arith.muli %add3A_268, %mul3A_269 : i32
      %dma_start3A_271 = arith.constant 0 : i32
      %dma_start3A_272 = arith.constant 0 : i32
      %dma_start3A_273 = tpu.memref_slice %arg8[%dma_start3A_271, %dma_start3A_272] : memref<80x128xf32, #tpu.memory_space<vmem>> -> memref<40x128xf32, #tpu.memory_space<vmem>>
      %dma_start3A_274 = tpu.memref_slice %arg6[%mul3A_270] : memref<10000xi32, #tpu.memory_space<vmem>> -> memref<40xi32, #tpu.memory_space<vmem>>
      %dma_start3A_275 = arith.constant 0 : i32
      %dma_start3A_276 = arith.constant 0 : i32
      %dma_start3A_277 = tpu.memref_slice %arg4[%dma_start3A_275, %dma_start3A_276] : memref<10000x128xf32, #tpu.memory_space<hbm>> -> memref<10000x128xf32, #tpu.memory_space<hbm>>
      tpu.enqueue_indirect_dma source(%dma_start3A_277 : memref<10000x128xf32, #tpu.memory_space<hbm>>) target(%dma_start3A_273 : memref<40x128xf32, #tpu.memory_space<vmem>>) offsets(%dma_start3A_274 : memref<40xi32, #tpu.memory_space<vmem>>) semaphore(%arg11 : memref<!tpu.dma_semaphore, #tpu.memory_space<semaphore_mem>>)
      %mul3A_278 = arith.constant 80 : i32
      %mul3A_279 = arith.muli %add3A_268, %mul3A_278 : i32
      %add3A_280 = arith.constant 40 : i32
      %add3A_281 = arith.addi %mul3A_279, %add3A_280 : i32
      %dma_start3A_282 = arith.constant 40 : i32
      %dma_start3A_283 = arith.constant 0 : i32
      %dma_start3A_284 = tpu.memref_slice %arg8[%dma_start3A_282, %dma_start3A_283] : memref<80x128xf32, #tpu.memory_space<vmem>> -> memref<40x128xf32, #tpu.memory_space<vmem>>
      %dma_start3A_285 = tpu.memref_slice %arg6[%add3A_281] : memref<10000xi32, #tpu.memory_space<vmem>> -> memref<40xi32, #tpu.memory_space<vmem>>
      %dma_start3A_286 = arith.constant 0 : i32
      %dma_start3A_287 = arith.constant 0 : i32
      %dma_start3A_288 = tpu.memref_slice %arg4[%dma_start3A_286, %dma_start3A_287] : memref<10000x128xf32, #tpu.memory_space<hbm>> -> memref<10000x128xf32, #tpu.memory_space<hbm>>
      tpu.enqueue_indirect_dma source(%dma_start3A_288 : memref<10000x128xf32, #tpu.memory_space<hbm>>) target(%dma_start3A_284 : memref<40x128xf32, #tpu.memory_space<vmem>>) offsets(%dma_start3A_285 : memref<40xi32, #tpu.memory_space<vmem>>) semaphore(%arg11 : memref<!tpu.dma_semaphore, #tpu.memory_space<semaphore_mem>>)
      %add3A_289 = arith.constant 1 : i32
      %add3A_290 = arith.addi %mul3A_202, %add3A_289 : i32
      "tpu.region"() ({
        %run_scoped3A_291 = tpu.sem_alloc : memref<!tpu.dma_semaphore, #tpu.memory_space<semaphore_mem>>
        %dma_start3A_292 = arith.constant 0 : i32
        %dma_start3A_293 = tpu.memref_slice %arg7[%add3A_290, %dma_start3A_292] : memref<125x80xi32, #tpu.memory_space<vmem>> -> memref<1x80xi32, #tpu.memory_space<vmem>>
        %dma_start3A_294 = tpu.memref_squeeze %dma_start3A_293 : memref<1x80xi32, #tpu.memory_space<vmem>> -> memref<80xi32, #tpu.memory_space<vmem>>
        %dma_start3A_295 = arith.constant 0 : i32
        %dma_start3A_296 = arith.constant 0 : i32
        %dma_start3A_297 = tpu.memref_slice %arg10[%dma_start3A_295, %dma_start3A_296] : memref<10240x128xf32, #tpu.memory_space<vmem_shared>> -> memref<10240x128xf32, #tpu.memory_space<vmem_shared>>
        tpu.enqueue_indirect_dma source(%arg9 : memref<80x128xf32, #tpu.memory_space<vmem>>) target(%dma_start3A_297 : memref<10240x128xf32, #tpu.memory_space<vmem_shared>>) offsets(%dma_start3A_294 : memref<80xi32, #tpu.memory_space<vmem>>) semaphore(%run_scoped3A_291 : memref<!tpu.dma_semaphore, #tpu.memory_space<semaphore_mem>>) {add = true}
        %dma_wait3A_298 = arith.constant 0 : i32
        %dma_wait3A_299 = tpu.memref_slice %arg7[%add3A_290, %dma_wait3A_298] : memref<125x80xi32, #tpu.memory_space<vmem>> -> memref<1x80xi32, #tpu.memory_space<vmem>>
        %dma_wait3A_300 = tpu.memref_squeeze %dma_wait3A_299 : memref<1x80xi32, #tpu.memory_space<vmem>> -> memref<80xi32, #tpu.memory_space<vmem>>
        %dma_wait3A_301 = arith.constant 0 : i32
        %dma_wait3A_302 = arith.constant 0 : i32
        %dma_wait3A_303 = tpu.memref_slice %arg10[%dma_wait3A_301, %dma_wait3A_302] : memref<10240x128xf32, #tpu.memory_space<vmem_shared>> -> memref<10240x128xf32, #tpu.memory_space<vmem_shared>>
        tpu.wait_indirect_dma semaphore(%run_scoped3A_291 : memref<!tpu.dma_semaphore, #tpu.memory_space<semaphore_mem>>) src(%arg9 : memref<80x128xf32, #tpu.memory_space<vmem>>) dst(%dma_wait3A_303 : memref<10240x128xf32, #tpu.memory_space<vmem_shared>>)
        tpu.yield
      }) : () -> ()
    }
    %scan3A_178 = arith.constant 62 : i32
    %dma_wait3A_179 = arith.constant 0 : i32
    %dma_wait3A_180 = arith.constant 0 : i32
    %dma_wait3A_181 = tpu.memref_slice %arg8[%dma_wait3A_179, %dma_wait3A_180] : memref<80x128xf32, #tpu.memory_space<vmem>> -> memref<40x128xf32, #tpu.memory_space<vmem>>
    %dma_wait3A_182 = arith.constant 9920 : i32
    %dma_wait3A_183 = tpu.memref_slice %arg6[%dma_wait3A_182] : memref<10000xi32, #tpu.memory_space<vmem>> -> memref<40xi32, #tpu.memory_space<vmem>>
    %dma_wait3A_184 = arith.constant 0 : i32
    %dma_wait3A_185 = arith.constant 0 : i32
    %dma_wait3A_186 = tpu.memref_slice %arg4[%dma_wait3A_184, %dma_wait3A_185] : memref<10000x128xf32, #tpu.memory_space<hbm>> -> memref<10000x128xf32, #tpu.memory_space<hbm>>
    tpu.wait_indirect_dma semaphore(%arg11 : memref<!tpu.dma_semaphore, #tpu.memory_space<semaphore_mem>>) src(%dma_wait3A_186 : memref<10000x128xf32, #tpu.memory_space<hbm>>) dst(%dma_wait3A_181 : memref<40x128xf32, #tpu.memory_space<vmem>>)
    %dma_wait3A_187 = arith.constant 40 : i32
    %dma_wait3A_188 = arith.constant 0 : i32
    %dma_wait3A_189 = tpu.memref_slice %arg8[%dma_wait3A_187, %dma_wait3A_188] : memref<80x128xf32, #tpu.memory_space<vmem>> -> memref<40x128xf32, #tpu.memory_space<vmem>>
    %dma_wait3A_190 = arith.constant 9960 : i32
    %dma_wait3A_191 = tpu.memref_slice %arg6[%dma_wait3A_190] : memref<10000xi32, #tpu.memory_space<vmem>> -> memref<40xi32, #tpu.memory_space<vmem>>
    %dma_wait3A_192 = arith.constant 0 : i32
    %dma_wait3A_193 = arith.constant 0 : i32
    %dma_wait3A_194 = tpu.memref_slice %arg4[%dma_wait3A_192, %dma_wait3A_193] : memref<10000x128xf32, #tpu.memory_space<hbm>> -> memref<10000x128xf32, #tpu.memory_space<hbm>>
    tpu.wait_indirect_dma semaphore(%arg11 : memref<!tpu.dma_semaphore, #tpu.memory_space<semaphore_mem>>) src(%dma_wait3A_194 : memref<10000x128xf32, #tpu.memory_space<hbm>>) dst(%dma_wait3A_189 : memref<40x128xf32, #tpu.memory_space<vmem>>)
    %run_scoped3A = arith.constant 124 : i32
    "tpu.region"() ({
      %run_scoped3A_200 = tpu.sem_alloc : memref<!tpu.dma_semaphore, #tpu.memory_space<semaphore_mem>>
      %dma_start3A_201 = arith.constant 0 : i32
      %dma_start3A_202 = tpu.memref_slice %arg7[%run_scoped3A, %dma_start3A_201] : memref<125x80xi32, #tpu.memory_space<vmem>> -> memref<1x80xi32, #tpu.memory_space<vmem>>
      %dma_start3A_203 = tpu.memref_squeeze %dma_start3A_202 : memref<1x80xi32, #tpu.memory_space<vmem>> -> memref<80xi32, #tpu.memory_space<vmem>>
      %dma_start3A_204 = arith.constant 0 : i32
      %dma_start3A_205 = arith.constant 0 : i32
      %dma_start3A_206 = tpu.memref_slice %arg10[%dma_start3A_204, %dma_start3A_205] : memref<10240x128xf32, #tpu.memory_space<vmem_shared>> -> memref<10240x128xf32, #tpu.memory_space<vmem_shared>>
      tpu.enqueue_indirect_dma source(%arg8 : memref<80x128xf32, #tpu.memory_space<vmem>>) target(%dma_start3A_206 : memref<10240x128xf32, #tpu.memory_space<vmem_shared>>) offsets(%dma_start3A_203 : memref<80xi32, #tpu.memory_space<vmem>>) semaphore(%run_scoped3A_200 : memref<!tpu.dma_semaphore, #tpu.memory_space<semaphore_mem>>) {add = true}
      %dma_wait3A_207 = arith.constant 0 : i32
      %dma_wait3A_208 = tpu.memref_slice %arg7[%run_scoped3A, %dma_wait3A_207] : memref<125x80xi32, #tpu.memory_space<vmem>> -> memref<1x80xi32, #tpu.memory_space<vmem>>
      %dma_wait3A_209 = tpu.memref_squeeze %dma_wait3A_208 : memref<1x80xi32, #tpu.memory_space<vmem>> -> memref<80xi32, #tpu.memory_space<vmem>>
      %dma_wait3A_210 = arith.constant 0 : i32
      %dma_wait3A_211 = arith.constant 0 : i32
      %dma_wait3A_212 = tpu.memref_slice %arg10[%dma_wait3A_210, %dma_wait3A_211] : memref<10240x128xf32, #tpu.memory_space<vmem_shared>> -> memref<10240x128xf32, #tpu.memory_space<vmem_shared>>
      tpu.wait_indirect_dma semaphore(%run_scoped3A_200 : memref<!tpu.dma_semaphore, #tpu.memory_space<semaphore_mem>>) src(%arg8 : memref<80x128xf32, #tpu.memory_space<vmem>>) dst(%dma_wait3A_212 : memref<10240x128xf32, #tpu.memory_space<vmem_shared>>)
      tpu.yield
    }) : () -> ()
    %barrier3A_195 = arith.constant 0 : index
    tpu.barrier barrier_id(%barrier3A_195)
    %mul3A_196 = arith.constant 640 : i32
    %mul3A_197 = arith.muli %arg1, %mul3A_196 : i32
    %mul3A_198 = arith.constant 640 : i32
    %mul3A_199 = arith.muli %arg1, %mul3A_198 : i32
    "tpu.region"() ({
      %run_scoped3A_200 = tpu.sem_alloc : memref<!tpu.dma_semaphore, #tpu.memory_space<semaphore_mem>>
      %dma_start3A_201 = arith.constant 0 : i32
      %dma_start3A_202 = tpu.memref_slice %arg5[%arg0, %mul3A_199, %dma_start3A_201] : memref<2x10240x128xf32, #tpu.memory_space<hbm>> -> memref<1x640x128xf32, #tpu.memory_space<hbm>>
      %dma_start3A_203 = tpu.memref_squeeze %dma_start3A_202 : memref<1x640x128xf32, #tpu.memory_space<hbm>> -> memref<640x128xf32, #tpu.memory_space<hbm>>
      %dma_start3A_204 = arith.constant 0 : i32
      %dma_start3A_205 = tpu.memref_slice %arg10[%mul3A_197, %dma_start3A_204] : memref<10240x128xf32, #tpu.memory_space<vmem_shared>> -> memref<640x128xf32, #tpu.memory_space<vmem_shared>>
      tpu.enqueue_dma source(%dma_start3A_205 : memref<640x128xf32, #tpu.memory_space<vmem_shared>>) target(%dma_start3A_203 : memref<640x128xf32, #tpu.memory_space<hbm>>) target_semaphore(%run_scoped3A_200 : memref<!tpu.dma_semaphore, #tpu.memory_space<semaphore_mem>>)
      %dma_wait3A_206 = arith.constant 0 : i32
      %dma_wait3A_207 = tpu.memref_slice %arg5[%arg0, %mul3A_199, %dma_wait3A_206] : memref<2x10240x128xf32, #tpu.memory_space<hbm>> -> memref<1x640x128xf32, #tpu.memory_space<hbm>>
      %dma_wait3A_208 = tpu.memref_squeeze %dma_wait3A_207 : memref<1x640x128xf32, #tpu.memory_space<hbm>> -> memref<640x128xf32, #tpu.memory_space<hbm>>
      %dma_wait3A_209 = arith.constant 0 : i32
      %dma_wait3A_210 = tpu.memref_slice %arg10[%mul3A_197, %dma_wait3A_209] : memref<10240x128xf32, #tpu.memory_space<vmem_shared>> -> memref<640x128xf32, #tpu.memory_space<vmem_shared>>
      tpu.wait_dma2 semaphore(%run_scoped3A_200 : memref<!tpu.dma_semaphore, #tpu.memory_space<semaphore_mem>>) src(%dma_wait3A_210 : memref<640x128xf32, #tpu.memory_space<vmem_shared>>) dst(%dma_wait3A_208 : memref<640x128xf32, #tpu.memory_space<hbm>>)
      tpu.yield
    }) : () -> ()
    return
  }
}

module attributes {stable_mosaic.version = 14 : i64} {
  func.func @body(%arg0: i32, %arg1: memref<1x1000x128xf32, #tpu.memory_space<vmem>>, %arg2: memref<1x1000x128xf32, #tpu.memory_space<vmem>>, %arg3: memref<1000x128xf32, #tpu.memory_space<vmem>>, %arg4: memref<1x1000x128xf32, #tpu.memory_space<vmem>>, %arg5: memref<1x1000x128xf32, #tpu.memory_space<vmem>>, %arg6: memref<1000x128xf32, #tpu.memory_space<vmem>>, %arg7: memref<1000x128xf32, #tpu.memory_space<vmem>>) attributes {dimension_semantics = [#tpu.dimension_semantics<arbitrary>], iteration_bounds = array<i64: 10>, scalar_prefetch = 0 : i64, scratch_operands = 0 : i64, tpu.core_type = #tpu.core_type<tc>, window_params = [{transform_indices = @transform_0, window_bounds = array<i64: 1, 1000, 128>}, {transform_indices = @transform_1, window_bounds = array<i64: 1, 1000, 128>}, {transform_indices = @transform_2, window_bounds = array<i64: 1000, 128>}, {transform_indices = @transform_3, window_bounds = array<i64: 1, 1000, 128>}, {transform_indices = @transform_4, window_bounds = array<i64: 1, 1000, 128>}, {transform_indices = @transform_5, window_bounds = array<i64: 1000, 128>}, {transform_indices = @transform_6, window_bounds = array<i64: 1000, 128>}]} {
    %get3A = arith.constant 0 : index
    %get3A_0 = arith.constant 0 : index
    %get3A_1 = arith.constant 0 : index
    %get3A_2 = vector.load %arg4[%get3A, %get3A_0, %get3A_1] : memref<1x1000x128xf32, #tpu.memory_space<vmem>>, vector<1x1000x128xf32>
    %get3A_3 = vector.shape_cast %get3A_2 : vector<1x1000x128xf32> to vector<1000x128xf32>
    %slice3A = vector.extract_strided_slice %get3A_3 {offsets = [0, 0], sizes = [1000, 1], strides = [1, 1]} : vector<1000x128xf32> to vector<1000x1xf32>
    %get3A_4 = arith.constant 0 : index
    %get3A_5 = arith.constant 0 : index
    %get3A_6 = arith.constant 0 : index
    %get3A_7 = vector.load %arg5[%get3A_4, %get3A_5, %get3A_6] : memref<1x1000x128xf32, #tpu.memory_space<vmem>>, vector<1x1000x128xf32>
    %get3A_8 = vector.shape_cast %get3A_7 : vector<1x1000x128xf32> to vector<1000x128xf32>
    %slice3A_9 = vector.extract_strided_slice %get3A_8 {offsets = [0, 0], sizes = [1000, 1], strides = [1, 1]} : vector<1000x128xf32> to vector<1000x1xf32>
    %add3A = arith.addf %slice3A, %slice3A_9 : vector<1000x1xf32>
    %add3A_10 = arith.constant 1.000000e+00 : f32
    %add3A_11 = vector.broadcast %add3A_10 : f32 to vector<1000x1xf32>
    %add3A_12 = arith.addf %add3A, %add3A_11 : vector<1000x1xf32>
    %rsqrt3A = math.rsqrt %add3A_12 : vector<1000x1xf32>
    %get3A_13 = arith.constant 0 : index
    %get3A_14 = arith.constant 0 : index
    %get3A_15 = arith.constant 0 : index
    %get3A_16 = vector.load %arg1[%get3A_13, %get3A_14, %get3A_15] : memref<1x1000x128xf32, #tpu.memory_space<vmem>>, vector<1x1000x128xf32>
    %get3A_17 = vector.shape_cast %get3A_16 : vector<1x1000x128xf32> to vector<1000x128xf32>
    %get3A_18 = arith.constant 0 : index
    %get3A_19 = arith.constant 0 : index
    %get3A_20 = arith.constant 0 : index
    %get3A_21 = vector.load %arg2[%get3A_18, %get3A_19, %get3A_20] : memref<1x1000x128xf32, #tpu.memory_space<vmem>>, vector<1x1000x128xf32>
    %get3A_22 = vector.shape_cast %get3A_21 : vector<1x1000x128xf32> to vector<1000x128xf32>
    %add3A_23 = arith.addf %get3A_17, %get3A_22 : vector<1000x128xf32>
    %mul3A = vector.broadcast %rsqrt3A : vector<1000x1xf32> to vector<1000x128xf32>
    %mul3A_24 = arith.mulf %mul3A, %add3A_23 : vector<1000x128xf32>
    %get3A_25 = arith.constant 0 : index
    %get3A_26 = arith.constant 0 : index
    %get3A_27 = vector.load %arg3[%get3A_25, %get3A_26] : memref<1000x128xf32, #tpu.memory_space<vmem>>, vector<1000x128xf32>
    %div3A = vector.broadcast %add3A_12 : vector<1000x1xf32> to vector<1000x128xf32>
    %div3A_28 = arith.divf %get3A_27, %div3A : vector<1000x128xf32>
    %add3A_29 = arith.addf %mul3A_24, %div3A_28 : vector<1000x128xf32>
    %swap3A = arith.constant 0 : index
    %swap3A_30 = arith.constant 0 : index
    %swap3A_31 = vector.load %arg6[%swap3A, %swap3A_30] : memref<1000x128xf32, #tpu.memory_space<vmem>>, vector<1000x128xf32>
    tpu.vector_store %arg6[%swap3A, %swap3A_30], %add3A_29 {strides = array<i32>} : memref<1000x128xf32, #tpu.memory_space<vmem>>, vector<1000x128xf32>,
    %mul3A_32 = vector.broadcast %rsqrt3A : vector<1000x1xf32> to vector<1000x128xf32>
    %mul3A_33 = arith.mulf %mul3A_32, %add3A_29 : vector<1000x128xf32>
    %swap3A_34 = arith.constant 0 : index
    %swap3A_35 = arith.constant 0 : index
    %swap3A_36 = vector.load %arg7[%swap3A_34, %swap3A_35] : memref<1000x128xf32, #tpu.memory_space<vmem>>, vector<1000x128xf32>
    tpu.vector_store %arg7[%swap3A_34, %swap3A_35], %mul3A_33 {strides = array<i32>} : memref<1000x128xf32, #tpu.memory_space<vmem>>, vector<1000x128xf32>,
    return
  }
  func.func @transform_0(%arg0: i32) -> (i32, i32, i32) {
    %c0_i32 = arith.constant 0 : i32
    %c0_i32_0 = arith.constant 0 : i32
    %c0_i32_1 = arith.constant 0 : i32
    return %c0_i32, %arg0, %c0_i32_0 : i32, i32, i32
  }
  func.func @transform_1(%arg0: i32) -> (i32, i32, i32) {
    %c1_i32 = arith.constant 1 : i32
    %c0_i32 = arith.constant 0 : i32
    %c0_i32_0 = arith.constant 0 : i32
    return %c1_i32, %arg0, %c0_i32 : i32, i32, i32
  }
  func.func @transform_2(%arg0: i32) -> (i32, i32) {
    %c0_i32 = arith.constant 0 : i32
    %c0_i32_0 = arith.constant 0 : i32
    return %arg0, %c0_i32 : i32, i32
  }
  func.func @transform_3(%arg0: i32) -> (i32, i32, i32) {
    %c0_i32 = arith.constant 0 : i32
    %c0_i32_0 = arith.constant 0 : i32
    %c0_i32_1 = arith.constant 0 : i32
    return %c0_i32, %arg0, %c0_i32_0 : i32, i32, i32
  }
  func.func @transform_4(%arg0: i32) -> (i32, i32, i32) {
    %c1_i32 = arith.constant 1 : i32
    %c0_i32 = arith.constant 0 : i32
    %c0_i32_0 = arith.constant 0 : i32
    return %c1_i32, %arg0, %c0_i32 : i32, i32, i32
  }
  func.func @transform_5(%arg0: i32) -> (i32, i32) {
    %c0_i32 = arith.constant 0 : i32
    %c0_i32_0 = arith.constant 0 : i32
    return %arg0, %c0_i32 : i32, i32
  }
  func.func @transform_6(%arg0: i32) -> (i32, i32) {
    %c0_i32 = arith.constant 0 : i32
    %c0_i32_0 = arith.constant 0 : i32
    return %arg0, %c0_i32 : i32, i32
  }
}

module attributes {stable_mosaic.version = 14 : i64} {
  func.func @body(%arg0: i32, %arg1: memref<1000x128xf32, #tpu.memory_space<vmem>>, %arg2: memref<1x1000x128xf32, #tpu.memory_space<vmem>>, %arg3: memref<1x1000x128xf32, #tpu.memory_space<vmem>>, %arg4: memref<1000x128xf32, #tpu.memory_space<vmem>>) attributes {dimension_semantics = [#tpu.dimension_semantics<arbitrary>], iteration_bounds = array<i64: 10>, scalar_prefetch = 0 : i64, scratch_operands = 0 : i64, tpu.core_type = #tpu.core_type<tc>, window_params = [{transform_indices = @transform_0, window_bounds = array<i64: 1000, 128>}, {transform_indices = @transform_1, window_bounds = array<i64: 1, 1000, 128>}, {transform_indices = @transform_2, window_bounds = array<i64: 1, 1000, 128>}, {transform_indices = @transform_3, window_bounds = array<i64: 1000, 128>}]} {
    %get3A = arith.constant 0 : index
    %get3A_0 = arith.constant 0 : index
    %get3A_1 = vector.load %arg1[%get3A, %get3A_0] : memref<1000x128xf32, #tpu.memory_space<vmem>>, vector<1000x128xf32>
    %get3A_2 = arith.constant 0 : index
    %get3A_3 = arith.constant 0 : index
    %get3A_4 = arith.constant 0 : index
    %get3A_5 = vector.load %arg2[%get3A_2, %get3A_3, %get3A_4] : memref<1x1000x128xf32, #tpu.memory_space<vmem>>, vector<1x1000x128xf32>
    %get3A_6 = vector.shape_cast %get3A_5 : vector<1x1000x128xf32> to vector<1000x128xf32>
    %slice3A = vector.extract_strided_slice %get3A_6 {offsets = [0, 0], sizes = [1000, 1], strides = [1, 1]} : vector<1000x128xf32> to vector<1000x1xf32>
    %get3A_7 = arith.constant 0 : index
    %get3A_8 = arith.constant 0 : index
    %get3A_9 = arith.constant 0 : index
    %get3A_10 = vector.load %arg3[%get3A_7, %get3A_8, %get3A_9] : memref<1x1000x128xf32, #tpu.memory_space<vmem>>, vector<1x1000x128xf32>
    %get3A_11 = vector.shape_cast %get3A_10 : vector<1x1000x128xf32> to vector<1000x128xf32>
    %slice3A_12 = vector.extract_strided_slice %get3A_11 {offsets = [0, 0], sizes = [1000, 1], strides = [1, 1]} : vector<1000x128xf32> to vector<1000x1xf32>
    %add3A = arith.addf %slice3A, %slice3A_12 : vector<1000x1xf32>
    %add3A_13 = arith.constant 1.000000e+00 : f32
    %add3A_14 = vector.broadcast %add3A_13 : f32 to vector<1000x1xf32>
    %add3A_15 = arith.addf %add3A, %add3A_14 : vector<1000x1xf32>
    %rsqrt3A = math.rsqrt %add3A_15 : vector<1000x1xf32>
    %mul3A = vector.broadcast %rsqrt3A : vector<1000x1xf32> to vector<1000x128xf32>
    %mul3A_16 = arith.mulf %get3A_1, %mul3A : vector<1000x128xf32>
    %swap3A = arith.constant 0 : index
    %swap3A_17 = arith.constant 0 : index
    %swap3A_18 = vector.load %arg4[%swap3A, %swap3A_17] : memref<1000x128xf32, #tpu.memory_space<vmem>>, vector<1000x128xf32>
    tpu.vector_store %arg4[%swap3A, %swap3A_17], %mul3A_16 {strides = array<i32>} : memref<1000x128xf32, #tpu.memory_space<vmem>>, vector<1000x128xf32>,
    return
  }
  func.func @transform_0(%arg0: i32) -> (i32, i32) {
    %c0_i32 = arith.constant 0 : i32
    %c0_i32_0 = arith.constant 0 : i32
    return %arg0, %c0_i32 : i32, i32
  }
  func.func @transform_1(%arg0: i32) -> (i32, i32, i32) {
    %c0_i32 = arith.constant 0 : i32
    %c0_i32_0 = arith.constant 0 : i32
    %c0_i32_1 = arith.constant 0 : i32
    return %c0_i32, %arg0, %c0_i32_0 : i32, i32, i32
  }
  func.func @transform_2(%arg0: i32) -> (i32, i32, i32) {
    %c1_i32 = arith.constant 1 : i32
    %c0_i32 = arith.constant 0 : i32
    %c0_i32_0 = arith.constant 0 : i32
    return %c1_i32, %arg0, %c0_i32 : i32, i32, i32
  }
  func.func @transform_3(%arg0: i32) -> (i32, i32) {
    %c0_i32 = arith.constant 0 : i32
    %c0_i32_0 = arith.constant 0 : i32
    return %arg0, %c0_i32 : i32, i32
  }
}

module attributes {stable_mosaic.version = 14 : i64} {
  func.func @body(%arg0: i32, %arg1: memref<1000x128xf32, #tpu.memory_space<vmem>>, %arg2: memref<1000x128xf32, #tpu.memory_space<vmem>>, %arg3: memref<128x128xf32, #tpu.memory_space<vmem>>, %arg4: memref<1x128xf32, #tpu.memory_space<vmem>>, %arg5: memref<128x128xf32, #tpu.memory_space<vmem>>, %arg6: memref<1x128xf32, #tpu.memory_space<vmem>>, %arg7: memref<1x1xi32, #tpu.memory_space<smem>>, %arg8: memref<1000x256xf32, #tpu.memory_space<vmem>>) attributes {dimension_semantics = [#tpu.dimension_semantics<arbitrary>], iteration_bounds = array<i64: 10>, scalar_prefetch = 0 : i64, scratch_operands = 0 : i64, tpu.core_type = #tpu.core_type<tc>, window_params = [{transform_indices = @transform_0, window_bounds = array<i64: 1000, 128>}, {transform_indices = @transform_1, window_bounds = array<i64: 1000, 128>}, {pipeline_mode = #tpu.pipeline_mode<synchronous>, transform_indices = @transform_2, window_bounds = array<i64: 128, 128>}, {pipeline_mode = #tpu.pipeline_mode<synchronous>, transform_indices = @transform_3, window_bounds = array<i64: 1, 128>}, {pipeline_mode = #tpu.pipeline_mode<synchronous>, transform_indices = @transform_4, window_bounds = array<i64: 128, 128>}, {pipeline_mode = #tpu.pipeline_mode<synchronous>, transform_indices = @transform_5, window_bounds = array<i64: 1, 128>}, {transform_indices = @transform_6, window_bounds = array<i64: 1, 1>}, {transform_indices = @transform_7, window_bounds = array<i64: 1000, 256>}]} {
    %get3A = arith.constant 0 : index
    %get3A_0 = arith.constant 0 : index
    %get3A_1 = memref.load %arg7[%get3A, %get3A_0] : memref<1x1xi32, #tpu.memory_space<smem>>
    %get3A_2 = arith.constant 0 : index
    %get3A_3 = arith.constant 0 : index
    %get3A_4 = vector.load %arg1[%get3A_2, %get3A_3] : memref<1000x128xf32, #tpu.memory_space<vmem>>, vector<1000x128xf32>
    %get3A_5 = arith.constant 0 : index
    %get3A_6 = arith.constant 0 : index
    %get3A_7 = vector.load %arg3[%get3A_5, %get3A_6] : memref<128x128xf32, #tpu.memory_space<vmem>>, vector<128x128xf32>
    %get3A_8 = arith.constant 0 : index
    %get3A_9 = arith.constant 0 : index
    %get3A_10 = vector.load %arg4[%get3A_8, %get3A_9] : memref<1x128xf32, #tpu.memory_space<vmem>>, vector<1x128xf32>
    %dot_general3A = arith.constant dense<0.000000e+00> : vector<1000x128xf32>
    %dot_general3A_11 = tpu.matmul %get3A_4, %get3A_7, %dot_general3A {dimension_numbers = #tpu.dot_dimension_numbers<[1], [1], [0], [0], [0, 0, 1, 0], [], []>, transpose_lhs_hint = false} : vector<1000x128xf32>, vector<128x128xf32>, vector<1000x128xf32> -> vector<1000x128xf32>
    %add3A = vector.broadcast %get3A_10 : vector<1x128xf32> to vector<1000x128xf32>
    %add3A_12 = arith.addf %dot_general3A_11, %add3A : vector<1000x128xf32>
    %mul3A = arith.mulf %add3A_12, %add3A_12 : vector<1000x128xf32>
    %reduce_sum3A = arith.constant dense<0.000000e+00> : vector<1000xf32>
    %reduce_sum3A_13 = vector.multi_reduction <add>, %mul3A, %reduce_sum3A [1] : vector<1000x128xf32> to vector<1000xf32>
    %broadcast_in_dim3A = vector.shape_cast %reduce_sum3A_13 : vector<1000xf32> to vector<1000x1xf32>
    %sqrt3A = math.sqrt %broadcast_in_dim3A : vector<1000x1xf32>
    %max3A = arith.constant 9.99999996E-13 : f32
    %max3A_14 = vector.broadcast %max3A : f32 to vector<1000x1xf32>
    %max3A_15 = arith.maximumf %sqrt3A, %max3A_14 : vector<1000x1xf32>
    %div3A = vector.broadcast %max3A_15 : vector<1000x1xf32> to vector<1000x128xf32>
    %div3A_16 = arith.divf %add3A_12, %div3A : vector<1000x128xf32>
    %eq3A = arith.constant 1 : i32
    %eq3A_17 = arith.cmpi eq, %get3A_1, %eq3A : i32
    %select_n3A = arith.select %eq3A_17, %div3A_16, %add3A_12 : vector<1000x128xf32>
    %swap3A = arith.constant 0 : index
    %swap3A_18 = arith.constant 0 : index
    %swap3A_19 = vector.load %arg8[%swap3A, %swap3A_18] : memref<1000x256xf32, #tpu.memory_space<vmem>>, vector<1000x128xf32>
    tpu.vector_store %arg8[%swap3A, %swap3A_18], %select_n3A {strides = array<i32>} : memref<1000x256xf32, #tpu.memory_space<vmem>>, vector<1000x128xf32>,
    %get3A_20 = arith.constant 0 : index
    %get3A_21 = arith.constant 0 : index
    %get3A_22 = vector.load %arg2[%get3A_20, %get3A_21] : memref<1000x128xf32, #tpu.memory_space<vmem>>, vector<1000x128xf32>
    %get3A_23 = arith.constant 0 : index
    %get3A_24 = arith.constant 0 : index
    %get3A_25 = vector.load %arg5[%get3A_23, %get3A_24] : memref<128x128xf32, #tpu.memory_space<vmem>>, vector<128x128xf32>
    %get3A_26 = arith.constant 0 : index
    %get3A_27 = arith.constant 0 : index
    %get3A_28 = vector.load %arg6[%get3A_26, %get3A_27] : memref<1x128xf32, #tpu.memory_space<vmem>>, vector<1x128xf32>
    %dot_general3A_29 = arith.constant dense<0.000000e+00> : vector<1000x128xf32>
    %dot_general3A_30 = tpu.matmul %get3A_22, %get3A_25, %dot_general3A_29 {dimension_numbers = #tpu.dot_dimension_numbers<[1], [1], [0], [0], [0, 0, 1, 0], [], []>, transpose_lhs_hint = false} : vector<1000x128xf32>, vector<128x128xf32>, vector<1000x128xf32> -> vector<1000x128xf32>
    %add3A_31 = vector.broadcast %get3A_28 : vector<1x128xf32> to vector<1000x128xf32>
    %add3A_32 = arith.addf %dot_general3A_30, %add3A_31 : vector<1000x128xf32>
    %mul3A_33 = arith.mulf %add3A_32, %add3A_32 : vector<1000x128xf32>
    %reduce_sum3A_34 = arith.constant dense<0.000000e+00> : vector<1000xf32>
    %reduce_sum3A_35 = vector.multi_reduction <add>, %mul3A_33, %reduce_sum3A_34 [1] : vector<1000x128xf32> to vector<1000xf32>
    %broadcast_in_dim3A_36 = vector.shape_cast %reduce_sum3A_35 : vector<1000xf32> to vector<1000x1xf32>
    %sqrt3A_37 = math.sqrt %broadcast_in_dim3A_36 : vector<1000x1xf32>
    %max3A_38 = arith.constant 9.99999996E-13 : f32
    %max3A_39 = vector.broadcast %max3A_38 : f32 to vector<1000x1xf32>
    %max3A_40 = arith.maximumf %sqrt3A_37, %max3A_39 : vector<1000x1xf32>
    %div3A_41 = vector.broadcast %max3A_40 : vector<1000x1xf32> to vector<1000x128xf32>
    %div3A_42 = arith.divf %add3A_32, %div3A_41 : vector<1000x128xf32>
    %eq3A_43 = arith.constant 1 : i32
    %eq3A_44 = arith.cmpi eq, %get3A_1, %eq3A_43 : i32
    %select_n3A_45 = arith.select %eq3A_44, %div3A_42, %add3A_32 : vector<1000x128xf32>
    %swap3A_46 = arith.constant 0 : index
    %swap3A_47 = arith.constant 128 : index
    %swap3A_48 = vector.load %arg8[%swap3A_46, %swap3A_47] : memref<1000x256xf32, #tpu.memory_space<vmem>>, vector<1000x128xf32>
    tpu.vector_store %arg8[%swap3A_46, %swap3A_47], %select_n3A_45 {strides = array<i32>} : memref<1000x256xf32, #tpu.memory_space<vmem>>, vector<1000x128xf32>,
    return
  }
  func.func @transform_0(%arg0: i32) -> (i32, i32) {
    %c0_i32 = arith.constant 0 : i32
    %c0_i32_0 = arith.constant 0 : i32
    return %arg0, %c0_i32 : i32, i32
  }
  func.func @transform_1(%arg0: i32) -> (i32, i32) {
    %c0_i32 = arith.constant 0 : i32
    %c0_i32_0 = arith.constant 0 : i32
    return %arg0, %c0_i32 : i32, i32
  }
  func.func @transform_2(%arg0: i32) -> (i32, i32) {
    %c0_i32 = arith.constant 0 : i32
    %c0_i32_0 = arith.constant 0 : i32
    %c0_i32_1 = arith.constant 0 : i32
    return %c0_i32, %c0_i32_0 : i32, i32
  }
  func.func @transform_3(%arg0: i32) -> (i32, i32) {
    %c0_i32 = arith.constant 0 : i32
    %c0_i32_0 = arith.constant 0 : i32
    %c0_i32_1 = arith.constant 0 : i32
    return %c0_i32, %c0_i32_0 : i32, i32
  }
  func.func @transform_4(%arg0: i32) -> (i32, i32) {
    %c0_i32 = arith.constant 0 : i32
    %c0_i32_0 = arith.constant 0 : i32
    %c0_i32_1 = arith.constant 0 : i32
    return %c0_i32, %c0_i32_0 : i32, i32
  }
  func.func @transform_5(%arg0: i32) -> (i32, i32) {
    %c0_i32 = arith.constant 0 : i32
    %c0_i32_0 = arith.constant 0 : i32
    %c0_i32_1 = arith.constant 0 : i32
    return %c0_i32, %c0_i32_0 : i32, i32
  }
  func.func @transform_6(%arg0: i32) -> (i32, i32) {
    %c0_i32 = arith.constant 0 : i32
    %c0_i32_0 = arith.constant 0 : i32
    %c0_i32_1 = arith.constant 0 : i32
    return %c0_i32, %c0_i32_0 : i32, i32
  }
  func.func @transform_7(%arg0: i32) -> (i32, i32) {
    %c0_i32 = arith.constant 0 : i32
    %c0_i32_0 = arith.constant 0 : i32
    return %arg0, %c0_i32 : i32, i32
  }
}

module attributes {stable_mosaic.version = 14 : i64} {
  func.func @body(%arg0: i32, %arg1: memref<1x1000x128xf32, #tpu.memory_space<vmem>>, %arg2: memref<1x1000x128xf32, #tpu.memory_space<vmem>>, %arg3: memref<1000x128xf32, #tpu.memory_space<vmem>>, %arg4: memref<1x1000x128xf32, #tpu.memory_space<vmem>>, %arg5: memref<1x1000x128xf32, #tpu.memory_space<vmem>>, %arg6: memref<128x128xf32, #tpu.memory_space<vmem>>, %arg7: memref<1x128xf32, #tpu.memory_space<vmem>>, %arg8: memref<1x1xi32, #tpu.memory_space<smem>>, %arg9: memref<1000x128xf32, #tpu.memory_space<vmem>>) attributes {dimension_semantics = [#tpu.dimension_semantics<arbitrary>], iteration_bounds = array<i64: 10>, scalar_prefetch = 0 : i64, scratch_operands = 0 : i64, tpu.core_type = #tpu.core_type<tc>, window_params = [{transform_indices = @transform_0, window_bounds = array<i64: 1, 1000, 128>}, {transform_indices = @transform_1, window_bounds = array<i64: 1, 1000, 128>}, {transform_indices = @transform_2, window_bounds = array<i64: 1000, 128>}, {transform_indices = @transform_3, window_bounds = array<i64: 1, 1000, 128>}, {transform_indices = @transform_4, window_bounds = array<i64: 1, 1000, 128>}, {pipeline_mode = #tpu.pipeline_mode<synchronous>, transform_indices = @transform_5, window_bounds = array<i64: 128, 128>}, {pipeline_mode = #tpu.pipeline_mode<synchronous>, transform_indices = @transform_6, window_bounds = array<i64: 1, 128>}, {transform_indices = @transform_7, window_bounds = array<i64: 1, 1>}, {transform_indices = @transform_8, window_bounds = array<i64: 1000, 128>}]} {
    %get3A = arith.constant 0 : index
    %get3A_0 = arith.constant 0 : index
    %get3A_1 = arith.constant 0 : index
    %get3A_2 = vector.load %arg4[%get3A, %get3A_0, %get3A_1] : memref<1x1000x128xf32, #tpu.memory_space<vmem>>, vector<1x1000x128xf32>
    %get3A_3 = vector.shape_cast %get3A_2 : vector<1x1000x128xf32> to vector<1000x128xf32>
    %slice3A = vector.extract_strided_slice %get3A_3 {offsets = [0, 0], sizes = [1000, 1], strides = [1, 1]} : vector<1000x128xf32> to vector<1000x1xf32>
    %get3A_4 = arith.constant 0 : index
    %get3A_5 = arith.constant 0 : index
    %get3A_6 = arith.constant 0 : index
    %get3A_7 = vector.load %arg5[%get3A_4, %get3A_5, %get3A_6] : memref<1x1000x128xf32, #tpu.memory_space<vmem>>, vector<1x1000x128xf32>
    %get3A_8 = vector.shape_cast %get3A_7 : vector<1x1000x128xf32> to vector<1000x128xf32>
    %slice3A_9 = vector.extract_strided_slice %get3A_8 {offsets = [0, 0], sizes = [1000, 1], strides = [1, 1]} : vector<1000x128xf32> to vector<1000x1xf32>
    %add3A = arith.addf %slice3A, %slice3A_9 : vector<1000x1xf32>
    %add3A_10 = arith.constant 1.000000e+00 : f32
    %add3A_11 = vector.broadcast %add3A_10 : f32 to vector<1000x1xf32>
    %add3A_12 = arith.addf %add3A, %add3A_11 : vector<1000x1xf32>
    %rsqrt3A = math.rsqrt %add3A_12 : vector<1000x1xf32>
    %get3A_13 = arith.constant 0 : index
    %get3A_14 = arith.constant 0 : index
    %get3A_15 = arith.constant 0 : index
    %get3A_16 = vector.load %arg1[%get3A_13, %get3A_14, %get3A_15] : memref<1x1000x128xf32, #tpu.memory_space<vmem>>, vector<1x1000x128xf32>
    %get3A_17 = vector.shape_cast %get3A_16 : vector<1x1000x128xf32> to vector<1000x128xf32>
    %get3A_18 = arith.constant 0 : index
    %get3A_19 = arith.constant 0 : index
    %get3A_20 = arith.constant 0 : index
    %get3A_21 = vector.load %arg2[%get3A_18, %get3A_19, %get3A_20] : memref<1x1000x128xf32, #tpu.memory_space<vmem>>, vector<1x1000x128xf32>
    %get3A_22 = vector.shape_cast %get3A_21 : vector<1x1000x128xf32> to vector<1000x128xf32>
    %add3A_23 = arith.addf %get3A_17, %get3A_22 : vector<1000x128xf32>
    %mul3A = vector.broadcast %rsqrt3A : vector<1000x1xf32> to vector<1000x128xf32>
    %mul3A_24 = arith.mulf %mul3A, %add3A_23 : vector<1000x128xf32>
    %get3A_25 = arith.constant 0 : index
    %get3A_26 = arith.constant 0 : index
    %get3A_27 = vector.load %arg3[%get3A_25, %get3A_26] : memref<1000x128xf32, #tpu.memory_space<vmem>>, vector<1000x128xf32>
    %div3A = vector.broadcast %add3A_12 : vector<1000x1xf32> to vector<1000x128xf32>
    %div3A_28 = arith.divf %get3A_27, %div3A : vector<1000x128xf32>
    %add3A_29 = arith.addf %mul3A_24, %div3A_28 : vector<1000x128xf32>
    %get3A_30 = arith.constant 0 : index
    %get3A_31 = arith.constant 0 : index
    %get3A_32 = vector.load %arg6[%get3A_30, %get3A_31] : memref<128x128xf32, #tpu.memory_space<vmem>>, vector<128x128xf32>
    %get3A_33 = arith.constant 0 : index
    %get3A_34 = arith.constant 0 : index
    %get3A_35 = vector.load %arg7[%get3A_33, %get3A_34] : memref<1x128xf32, #tpu.memory_space<vmem>>, vector<1x128xf32>
    %get3A_36 = arith.constant 0 : index
    %get3A_37 = arith.constant 0 : index
    %get3A_38 = memref.load %arg8[%get3A_36, %get3A_37] : memref<1x1xi32, #tpu.memory_space<smem>>
    %dot_general3A = arith.constant dense<0.000000e+00> : vector<1000x128xf32>
    %dot_general3A_39 = tpu.matmul %add3A_29, %get3A_32, %dot_general3A {dimension_numbers = #tpu.dot_dimension_numbers<[1], [1], [0], [0], [0, 0, 1, 0], [], []>, transpose_lhs_hint = false} : vector<1000x128xf32>, vector<128x128xf32>, vector<1000x128xf32> -> vector<1000x128xf32>
    %add3A_40 = vector.broadcast %get3A_35 : vector<1x128xf32> to vector<1000x128xf32>
    %add3A_41 = arith.addf %dot_general3A_39, %add3A_40 : vector<1000x128xf32>
    %mul3A_42 = arith.mulf %add3A_41, %add3A_41 : vector<1000x128xf32>
    %reduce_sum3A = arith.constant dense<0.000000e+00> : vector<1000xf32>
    %reduce_sum3A_43 = vector.multi_reduction <add>, %mul3A_42, %reduce_sum3A [1] : vector<1000x128xf32> to vector<1000xf32>
    %broadcast_in_dim3A = vector.shape_cast %reduce_sum3A_43 : vector<1000xf32> to vector<1000x1xf32>
    %sqrt3A = math.sqrt %broadcast_in_dim3A : vector<1000x1xf32>
    %max3A = arith.constant 9.99999996E-13 : f32
    %max3A_44 = vector.broadcast %max3A : f32 to vector<1000x1xf32>
    %max3A_45 = arith.maximumf %sqrt3A, %max3A_44 : vector<1000x1xf32>
    %div3A_46 = vector.broadcast %max3A_45 : vector<1000x1xf32> to vector<1000x128xf32>
    %div3A_47 = arith.divf %add3A_41, %div3A_46 : vector<1000x128xf32>
    %eq3A = arith.constant 1 : i32
    %eq3A_48 = arith.cmpi eq, %get3A_38, %eq3A : i32
    %select_n3A = arith.select %eq3A_48, %div3A_47, %add3A_41 : vector<1000x128xf32>
    %swap3A = arith.constant 0 : index
    %swap3A_49 = arith.constant 0 : index
    %swap3A_50 = vector.load %arg9[%swap3A, %swap3A_49] : memref<1000x128xf32, #tpu.memory_space<vmem>>, vector<1000x128xf32>
    tpu.vector_store %arg9[%swap3A, %swap3A_49], %select_n3A {strides = array<i32>} : memref<1000x128xf32, #tpu.memory_space<vmem>>, vector<1000x128xf32>,
    return
  }
  func.func @transform_0(%arg0: i32) -> (i32, i32, i32) {
    %c0_i32 = arith.constant 0 : i32
    %c0_i32_0 = arith.constant 0 : i32
    %c0_i32_1 = arith.constant 0 : i32
    return %c0_i32, %arg0, %c0_i32_0 : i32, i32, i32
  }
  func.func @transform_1(%arg0: i32) -> (i32, i32, i32) {
    %c1_i32 = arith.constant 1 : i32
    %c0_i32 = arith.constant 0 : i32
    %c0_i32_0 = arith.constant 0 : i32
    return %c1_i32, %arg0, %c0_i32 : i32, i32, i32
  }
  func.func @transform_2(%arg0: i32) -> (i32, i32) {
    %c0_i32 = arith.constant 0 : i32
    %c0_i32_0 = arith.constant 0 : i32
    return %arg0, %c0_i32 : i32, i32
  }
  func.func @transform_3(%arg0: i32) -> (i32, i32, i32) {
    %c0_i32 = arith.constant 0 : i32
    %c0_i32_0 = arith.constant 0 : i32
    %c0_i32_1 = arith.constant 0 : i32
    return %c0_i32, %arg0, %c0_i32_0 : i32, i32, i32
  }
  func.func @transform_4(%arg0: i32) -> (i32, i32, i32) {
    %c1_i32 = arith.constant 1 : i32
    %c0_i32 = arith.constant 0 : i32
    %c0_i32_0 = arith.constant 0 : i32
    return %c1_i32, %arg0, %c0_i32 : i32, i32, i32
  }
  func.func @transform_5(%arg0: i32) -> (i32, i32) {
    %c0_i32 = arith.constant 0 : i32
    %c0_i32_0 = arith.constant 0 : i32
    %c0_i32_1 = arith.constant 0 : i32
    return %c0_i32, %c0_i32_0 : i32, i32
  }
  func.func @transform_6(%arg0: i32) -> (i32, i32) {
    %c0_i32 = arith.constant 0 : i32
    %c0_i32_0 = arith.constant 0 : i32
    %c0_i32_1 = arith.constant 0 : i32
    return %c0_i32, %c0_i32_0 : i32, i32
  }
  func.func @transform_7(%arg0: i32) -> (i32, i32) {
    %c0_i32 = arith.constant 0 : i32
    %c0_i32_0 = arith.constant 0 : i32
    %c0_i32_1 = arith.constant 0 : i32
    return %c0_i32, %c0_i32_0 : i32, i32
  }
  func.func @transform_8(%arg0: i32) -> (i32, i32) {
    %c0_i32 = arith.constant 0 : i32
    %c0_i32_0 = arith.constant 0 : i32
    return %arg0, %c0_i32 : i32, i32
  }
}

</mosaic_0001>

<sc_bundles>
// kernel: kernel.12.cloned.1.call-start
scs
__scs_entry_jumppad:
0x0: {  	(pc) =	sbr.rel $0x88, $3  }
0x1: {  	(tag) =	ssettag $0x0;
	lr =	simm.s32 $0x1  }
0x2: {  	[smem:$0x3F98] =	sst lr;
	_ =	strace $0xD0000000  }
0x3: {  	_ = 	snop  }
0x4: {  	_ = 	snop  }
0x5: {  	_ = 	snop  }
0x6: {  	_ = 	snop  }
0x7: {  	_ = 	snop  }
__scs_overlays_trampoline_lowered:
0x8: {  	[smem:$0x3FA7] =	sst s0  }
0x9: {  	[smem:$0x3FA8] =	sst s1  }
0xa: {  	[smem:$0x3FA9] =	sst s2  }
0xb: {  	[smem:$0x3FAA] =	sst s3  }
0xc: {  	[smem:$0x3FAB] =	sst s4  }
0xd: {  	[smem:$0x3FAC] =	sst s5  }
0xe: {  	[smem:$0x3FAD] =	sst s6  }
0xf: {  	[smem:$0x3FAE] =	sst s7  }
0x10: {  	[smem:$0x3FAF] =	sst s8  }
0x11: {  	[smem:$0x3FB0] =	sst s9;
	s0 =	simm.s32 @!p0 $0x0  }
0x12: {  	s1 =	sld [smem:$0x3F96];
	s0 =	simm.s32 @p0 $0x1  }
0x13: {  	[smem:$0x3FB1] =	sst s0;
	s0 =	simm.s32 @!p1 $0x0  }
0x14: {  	s2 =	sld [smem:$0x3F95];
	s0 =	simm.s32 @p1 $0x1  }
0x15: {  	[smem:$0x3FB2] =	sst s0;
	s0 =	simm.s32 @!p2 $0x0  }
0x16: {  	s3 =	sld [smem:$0x3FDB];
	s0 =	simm.s32 @p2 $0x1  }
0x17: {  	s4 =	simm.s32 $0x1BF5;
	[smem:$0x3FB4] =	sst s0  }
0x18: {  	s0 =	sld [smem:$0x3F97];
	_ =	swait.ge [sflag:s4], $0x0  }
0x19: {  	s7 =	sld [smem:$0x3F98]  }
0x1a: {  	s8 =	sadd.s32 $0xFFFFE003, lr  }
0x1b: {  	s9 =	sadd.s32 $0xFFFFFEF7, lr;
	s5 =	simm.s32 $0xFFFFFFFF;
	p2 =	slt.u32 s8, $0xFFFFF086  }
0x1c: {  	p1 =	slt.u32 s9, $0xF7A;
	s5 =	simm.s32 @!p2 $0x0  }
0x1d: {  	s5 =	simm.s32 @p1 $0x1;
	p0 =	seq.s32 s7, s2  }
0x1e: {  	s7 =	smul.u32 @!p0 $0xF7A, s2;
	p2 =	seq.s32 @!p0 s5, $0x0  }
0x1f: {  	s9 =	smul.u32 $0xF7A, s1;
	s8 =	simm.s32 @!p0 $0x1BF5;
	p2 =	por !p2, p0  }
0x20: {  	[sflag:s8] =	ssyncset.s32 @!p0 $0xFFFFF086;
	s6 =	sadd.s32 @!p0 s3, s7;
	s7 =	simm.s32 @!p0 $0x108  }
0x21: {  	s3 =	sadd.s32 s3, s9;
	s6 =	sadd.s32 @!p0 $0x88, s6;
	s7 =	simm.s32 @p2 $0x1082  }
0x22: {  	[simem:s7], [sflag:s8] =	dma.local @!p0 [hbm:s6], $0xF7A  }
0x23: {  	s9 =	sor.u32 $0xD0000000, s2;
	s6 =	simm.s32 $0x108;
	_ =	swait.ge @!p0 [sflag:s8], $0x0  }
0x24: {  	s3 =	sadd.s32 $0x88, s3;
	s6 =	simm.s32 @!p1 $0x1082;
	[sflag:s4] =	ssyncset.s32 $0xFFFFF086  }
0x25: {  	[simem:s6], [sflag:s4] =	dma.local [hbm:s3], $0xF7A  }
0x26: {  	[smem:$0x3F98] =	sst s1;
	(tag) =	ssettag s2;
	_ =	strace s9  }
0x27: {  	s1 =	sld [smem:$0x3FA8]  }
0x28: {  	s2 =	sld [smem:$0x3FA9]  }
0x29: {  	s4 =	sld [smem:$0x3FAB]  }
0x2a: {  	p0 =	seq.s32 s5, $0x0;
	s5 =	sld [smem:$0x3FAC]  }
0x2b: {  	s6 =	sld [smem:$0x3FAD]  }
0x2c: {  	s7 =	sld [smem:$0x3FAE]  }
0x2d: {  	s3 =	simm.s32 $0x108;
	s8 =	sld [smem:$0x3FAF]  }
0x2e: {  	s3 =	simm.s32 @!p0 $0x1082;
	s9 =	sld [smem:$0x3FB0]  }
0x2f: {  	lr =	sadd.s32 s0, s3;
	s0 =	sld [smem:$0x3FA7]  }
0x30: {  	s3 =	sld [smem:$0x3FAA]  }
0x31: {  	[smem:$0x3FB3] =	sst s10  }
0x32: {  	s10 =	sld [smem:$0x3FB1];
	_ =	sdelay $0x3  }
0x33: {  	p0 =	seq.s32 s10, $0x1;
	s10 =	sld [smem:$0x3FB3];
	_ =	sdelay $0x3  }
0x34: {  	[smem:$0x3FB3] =	sst s10  }
0x35: {  	s10 =	sld [smem:$0x3FB2];
	_ =	sdelay $0x3  }
0x36: {  	p1 =	seq.s32 s10, $0x1;
	s10 =	sld [smem:$0x3FB3];
	_ =	sdelay $0x3  }
0x37: {  	[smem:$0x3FB3] =	sst s10  }
0x38: {  	s10 =	sld [smem:$0x3FB4]  }
0x39: {  	_ = 	snop;
	(pc) =	sbr.ind lr, $3  }
0x3a: {  	_ = 	snop  }
0x3b: {  	_ = 	snop  }
0x3c: {  	p2 =	seq.s32 s10, $0x1;
	s10 =	sld [smem:$0x3FB3]  }
0x3d: {  	_ =	shalt  }
0x3e: {  	_ =	shalt  }
0x3f: {  	_ =	shalt  }
0x40: {  	_ =	shalt  }
0x41: {  	_ =	shalt  }
0x42: {  	_ =	shalt  }
0x43: {  	_ =	shalt  }
0x44: {  	_ =	shalt  }
0x45: {  	_ =	shalt  }
0x46: {  	_ =	shalt  }
0x47: {  	_ =	shalt  }
0x48: {  	_ =	shalt  }
0x49: {  	_ =	shalt  }
0x4a: {  	_ =	shalt  }
0x4b: {  	_ =	shalt  }
0x4c: {  	_ =	shalt  }
0x4d: {  	_ =	shalt  }
0x4e: {  	_ =	shalt  }
0x4f: {  	_ =	shalt  }
0x50: {  	_ =	shalt  }
0x51: {  	_ =	shalt  }
0x52: {  	_ =	shalt  }
0x53: {  	_ =	shalt  }
0x54: {  	_ =	shalt  }
0x55: {  	_ =	shalt  }
0x56: {  	_ =	shalt  }
0x57: {  	_ =	shalt  }
0x58: {  	_ =	shalt  }
0x59: {  	_ =	shalt  }
0x5a: {  	_ =	shalt  }
0x5b: {  	_ =	shalt  }
0x5c: {  	_ =	shalt  }
0x5d: {  	_ =	shalt  }
0x5e: {  	_ =	shalt  }
0x5f: {  	_ =	shalt  }
0x60: {  	_ =	shalt  }
0x61: {  	_ =	shalt  }
0x62: {  	_ =	shalt  }
0x63: {  	_ =	shalt  }
0x64: {  	_ =	shalt  }
0x65: {  	_ =	shalt  }
0x66: {  	_ =	shalt  }
0x67: {  	_ =	shalt  }
0x68: {  	_ =	shalt  }
0x69: {  	_ =	shalt  }
0x6a: {  	_ =	shalt  }
0x6b: {  	_ =	shalt  }
0x6c: {  	_ =	shalt  }
0x6d: {  	_ =	shalt  }
0x6e: {  	_ =	shalt  }
0x6f: {  	_ =	shalt  }
0x70: {  	_ =	shalt  }
0x71: {  	_ =	shalt  }
0x72: {  	_ =	shalt  }
0x73: {  	_ =	shalt  }
0x74: {  	_ =	shalt  }
0x75: {  	_ =	shalt  }
0x76: {  	_ =	shalt  }
0x77: {  	_ =	shalt  }
0x78: {  	_ =	shalt  }
0x79: {  	_ =	shalt  }
0x7a: {  	_ =	shalt  }
0x7b: {  	_ =	shalt  }
0x7c: {  	_ =	shalt  }
0x7d: {  	_ =	shalt  }
0x7e: {  	_ =	shalt  }
0x7f: {  	_ =	shalt  }
0x80: {  	_ =	shalt  }
0x81: {  	_ =	shalt  }
0x82: {  	_ =	shalt  }
0x83: {  	_ =	shalt  }
0x84: {  	_ =	shalt  }
0x85: {  	_ =	shalt  }
0x86: {  	_ =	shalt  }
0x87: {  	_ =	shalt  }
.Lfunc_end0:
.L_simem_size_0:
called_computation.1_lowered:
.L_overlay_start_0:
0x88: {  	s2 =	sld [smem:$0x3FD9]  }
0x89: {  	s3 =	sld [smem:$0x3FFE];
	_ =	sdelay $0x1  }
0x8a: {  	s1 =	srdreg.scid  }
0x8b: {  	s0 =	sand.u32 $0x1, s1  }
0x8c: {  	s17 =	sshll.u32 s0, $0xA;
	s2 =	sadd.s32 s3, s2  }
0x8d: {  	s2 =	sadd.s32 s2, s17  }
0x8e: {  	[smem:$0x3FBF] =	sst s2  }
0x8f: {  	_ = 	snop  }
0x90: {  	s2 =	sld [smem:$0x3FD0];
	(tm) =	ssettm $0x1  }
0x91: {  	s18 =	sld [smem:$0x3FFB];
	_ =	sdelay $0x3  }
0x92: {  	_ =	strace s18  }
0x93: {  	s3 =	sld [smem:$0x3FFC];
	_ =	sdelay $0x3  }
0x94: {  	_ =	strace s3  }
0x95: {  	s3 =	sld [smem:$0x3FFD];
	_ =	sdelay $0x3  }
0x96: {  	_ =	strace s3  }
0x97: {  	_ =	strace $0x8FFFFFFF  }
0x98: {  	s19 =	sld [smem:$0x3FDB];
	_ =	sdelay $0x1  }
0x99: {  	s4 =	simm.s32 $_scs_section_size  }
0x9a: {  	s5 =	simm.s32 $_size__tile_overlayer_lowered;
	s6 =	simm.s32 $_tile_overlayer_lowered  }
0x9b: {  	s22 =	simm.s32 $0x1BFF;
	s21 =	sshll.u32 s6, $0x1;
	s3 =	sadd.s32 s4, s19  }
0x9c: {  	s7 =	simm.s32 $0x0;
	s20 =	sshll.u32 s5, $0x1;
	s5 =	sadd.s32 s21, s3  }
0x9d: {  	[timem:s7], [sflag:s22] =	dma.local [hbm:s5], s20  }
0x9e: {  	_ =	swait.ge [sflag:s22], s20  }
0x9f: {  	s4 =	ssub.s32 $0x0, s20;
	[sflag:s22] =	ssyncset.done $0x0  }
0xa0: {  	[sflag:s22] =	ssyncadd.s32 s4;
	_ =	sdelay $0x1  }
0xa1: {  	s23 =	simm.s32 $0x1B8B  }
0xa2: {  	_ =	swait.ge [sflag:s23], $0x1  }
0xa3: {  	[sflag:s23] =	ssyncset.done $0x0  }
0xa4: {  	s25 =	simm.s32 $0x1B8E;
	s24 =	sld [smem:$0x3FFE];
	[sflag:s23] =	ssyncadd.s32 $0xFFFFFFFF  }
0xa5: {  	s26 =	simm.s32 $execute0_lowered;
	[smem:$0x3FD2] =	sst s25  }
0xa6: {  	s5 =	sshll.u32 s26, $0x1;
	_ =	strace $0x80000049;
	[dreg:$0x1] =	wrdreg $0xFFFFFFFF  }
0xa7: {  	s28 =	simm.s32 $_size_execute0_lowered;
	s3 =	sadd.s32 s3, s5;
	[dreg:$0x0] =	wrdreg $0x0  }
0xa8: {  	s5 =	sshll.u32 s28, $0x1;
	[dreg:$0x2] =	wrdreg s3  }
0xa9: {  	[dreg:$0x3] =	wrdreg s5  }
0xaa: {  	[dreg:$0x4] =	wrdreg $0xC0  }
0xab: {  	_ =	task [dreg:s7], $0x5FFFF  }
0xac: {  	[dreg:$0x1] =	wrdreg $0xFFFFFFFF  }
0xad: {  	[dreg:$0x0] =	wrdreg $0x60  }
0xae: {  	[dreg:$0x2] =	wrdreg s24  }
0xaf: {  	[dreg:$0x3] =	wrdreg s2  }
0xb0: {  	[dreg:$0x4] =	wrdreg $0xB7800  }
0xb1: {  	[dreg:$0x5] =	wrdreg $0x9  }
0xb2: {  	_ =	task.clear_ibuf [dreg:s7], $0x6FFFF;
	_ =	strace $0x90000049  }
0xb3: {  	s29 =	simm.s32 $0x9;
	_ =	strace $0x8000004B  }
0xb4: {  	_ =	swait.ge [sflag:s29], $0x1  }
0xb5: {  	[sflag:s29] =	ssyncadd.s32 $0xFFFFFFFF  }
0xb6: {  	_ =	strace $0x9000004B  }
0xb7: {  	_ =	sfence  }
0xb8: {  	s30 =	sld [smem:$0x0];
	_ =	sdelay $0x2  }
0xb9: {  	s31 =	sshll.u32 s1, $0xD;
	s1 =	sshrl.u32 s1, $0x2  }
0xba: {  	s3 =	sand.u32 $0x4000, s31;
	s1 =	sadd.s32 s1, s30  }
0xbb: {  	s0 =	sor.u32 s3, s0;
	s1 =	sshll.u32 s1, $0x11  }
0xbc: {  	s0 =	sor.u32 s1, s0  }
0xbd: {  	s0 =	sadd.s32 $0x8F2B, s0  }
0xbe: {  	[sflag:s0] =	ssyncadd.remote.s32 $0x1  }
0xbf: {  	_ =	sfence.sel $0xFFFF  }
0xc0: {  	[dreg:$0x0] =	wrdreg $0xFFFFFFFF;
	(pc) =	sbr.abs _section_cstart, $3  }
0xc1: {  	[dreg:$0x1] =	wrdreg $0xFFFFFFFF  }
0xc2: {  	_ =	task.clear_ibuf [dreg:s7], $0x2FFFF;
	_ =	strace $0x9FFFFFFF  }
0xc3: {  	(tm) =	ssettm $0x7FFFFFFF  }
tec
execute0_lowered:
.L_overlay_start_1:
0x0: {  	(tag) =	ssettag $0x1  }
0x1: {  	s1 =	rddreg [dreg:$0x0];
	s2 =	srdreg.scid  }
0x2: {  	s0 =	stileid.u32;
	s15 =	rddreg [dreg:$0x1]  }
0x3: {  	s18 =	simm.s32 $0x6780;
	s19 =	simm.s32 $0x1;
	s20 =	simm.s32 $0x2  }
0x4: {  	s21 =	simm.s32 $0x3;
	s22 =	simm.s32 $0x28;
	s23 =	simm.s32 $0x7B80  }
0x5: {  	s24 =	simm.s32 $0x8F80;
	s25 =	simm.s32 $0xA380;
	s28 =	simm.s32 $0x4  }
0x6: {  	s29 =	simm.s32 $0x6580;
	s30 =	simm.s32 $0x0;
	s9 =	smul.u32 $0x50000, s0  }
0x7: {  	s6 =	sand.u32 $0x1, s2;
	s3 =	sshll.u32 s0, $0x1;
	s14 =	smul.u32 $0x14000, s0  }
0x8: {  	s2 =	rddreg [dreg:$0x2];
	s4 =	sor.u32 s6, s3;
	s13 =	smul.u32 $0x140000, s6  }
0x9: {  	s3 =	simm.s32 $0x0;
	s7 =	ssub.s32 $0x2, s6;
	s5 =	smul.u32 $0x4E2, s4  }
0xa: {  	[smem:$0x7FF] =	sst s3;
	s4 =	sshll.u32 s4, $0xB;
	s8 =	sshrl.u32 s7, $0x1  }
0xb: {  	s31 =	sshrl.u32 s9, $0x2;
	_ =	strace $0x8000004A;
	s10 =	sadd.s32 s4, s1  }
0xc: {  	s4 =	sadd.s32 $0x6C800, s1;
	s26 =	ssub.s32 s7, s8;
	s7 =	sadd.s32 s31, s2  }
0xd: {  	s16 =	sadd.s32 s14, s13;
	s5 =	sadd.s32 s5, s1;
	s6 =	sadd.s32 $0xC800, s10  }
0xe: {  	s8 =	sadd.s32 $0x2800, s7;
	s9 =	sadd.s32 $0x5000, s7;
	s10 =	sadd.s32 $0x7800, s7  }
0xf: {  	s11 =	sadd.s32 $0xA000, s7;
	s12 =	sadd.s32 $0xC800, s7;
	s13 =	sadd.s32 $0xF000, s7  }
0x10: {  	s14 =	sadd.s32 $0x11800, s7;
	s16 =	sshrl.u32 s16, $0x3;
	s5 =	sadd.s32 $0x2A00, s5  }
0x11: {  	v0 =	vimm.f32 $0.0e+00;
	s15 =	sadd.s32 s15, s16;
	s16 =	smax.u32 s26, $0x1;
	s26 =	simm.s32 $0x50  }
.LBB2_1:
0x12: {  	[tilespmem:s3], [sflag:$0x1] =	stream.linear.gather [hbm4b:s5+s3], $0x2710, $0x38;
	[tilespmem:$0x1F780] =	vst v63  }
0x13: {  	s0 =	simm.s32 $0x2780;
	s1 =	simm.s32 $0x0;
	s31 =	simm.s32 $0x200  }
0x14: {  	[tilespmem:s0], [sflag:$0x2] =	stream.linear.gather [hbm4b:s6+s3], $0x3E80, $0x38;
	[tilespmem:$0x1F780] =	vst v63  }
.LBB2_2:
0x15: {  	p0 =	sne.s32 s31, $0x9E00;
	[tilespmem:s1+$0x67F0] =	vst v0  }
0x16: {  	[tilespmem:s1+$0x6780] =	vst v0  }
0x17: {  	[tilespmem:s1+$0x6790] =	vst v0  }
.Ltmp0:
0x18: {  	[tilespmem:s1+$0x67A0] =	vst v0;
	(pc) =	sbr.rel @p0 .LBB2_2-.Ltmp0, $4  }
0x19: {  	[tilespmem:s1+$0x67B0] =	vst v0  }
0x1a: {  	[tilespmem:s1+$0x67C0] =	vst v0  }
0x1b: {  	[tilespmem:s1+$0x67D0] =	vst v0  }
0x1c: {  	[tilespmem:s1+$0x67E0] =	vst v0;
	s1 =	sshra.s32 s31, $0x2;
	s31 =	sadd.s32 $0x200, s31  }
0x1d: {  	[tilespmem:s1+$0x67F0] =	vst v0  }
0x1e: {  	[tilespmem:s1+$0x6780] =	vst v0  }
0x1f: {  	[tilespmem:s1+$0x6790] =	vst v0  }
0x20: {  	[tilespmem:s1+$0x67A0] =	vst v0  }
0x21: {  	[tilespmem:s1+$0x67B0] =	vst v0  }
0x22: {  	[tilespmem:s1+$0x67C0] =	vst v0  }
0x23: {  	[tilespmem:s1+$0x67D0] =	vst v0  }
0x24: {  	[tilespmem:s1+$0x67E0] =	vst v0  }
0x25: {  	[spmem:s7] =	stream.linear.scatter [tilespmem:s18], [sflag:$0x3], $0x2800, $0x38;
	[tilespmem:$0x1F780] =	vst v63  }
0x26: {  	_ = 	snop  }
0x27: {  	[spmem:s8] =	stream.linear.scatter [tilespmem:s18], [sflag:$0x3], $0x2800, $0x38;
	[tilespmem:$0x1F780] =	vst v63  }
0x28: {  	_ = 	snop  }
0x29: {  	[spmem:s9] =	stream.linear.scatter [tilespmem:s18], [sflag:$0x3], $0x2800, $0x38;
	[tilespmem:$0x1F780] =	vst v63  }
0x2a: {  	_ = 	snop  }
0x2b: {  	[spmem:s10] =	stream.linear.scatter [tilespmem:s18], [sflag:$0x3], $0x2800, $0x38;
	[tilespmem:$0x1F780] =	vst v63  }
0x2c: {  	_ = 	snop  }
0x2d: {  	[spmem:s11] =	stream.linear.scatter [tilespmem:s18], [sflag:$0x3], $0x2800, $0x38;
	[tilespmem:$0x1F780] =	vst v63  }
0x2e: {  	_ = 	snop  }
0x2f: {  	[spmem:s12] =	stream.linear.scatter [tilespmem:s18], [sflag:$0x3], $0x2800, $0x38;
	[tilespmem:$0x1F780] =	vst v63  }
0x30: {  	_ = 	snop  }
0x31: {  	[spmem:s13] =	stream.linear.scatter [tilespmem:s18], [sflag:$0x3], $0x2800, $0x38;
	[tilespmem:$0x1F780] =	vst v63  }
0x32: {  	_ = 	snop  }
0x33: {  	[spmem:s14] =	stream.linear.scatter [tilespmem:s18], [sflag:$0x3], $0x2800, $0x38;
	[tilespmem:$0x1F780] =	vst v63  }
0x34: {  	_ =	swait.ge [sflag:s19], $0x2710  }
0x35: {  	[sflag:s19] =	ssyncset.done $0x0  }
0x36: {  	[sflag:s19] =	ssyncadd.s32 $0xFFFFD8F0  }
0x37: {  	_ =	swait.ge [sflag:s20], $0x3E80  }
0x38: {  	[sflag:s20] =	ssyncset.done $0x0  }
0x39: {  	[sflag:s20] =	ssyncadd.s32 $0xFFFFC180  }
0x3a: {  	_ =	swait.ge [sflag:s21], $0x2800  }
0x3b: {  	[sflag:s21] =	ssyncset.done $0x0  }
0x3c: {  	[sflag:s21] =	ssyncadd.s32 $0xFFFFD800  }
0x3d: {  	_ =	swait.ge [sflag:s21], $0x2800  }
0x3e: {  	[sflag:s21] =	ssyncset.done $0x0  }
0x3f: {  	[sflag:s21] =	ssyncadd.s32 $0xFFFFD800  }
0x40: {  	_ =	swait.ge [sflag:s21], $0x2800  }
0x41: {  	[sflag:s21] =	ssyncset.done $0x0  }
0x42: {  	[sflag:s21] =	ssyncadd.s32 $0xFFFFD800  }
0x43: {  	_ =	swait.ge [sflag:s21], $0x2800  }
0x44: {  	[sflag:s21] =	ssyncset.done $0x0  }
0x45: {  	[sflag:s21] =	ssyncadd.s32 $0xFFFFD800  }
0x46: {  	_ =	swait.ge [sflag:s21], $0x2800  }
0x47: {  	[sflag:s21] =	ssyncset.done $0x0  }
0x48: {  	[sflag:s21] =	ssyncadd.s32 $0xFFFFD800  }
0x49: {  	_ =	swait.ge [sflag:s21], $0x2800  }
0x4a: {  	[sflag:s21] =	ssyncset.done $0x0  }
0x4b: {  	[sflag:s21] =	ssyncadd.s32 $0xFFFFD800  }
0x4c: {  	_ =	swait.ge [sflag:s21], $0x2800  }
0x4d: {  	[sflag:s21] =	ssyncset.done $0x0  }
0x4e: {  	[sflag:s21] =	ssyncadd.s32 $0xFFFFD800  }
0x4f: {  	_ =	swait.ge [sflag:s21], $0x2800  }
0x50: {  	[sflag:s21] =	ssyncset.done $0x0  }
0x51: {  	[sflag:s21] =	ssyncadd.s32 $0xFFFFD800  }
0x52: {  	s0 =	simm.s32 $0x0;
	[bflag:$0x0] =	sbarrier.arrive $0xFFFF  }
0x53: {  	[tilespmem:s18], [sflag:$0x1] =	stream.indirect.gather [hbm4b:s4+s22], $0x80, s0, s22, $0xb8;
	[tilespmem:$0x1F780] =	vst v63  }
0x54: {  	_ = 	snop  }
0x55: {  	[tilespmem:s23], [sflag:$0x1] =	stream.indirect.gather [hbm4b:s4+s22], $0x80, s22, s22, $0xb8;
	[tilespmem:$0x1F780] =	vst v63  }
0x56: {  	_ =	swait.ge [sflag:s19], $0x1400  }
0x57: {  	[sflag:s19] =	ssyncset.done $0x0  }
0x58: {  	[sflag:s19] =	ssyncadd.s32 $0xFFFFEC00  }
0x59: {  	_ =	swait.ge [sflag:s19], $0x1400  }
0x5a: {  	[sflag:s19] =	ssyncset.done $0x0  }
0x5b: {  	s17 =	simm.s32 $0x50;
	[sflag:s19] =	ssyncadd.s32 $0xFFFFEC00  }
0x5c: {  	[tilespmem:s24], [sflag:$0x2] =	stream.indirect.gather [hbm4b:s4+s22], $0x80, s17, s22, $0xb8;
	[tilespmem:$0x1F780] =	vst v63  }
0x5d: {  	s0 =	simm.s32 $0x78  }
0x5e: {  	[tilespmem:s25], [sflag:$0x2] =	stream.indirect.gather [hbm4b:s4+s22], $0x80, s0, s22, $0xb8;
	[tilespmem:$0x1F780] =	vst v63  }
0x5f: {  	s31 =	simm.s32 $0x2780  }
0x60: {  	[spmem:s2] =	stream.indirect.scatter.add.f32 [tilespmem:s18], [sflag:$0x4], $0x80, s31, s26, $0xb8;
	[tilespmem:$0x1F780] =	vst v63  }
0x61: {  	_ =	swait.ge [sflag:s28], $0x2800  }
0x62: {  	[sflag:s28] =	ssyncset.done $0x0  }
0x63: {  	[sflag:s28] =	ssyncadd.s32 $0xFFFFD800  }
0x64: {  	_ =	swait.ge [sflag:s20], $0x1400  }
0x65: {  	[sflag:s20] =	ssyncset.done $0x0  }
0x66: {  	[sflag:s20] =	ssyncadd.s32 $0xFFFFEC00  }
0x67: {  	_ =	swait.ge [sflag:s20], $0x1400  }
0x68: {  	[sflag:s20] =	ssyncset.done $0x0  }
0x69: {  	s17 =	simm.s32 $0xA0;
	[sflag:s20] =	ssyncadd.s32 $0xFFFFEC00  }
0x6a: {  	[tilespmem:s18], [sflag:$0x1] =	stream.indirect.gather [hbm4b:s4+s22], $0x80, s17, s22, $0xb8;
	[tilespmem:$0x1F780] =	vst v63  }
0x6b: {  	s0 =	simm.s32 $0xC8  }
0x6c: {  	[tilespmem:s23], [sflag:$0x1] =	stream.indirect.gather [hbm4b:s4+s22], $0x80, s0, s22, $0xb8;
	[tilespmem:$0x1F780] =	vst v63  }
0x6d: {  	s17 =	simm.s32 $0x2800  }
0x6e: {  	[spmem:s2] =	stream.indirect.scatter.add.f32 [tilespmem:s24], [sflag:$0x4], $0x80, s17, s26, $0xb8;
	[tilespmem:$0x1F780] =	vst v63  }
0x6f: {  	_ =	swait.ge [sflag:s28], $0x2800  }
0x70: {  	s1 =	simm.s32 $0x280;
	[sflag:s28] =	ssyncset.done $0x0  }
.LBB2_4:
0x71: {  	p0 =	sne.s32 s1, $0x9880;
	[sflag:s28] =	ssyncadd.s32 $0xFFFFD800;
	s31 =	sadd.s32 $0x100, s31  }
0x72: {  	s0 =	smov.u32 s1;
	s1 =	sadd.s32 $0x280, s1  }
0x73: {  	_ =	swait.ge [sflag:s19], $0x1400  }
0x74: {  	[sflag:s19] =	ssyncset.done $0x0  }
0x75: {  	[sflag:s19] =	ssyncadd.s32 $0xFFFFEC00  }
0x76: {  	_ =	swait.ge [sflag:s19], $0x1400  }
0x77: {  	s0 =	sshra.s32 s0, $0x2;
	[sflag:s19] =	ssyncset.done $0x0  }
0x78: {  	s17 =	sadd.s32 $0x50, s0;
	[sflag:s19] =	ssyncadd.s32 $0xFFFFEC00  }
0x79: {  	[tilespmem:s24], [sflag:$0x2] =	stream.indirect.gather [hbm4b:s4+s22], $0x80, s17, s22, $0xb8;
	[tilespmem:$0x1F780] =	vst v63  }
0x7a: {  	s17 =	sadd.s32 $0x78, s0  }
0x7b: {  	[tilespmem:s25], [sflag:$0x2] =	stream.indirect.gather [hbm4b:s4+s22], $0x80, s17, s22, $0xb8;
	[tilespmem:$0x1F780] =	vst v63  }
0x7c: {  	_ = 	snop  }
0x7d: {  	[spmem:s2] =	stream.indirect.scatter.add.f32 [tilespmem:s18], [sflag:$0x4], $0x80, s31, s26, $0xb8;
	[tilespmem:$0x1F780] =	vst v63  }
0x7e: {  	_ =	swait.ge [sflag:s28], $0x2800  }
0x7f: {  	[sflag:s28] =	ssyncset.done $0x0  }
0x80: {  	[sflag:s28] =	ssyncadd.s32 $0xFFFFD800  }
0x81: {  	_ =	swait.ge [sflag:s20], $0x1400  }
0x82: {  	[sflag:s20] =	ssyncset.done $0x0  }
0x83: {  	[sflag:s20] =	ssyncadd.s32 $0xFFFFEC00  }
0x84: {  	_ =	swait.ge [sflag:s20], $0x1400  }
0x85: {  	[sflag:s20] =	ssyncset.done $0x0  }
0x86: {  	s17 =	sadd.s32 $0xA0, s0;
	[sflag:s20] =	ssyncadd.s32 $0xFFFFEC00  }
0x87: {  	[tilespmem:s18], [sflag:$0x1] =	stream.indirect.gather [hbm4b:s4+s22], $0x80, s17, s22, $0xb8;
	[tilespmem:$0x1F780] =	vst v63  }
0x88: {  	s0 =	sadd.s32 $0xC8, s0  }
0x89: {  	[tilespmem:s23], [sflag:$0x1] =	stream.indirect.gather [hbm4b:s4+s22], $0x80, s0, s22, $0xb8;
	[tilespmem:$0x1F780] =	vst v63  }
.Ltmp1:
0x8a: {  	_ = 	snop;
	(pc) =	sbr.rel @p0 .LBB2_4-.Ltmp1, $4  }
0x8b: {  	s0 =	sadd.s32 $0x80, s31  }
0x8c: {  	[spmem:s2] =	stream.indirect.scatter.add.f32 [tilespmem:s24], [sflag:$0x4], $0x80, s0, s26, $0xb8;
	[tilespmem:$0x1F780] =	vst v63  }
0x8d: {  	_ =	swait.ge [sflag:s28], $0x2800  }
0x8e: {  	[sflag:s28] =	ssyncset.done $0x0  }
0x8f: {  	[sflag:s28] =	ssyncadd.s32 $0xFFFFD800  }
0x90: {  	_ =	swait.ge [sflag:s19], $0x1400  }
0x91: {  	[sflag:s19] =	ssyncset.done $0x0  }
0x92: {  	[sflag:s19] =	ssyncadd.s32 $0xFFFFEC00  }
0x93: {  	_ =	swait.ge [sflag:s19], $0x1400  }
0x94: {  	[sflag:s19] =	ssyncset.done $0x0  }
0x95: {  	[sflag:s19] =	ssyncadd.s32 $0xFFFFEC00  }
0x96: {  	[spmem:s2] =	stream.indirect.scatter.add.f32 [tilespmem:s18], [sflag:$0x4], $0x80, s29, s26, $0xb8;
	[tilespmem:$0x1F780] =	vst v63  }
0x97: {  	s0 =	stileid.u32;
	_ =	swait.ge [sflag:s28], $0x2800  }
0x98: {  	s1 =	sshrl.u32 s7, $0x3;
	s30 =	sadd.s32 $0x1, s30;
	[sflag:s28] =	ssyncset.done $0x0  }
0x99: {  	s0 =	sshll.u32 s0, $0x6;
	p0 =	sne.s32 s30, s16;
	[sflag:s28] =	ssyncadd.s32 $0xFFFFD800  }
.Ltmp2:
0x9a: {  	s0 =	sor.u32 $0x1C04, s0;
	[bflag:$0x0] =	sbarrier.arrive $0xFFFF;
	(pc) =	sbr.rel @p0 .LBB2_1-.Ltmp2, $4  }
0x9b: {  	[hbm:s15], [sflag:s0] =	dma.local [spmem:s1], $0x2800  }
0x9c: {  	_ =	swait.ge [sflag:s28], $0x2800  }
0x9d: {  	[sflag:s28] =	ssyncset.done $0x0  }
0x9e: {  	[sflag:s28] =	ssyncadd.s32 $0xFFFFD800  }
0x9f: {  	_ =	sfence.sel $0x180000  }
0xa0: {  	[bflag:$0x0] =	sbarrier.arrive $0xFFFF  }
0xa1: {  	_ =	strace $0x9000004A  }
0xa2: {  	s0 =	stileid.u32;
	[bflag:$0x2] =	sbarrier.arrive $0xFFFF  }
0xa3: {  	p0 =	sne.s32 s0, $0x0;
	s0 =	rddreg [dreg:$0x3]  }
0xa4: {  	s0 =	sadd.s32 @!p0 $0x100000, s0  }
0xa5: {  	[sflag:s0] =	ssyncadd.tile.s32 @!p0 $0x1;
	_ =	shalt  }
.Lfunc_end2:
_tile_overlayer_lowered:
.L_overlay_start_2:
0xa6: {  	(tag) =	ssettag $0x2  }
0xa7: {  	s0 =	rddreg [dreg:$0x0];
	s2 =	stileid.u32  }
0xa8: {  	s1 =	rddreg [dreg:$0x1];
	p0 =	sne.s32 s2, $0x0  }
0xa9: {  	s3 =	rddreg [dreg:$0x2];
	[bflag:$0x3] =	sbarrier.arrive $0xFFFF;
	s2 =	simm.s32 @!p0 $0x1C04  }
0xaa: {  	[timem:s3], [sflag:s2] =	dma.local @!p0 [hbm:s0], s1  }
0xab: {  	s0 =	simm.s32 @!p0 $0x4  }
0xac: {  	_ =	swait.ge @!p0 [sflag:s0], s1  }
0xad: {  	s1 =	ssub.s32 @!p0 $0x0, s1;
	[sflag:s0] =	ssyncset.done @!p0 $0x0  }
0xae: {  	[sflag:s0] =	ssyncadd.s32 @!p0 s1  }
0xaf: {  	[bflag:$0x3] =	sbarrier.arrive $0xFFFF  }
0xb0: {  	_ =	shalt  }

// kernel: kernel.15.cloned.1.call-start
scs
__scs_entry_jumppad:
0x0: {  	(pc) =	sbr.rel $0x88, $3  }
0x1: {  	(tag) =	ssettag $0x0;
	lr =	simm.s32 $0x1  }
0x2: {  	[smem:$0x3F98] =	sst lr;
	_ =	strace $0xD0000000  }
0x3: {  	_ = 	snop  }
0x4: {  	_ = 	snop  }
0x5: {  	_ = 	snop  }
0x6: {  	_ = 	snop  }
0x7: {  	_ = 	snop  }
__scs_overlays_trampoline_lowered:
0x8: {  	[smem:$0x3FA7] =	sst s0  }
0x9: {  	[smem:$0x3FA8] =	sst s1  }
0xa: {  	[smem:$0x3FA9] =	sst s2  }
0xb: {  	[smem:$0x3FAA] =	sst s3  }
0xc: {  	[smem:$0x3FAB] =	sst s4  }
0xd: {  	[smem:$0x3FAC] =	sst s5  }
0xe: {  	[smem:$0x3FAD] =	sst s6  }
0xf: {  	[smem:$0x3FAE] =	sst s7  }
0x10: {  	[smem:$0x3FAF] =	sst s8  }
0x11: {  	[smem:$0x3FB0] =	sst s9;
	s0 =	simm.s32 @!p0 $0x0  }
0x12: {  	s1 =	sld [smem:$0x3F96];
	s0 =	simm.s32 @p0 $0x1  }
0x13: {  	[smem:$0x3FB1] =	sst s0;
	s0 =	simm.s32 @!p1 $0x0  }
0x14: {  	s2 =	sld [smem:$0x3F95];
	s0 =	simm.s32 @p1 $0x1  }
0x15: {  	[smem:$0x3FB2] =	sst s0;
	s0 =	simm.s32 @!p2 $0x0  }
0x16: {  	s3 =	sld [smem:$0x3FDB];
	s0 =	simm.s32 @p2 $0x1  }
0x17: {  	s4 =	simm.s32 $0x1BF5;
	[smem:$0x3FB4] =	sst s0  }
0x18: {  	s0 =	sld [smem:$0x3F97];
	_ =	swait.ge [sflag:s4], $0x0  }
0x19: {  	s7 =	sld [smem:$0x3F98]  }
0x1a: {  	s8 =	sadd.s32 $0xFFFFE003, lr  }
0x1b: {  	s9 =	sadd.s32 $0xFFFFFEF7, lr;
	s5 =	simm.s32 $0xFFFFFFFF;
	p2 =	slt.u32 s8, $0xFFFFF086  }
0x1c: {  	p1 =	slt.u32 s9, $0xF7A;
	s5 =	simm.s32 @!p2 $0x0  }
0x1d: {  	s5 =	simm.s32 @p1 $0x1;
	p0 =	seq.s32 s7, s2  }
0x1e: {  	s7 =	smul.u32 @!p0 $0xF7A, s2;
	p2 =	seq.s32 @!p0 s5, $0x0  }
0x1f: {  	s9 =	smul.u32 $0xF7A, s1;
	s8 =	simm.s32 @!p0 $0x1BF5;
	p2 =	por !p2, p0  }
0x20: {  	[sflag:s8] =	ssyncset.s32 @!p0 $0xFFFFF086;
	s6 =	sadd.s32 @!p0 s3, s7;
	s7 =	simm.s32 @!p0 $0x108  }
0x21: {  	s3 =	sadd.s32 s3, s9;
	s6 =	sadd.s32 @!p0 $0x88, s6;
	s7 =	simm.s32 @p2 $0x1082  }
0x22: {  	[simem:s7], [sflag:s8] =	dma.local @!p0 [hbm:s6], $0xF7A  }
0x23: {  	s9 =	sor.u32 $0xD0000000, s2;
	s6 =	simm.s32 $0x108;
	_ =	swait.ge @!p0 [sflag:s8], $0x0  }
0x24: {  	s3 =	sadd.s32 $0x88, s3;
	s6 =	simm.s32 @!p1 $0x1082;
	[sflag:s4] =	ssyncset.s32 $0xFFFFF086  }
0x25: {  	[simem:s6], [sflag:s4] =	dma.local [hbm:s3], $0xF7A  }
0x26: {  	[smem:$0x3F98] =	sst s1;
	(tag) =	ssettag s2;
	_ =	strace s9  }
0x27: {  	s1 =	sld [smem:$0x3FA8]  }
0x28: {  	s2 =	sld [smem:$0x3FA9]  }
0x29: {  	s4 =	sld [smem:$0x3FAB]  }
0x2a: {  	p0 =	seq.s32 s5, $0x0;
	s5 =	sld [smem:$0x3FAC]  }
0x2b: {  	s6 =	sld [smem:$0x3FAD]  }
0x2c: {  	s7 =	sld [smem:$0x3FAE]  }
0x2d: {  	s3 =	simm.s32 $0x108;
	s8 =	sld [smem:$0x3FAF]  }
0x2e: {  	s3 =	simm.s32 @!p0 $0x1082;
	s9 =	sld [smem:$0x3FB0]  }
0x2f: {  	lr =	sadd.s32 s0, s3;
	s0 =	sld [smem:$0x3FA7]  }
0x30: {  	s3 =	sld [smem:$0x3FAA]  }
0x31: {  	[smem:$0x3FB3] =	sst s10  }
0x32: {  	s10 =	sld [smem:$0x3FB1];
	_ =	sdelay $0x3  }
0x33: {  	p0 =	seq.s32 s10, $0x1;
	s10 =	sld [smem:$0x3FB3];
	_ =	sdelay $0x3  }
0x34: {  	[smem:$0x3FB3] =	sst s10  }
0x35: {  	s10 =	sld [smem:$0x3FB2];
	_ =	sdelay $0x3  }
0x36: {  	p1 =	seq.s32 s10, $0x1;
	s10 =	sld [smem:$0x3FB3];
	_ =	sdelay $0x3  }
0x37: {  	[smem:$0x3FB3] =	sst s10  }
0x38: {  	s10 =	sld [smem:$0x3FB4]  }
0x39: {  	_ = 	snop;
	(pc) =	sbr.ind lr, $3  }
0x3a: {  	_ = 	snop  }
0x3b: {  	_ = 	snop  }
0x3c: {  	p2 =	seq.s32 s10, $0x1;
	s10 =	sld [smem:$0x3FB3]  }
0x3d: {  	_ =	shalt  }
0x3e: {  	_ =	shalt  }
0x3f: {  	_ =	shalt  }
0x40: {  	_ =	shalt  }
0x41: {  	_ =	shalt  }
0x42: {  	_ =	shalt  }
0x43: {  	_ =	shalt  }
0x44: {  	_ =	shalt  }
0x45: {  	_ =	shalt  }
0x46: {  	_ =	shalt  }
0x47: {  	_ =	shalt  }
0x48: {  	_ =	shalt  }
0x49: {  	_ =	shalt  }
0x4a: {  	_ =	shalt  }
0x4b: {  	_ =	shalt  }
0x4c: {  	_ =	shalt  }
0x4d: {  	_ =	shalt  }
0x4e: {  	_ =	shalt  }
0x4f: {  	_ =	shalt  }
0x50: {  	_ =	shalt  }
0x51: {  	_ =	shalt  }
0x52: {  	_ =	shalt  }
0x53: {  	_ =	shalt  }
0x54: {  	_ =	shalt  }
0x55: {  	_ =	shalt  }
0x56: {  	_ =	shalt  }
0x57: {  	_ =	shalt  }
0x58: {  	_ =	shalt  }
0x59: {  	_ =	shalt  }
0x5a: {  	_ =	shalt  }
0x5b: {  	_ =	shalt  }
0x5c: {  	_ =	shalt  }
0x5d: {  	_ =	shalt  }
0x5e: {  	_ =	shalt  }
0x5f: {  	_ =	shalt  }
0x60: {  	_ =	shalt  }
0x61: {  	_ =	shalt  }
0x62: {  	_ =	shalt  }
0x63: {  	_ =	shalt  }
0x64: {  	_ =	shalt  }
0x65: {  	_ =	shalt  }
0x66: {  	_ =	shalt  }
0x67: {  	_ =	shalt  }
0x68: {  	_ =	shalt  }
0x69: {  	_ =	shalt  }
0x6a: {  	_ =	shalt  }
0x6b: {  	_ =	shalt  }
0x6c: {  	_ =	shalt  }
0x6d: {  	_ =	shalt  }
0x6e: {  	_ =	shalt  }
0x6f: {  	_ =	shalt  }
0x70: {  	_ =	shalt  }
0x71: {  	_ =	shalt  }
0x72: {  	_ =	shalt  }
0x73: {  	_ =	shalt  }
0x74: {  	_ =	shalt  }
0x75: {  	_ =	shalt  }
0x76: {  	_ =	shalt  }
0x77: {  	_ =	shalt  }
0x78: {  	_ =	shalt  }
0x79: {  	_ =	shalt  }
0x7a: {  	_ =	shalt  }
0x7b: {  	_ =	shalt  }
0x7c: {  	_ =	shalt  }
0x7d: {  	_ =	shalt  }
0x7e: {  	_ =	shalt  }
0x7f: {  	_ =	shalt  }
0x80: {  	_ =	shalt  }
0x81: {  	_ =	shalt  }
0x82: {  	_ =	shalt  }
0x83: {  	_ =	shalt  }
0x84: {  	_ =	shalt  }
0x85: {  	_ =	shalt  }
0x86: {  	_ =	shalt  }
0x87: {  	_ =	shalt  }
.Lfunc_end0:
.L_simem_size_0:
called_computation.2_lowered:
.L_overlay_start_0:
0x88: {  	s2 =	sld [smem:$0x3FD9]  }
0x89: {  	s3 =	sld [smem:$0x3FFE];
	_ =	sdelay $0x1  }
0x8a: {  	s1 =	srdreg.scid  }
0x8b: {  	s0 =	sand.u32 $0x1, s1  }
0x8c: {  	s17 =	sshll.u32 s0, $0xA;
	s2 =	sadd.s32 s3, s2  }
0x8d: {  	s2 =	sadd.s32 s2, s17  }
0x8e: {  	[smem:$0x3FBF] =	sst s2  }
0x8f: {  	_ = 	snop  }
0x90: {  	s2 =	sld [smem:$0x3FD0];
	(tm) =	ssettm $0x1  }
0x91: {  	s18 =	sld [smem:$0x3FFB];
	_ =	sdelay $0x3  }
0x92: {  	_ =	strace s18  }
0x93: {  	s3 =	sld [smem:$0x3FFC];
	_ =	sdelay $0x3  }
0x94: {  	_ =	strace s3  }
0x95: {  	s3 =	sld [smem:$0x3FFD];
	_ =	sdelay $0x3  }
0x96: {  	_ =	strace s3  }
0x97: {  	_ =	strace $0x8FFFFFFF  }
0x98: {  	s19 =	sld [smem:$0x3FDB];
	_ =	sdelay $0x1  }
0x99: {  	s4 =	simm.s32 $_scs_section_size  }
0x9a: {  	s5 =	simm.s32 $_size__tile_overlayer_lowered;
	s6 =	simm.s32 $_tile_overlayer_lowered  }
0x9b: {  	s22 =	simm.s32 $0x1BFF;
	s21 =	sshll.u32 s6, $0x1;
	s3 =	sadd.s32 s4, s19  }
0x9c: {  	s7 =	simm.s32 $0x0;
	s20 =	sshll.u32 s5, $0x1;
	s5 =	sadd.s32 s21, s3  }
0x9d: {  	[timem:s7], [sflag:s22] =	dma.local [hbm:s5], s20  }
0x9e: {  	_ =	swait.ge [sflag:s22], s20  }
0x9f: {  	s4 =	ssub.s32 $0x0, s20;
	[sflag:s22] =	ssyncset.done $0x0  }
0xa0: {  	[sflag:s22] =	ssyncadd.s32 s4;
	_ =	sdelay $0x1  }
0xa1: {  	s23 =	simm.s32 $0x1B8B  }
0xa2: {  	_ =	swait.ge [sflag:s23], $0x1  }
0xa3: {  	[sflag:s23] =	ssyncset.done $0x0  }
0xa4: {  	s25 =	simm.s32 $0x1B8E;
	s24 =	sld [smem:$0x3FFE];
	[sflag:s23] =	ssyncadd.s32 $0xFFFFFFFF  }
0xa5: {  	s26 =	simm.s32 $execute0_lowered;
	[smem:$0x3FD2] =	sst s25  }
0xa6: {  	s5 =	sshll.u32 s26, $0x1;
	_ =	strace $0x8000004C;
	[dreg:$0x1] =	wrdreg $0xFFFFFFFF  }
0xa7: {  	s28 =	simm.s32 $_size_execute0_lowered;
	s3 =	sadd.s32 s3, s5;
	[dreg:$0x0] =	wrdreg $0x0  }
0xa8: {  	s5 =	sshll.u32 s28, $0x1;
	[dreg:$0x2] =	wrdreg s3  }
0xa9: {  	[dreg:$0x3] =	wrdreg s5  }
0xaa: {  	[dreg:$0x4] =	wrdreg $0xC0  }
0xab: {  	_ =	task [dreg:s7], $0x5FFFF  }
0xac: {  	[dreg:$0x1] =	wrdreg $0xFFFFFFFF  }
0xad: {  	[dreg:$0x0] =	wrdreg $0x60  }
0xae: {  	[dreg:$0x2] =	wrdreg s24  }
0xaf: {  	[dreg:$0x3] =	wrdreg s2  }
0xb0: {  	[dreg:$0x4] =	wrdreg $0xB7800  }
0xb1: {  	[dreg:$0x5] =	wrdreg $0x9  }
0xb2: {  	_ =	task.clear_ibuf [dreg:s7], $0x6FFFF;
	_ =	strace $0x9000004C  }
0xb3: {  	s29 =	simm.s32 $0x9;
	_ =	strace $0x8000004E  }
0xb4: {  	_ =	swait.ge [sflag:s29], $0x1  }
0xb5: {  	[sflag:s29] =	ssyncadd.s32 $0xFFFFFFFF  }
0xb6: {  	_ =	strace $0x9000004E  }
0xb7: {  	_ =	sfence  }
0xb8: {  	s30 =	sld [smem:$0x0];
	_ =	sdelay $0x2  }
0xb9: {  	s31 =	sshll.u32 s1, $0xD;
	s1 =	sshrl.u32 s1, $0x2  }
0xba: {  	s3 =	sand.u32 $0x4000, s31;
	s1 =	sadd.s32 s1, s30  }
0xbb: {  	s0 =	sor.u32 s3, s0;
	s1 =	sshll.u32 s1, $0x11  }
0xbc: {  	s0 =	sor.u32 s1, s0  }
0xbd: {  	s0 =	sadd.s32 $0x8F2B, s0  }
0xbe: {  	[sflag:s0] =	ssyncadd.remote.s32 $0x1  }
0xbf: {  	_ =	sfence.sel $0xFFFF  }
0xc0: {  	[dreg:$0x0] =	wrdreg $0xFFFFFFFF;
	(pc) =	sbr.abs _section_cstart, $3  }
0xc1: {  	[dreg:$0x1] =	wrdreg $0xFFFFFFFF  }
0xc2: {  	_ =	task.clear_ibuf [dreg:s7], $0x2FFFF;
	_ =	strace $0x9FFFFFFF  }
0xc3: {  	(tm) =	ssettm $0x7FFFFFFF  }
tec
execute0_lowered:
.L_overlay_start_1:
0x0: {  	(tag) =	ssettag $0x1  }
0x1: {  	s1 =	rddreg [dreg:$0x0];
	s2 =	srdreg.scid  }
0x2: {  	s0 =	stileid.u32;
	s15 =	rddreg [dreg:$0x1]  }
0x3: {  	s18 =	simm.s32 $0x6780;
	s19 =	simm.s32 $0x1;
	s20 =	simm.s32 $0x2  }
0x4: {  	s21 =	simm.s32 $0x3;
	s22 =	simm.s32 $0x28;
	s23 =	simm.s32 $0x7B80  }
0x5: {  	s24 =	simm.s32 $0x8F80;
	s25 =	simm.s32 $0xA380;
	s28 =	simm.s32 $0x4  }
0x6: {  	s29 =	simm.s32 $0x6580;
	s30 =	simm.s32 $0x0;
	s9 =	smul.u32 $0x50000, s0  }
0x7: {  	s6 =	sand.u32 $0x1, s2;
	s3 =	sshll.u32 s0, $0x1;
	s14 =	smul.u32 $0x14000, s0  }
0x8: {  	s2 =	rddreg [dreg:$0x2];
	s4 =	sor.u32 s6, s3;
	s13 =	smul.u32 $0x140000, s6  }
0x9: {  	s3 =	simm.s32 $0x0;
	s7 =	ssub.s32 $0x2, s6;
	s5 =	smul.u32 $0x4E2, s4  }
0xa: {  	[smem:$0x7FF] =	sst s3;
	s4 =	sshll.u32 s4, $0xB;
	s8 =	sshrl.u32 s7, $0x1  }
0xb: {  	s31 =	sshrl.u32 s9, $0x2;
	_ =	strace $0x8000004D;
	s10 =	sadd.s32 s4, s1  }
0xc: {  	s4 =	sadd.s32 $0x6C800, s1;
	s26 =	ssub.s32 s7, s8;
	s7 =	sadd.s32 s31, s2  }
0xd: {  	s16 =	sadd.s32 s14, s13;
	s5 =	sadd.s32 s5, s1;
	s6 =	sadd.s32 $0xC800, s10  }
0xe: {  	s8 =	sadd.s32 $0x2800, s7;
	s9 =	sadd.s32 $0x5000, s7;
	s10 =	sadd.s32 $0x7800, s7  }
0xf: {  	s11 =	sadd.s32 $0xA000, s7;
	s12 =	sadd.s32 $0xC800, s7;
	s13 =	sadd.s32 $0xF000, s7  }
0x10: {  	s14 =	sadd.s32 $0x11800, s7;
	s16 =	sshrl.u32 s16, $0x3;
	s5 =	sadd.s32 $0x2A00, s5  }
0x11: {  	v0 =	vimm.f32 $0.0e+00;
	s15 =	sadd.s32 s15, s16;
	s16 =	smax.u32 s26, $0x1;
	s26 =	simm.s32 $0x50  }
.LBB2_1:
0x12: {  	[tilespmem:s3], [sflag:$0x1] =	stream.linear.gather [hbm4b:s5+s3], $0x2710, $0x38;
	[tilespmem:$0x1F780] =	vst v63  }
0x13: {  	s0 =	simm.s32 $0x2780;
	s1 =	simm.s32 $0x0;
	s31 =	simm.s32 $0x200  }
0x14: {  	[tilespmem:s0], [sflag:$0x2] =	stream.linear.gather [hbm4b:s6+s3], $0x3E80, $0x38;
	[tilespmem:$0x1F780] =	vst v63  }
.LBB2_2:
0x15: {  	p0 =	sne.s32 s31, $0x9E00;
	[tilespmem:s1+$0x67F0] =	vst v0  }
0x16: {  	[tilespmem:s1+$0x6780] =	vst v0  }
0x17: {  	[tilespmem:s1+$0x6790] =	vst v0  }
.Ltmp0:
0x18: {  	[tilespmem:s1+$0x67A0] =	vst v0;
	(pc) =	sbr.rel @p0 .LBB2_2-.Ltmp0, $4  }
0x19: {  	[tilespmem:s1+$0x67B0] =	vst v0  }
0x1a: {  	[tilespmem:s1+$0x67C0] =	vst v0  }
0x1b: {  	[tilespmem:s1+$0x67D0] =	vst v0  }
0x1c: {  	[tilespmem:s1+$0x67E0] =	vst v0;
	s1 =	sshra.s32 s31, $0x2;
	s31 =	sadd.s32 $0x200, s31  }
0x1d: {  	[tilespmem:s1+$0x67F0] =	vst v0  }
0x1e: {  	[tilespmem:s1+$0x6780] =	vst v0  }
0x1f: {  	[tilespmem:s1+$0x6790] =	vst v0  }
0x20: {  	[tilespmem:s1+$0x67A0] =	vst v0  }
0x21: {  	[tilespmem:s1+$0x67B0] =	vst v0  }
0x22: {  	[tilespmem:s1+$0x67C0] =	vst v0  }
0x23: {  	[tilespmem:s1+$0x67D0] =	vst v0  }
0x24: {  	[tilespmem:s1+$0x67E0] =	vst v0  }
0x25: {  	[spmem:s7] =	stream.linear.scatter [tilespmem:s18], [sflag:$0x3], $0x2800, $0x38;
	[tilespmem:$0x1F780] =	vst v63  }
0x26: {  	_ = 	snop  }
0x27: {  	[spmem:s8] =	stream.linear.scatter [tilespmem:s18], [sflag:$0x3], $0x2800, $0x38;
	[tilespmem:$0x1F780] =	vst v63  }
0x28: {  	_ = 	snop  }
0x29: {  	[spmem:s9] =	stream.linear.scatter [tilespmem:s18], [sflag:$0x3], $0x2800, $0x38;
	[tilespmem:$0x1F780] =	vst v63  }
0x2a: {  	_ = 	snop  }
0x2b: {  	[spmem:s10] =	stream.linear.scatter [tilespmem:s18], [sflag:$0x3], $0x2800, $0x38;
	[tilespmem:$0x1F780] =	vst v63  }
0x2c: {  	_ = 	snop  }
0x2d: {  	[spmem:s11] =	stream.linear.scatter [tilespmem:s18], [sflag:$0x3], $0x2800, $0x38;
	[tilespmem:$0x1F780] =	vst v63  }
0x2e: {  	_ = 	snop  }
0x2f: {  	[spmem:s12] =	stream.linear.scatter [tilespmem:s18], [sflag:$0x3], $0x2800, $0x38;
	[tilespmem:$0x1F780] =	vst v63  }
0x30: {  	_ = 	snop  }
0x31: {  	[spmem:s13] =	stream.linear.scatter [tilespmem:s18], [sflag:$0x3], $0x2800, $0x38;
	[tilespmem:$0x1F780] =	vst v63  }
0x32: {  	_ = 	snop  }
0x33: {  	[spmem:s14] =	stream.linear.scatter [tilespmem:s18], [sflag:$0x3], $0x2800, $0x38;
	[tilespmem:$0x1F780] =	vst v63  }
0x34: {  	_ =	swait.ge [sflag:s19], $0x2710  }
0x35: {  	[sflag:s19] =	ssyncset.done $0x0  }
0x36: {  	[sflag:s19] =	ssyncadd.s32 $0xFFFFD8F0  }
0x37: {  	_ =	swait.ge [sflag:s20], $0x3E80  }
0x38: {  	[sflag:s20] =	ssyncset.done $0x0  }
0x39: {  	[sflag:s20] =	ssyncadd.s32 $0xFFFFC180  }
0x3a: {  	_ =	swait.ge [sflag:s21], $0x2800  }
0x3b: {  	[sflag:s21] =	ssyncset.done $0x0  }
0x3c: {  	[sflag:s21] =	ssyncadd.s32 $0xFFFFD800  }
0x3d: {  	_ =	swait.ge [sflag:s21], $0x2800  }
0x3e: {  	[sflag:s21] =	ssyncset.done $0x0  }
0x3f: {  	[sflag:s21] =	ssyncadd.s32 $0xFFFFD800  }
0x40: {  	_ =	swait.ge [sflag:s21], $0x2800  }
0x41: {  	[sflag:s21] =	ssyncset.done $0x0  }
0x42: {  	[sflag:s21] =	ssyncadd.s32 $0xFFFFD800  }
0x43: {  	_ =	swait.ge [sflag:s21], $0x2800  }
0x44: {  	[sflag:s21] =	ssyncset.done $0x0  }
0x45: {  	[sflag:s21] =	ssyncadd.s32 $0xFFFFD800  }
0x46: {  	_ =	swait.ge [sflag:s21], $0x2800  }
0x47: {  	[sflag:s21] =	ssyncset.done $0x0  }
0x48: {  	[sflag:s21] =	ssyncadd.s32 $0xFFFFD800  }
0x49: {  	_ =	swait.ge [sflag:s21], $0x2800  }
0x4a: {  	[sflag:s21] =	ssyncset.done $0x0  }
0x4b: {  	[sflag:s21] =	ssyncadd.s32 $0xFFFFD800  }
0x4c: {  	_ =	swait.ge [sflag:s21], $0x2800  }
0x4d: {  	[sflag:s21] =	ssyncset.done $0x0  }
0x4e: {  	[sflag:s21] =	ssyncadd.s32 $0xFFFFD800  }
0x4f: {  	_ =	swait.ge [sflag:s21], $0x2800  }
0x50: {  	[sflag:s21] =	ssyncset.done $0x0  }
0x51: {  	[sflag:s21] =	ssyncadd.s32 $0xFFFFD800  }
0x52: {  	s0 =	simm.s32 $0x0;
	[bflag:$0x0] =	sbarrier.arrive $0xFFFF  }
0x53: {  	[tilespmem:s18], [sflag:$0x1] =	stream.indirect.gather [hbm4b:s4+s22], $0x80, s0, s22, $0xb8;
	[tilespmem:$0x1F780] =	vst v63  }
0x54: {  	_ = 	snop  }
0x55: {  	[tilespmem:s23], [sflag:$0x1] =	stream.indirect.gather [hbm4b:s4+s22], $0x80, s22, s22, $0xb8;
	[tilespmem:$0x1F780] =	vst v63  }
0x56: {  	_ =	swait.ge [sflag:s19], $0x1400  }
0x57: {  	[sflag:s19] =	ssyncset.done $0x0  }
0x58: {  	[sflag:s19] =	ssyncadd.s32 $0xFFFFEC00  }
0x59: {  	_ =	swait.ge [sflag:s19], $0x1400  }
0x5a: {  	[sflag:s19] =	ssyncset.done $0x0  }
0x5b: {  	s17 =	simm.s32 $0x50;
	[sflag:s19] =	ssyncadd.s32 $0xFFFFEC00  }
0x5c: {  	[tilespmem:s24], [sflag:$0x2] =	stream.indirect.gather [hbm4b:s4+s22], $0x80, s17, s22, $0xb8;
	[tilespmem:$0x1F780] =	vst v63  }
0x5d: {  	s0 =	simm.s32 $0x78  }
0x5e: {  	[tilespmem:s25], [sflag:$0x2] =	stream.indirect.gather [hbm4b:s4+s22], $0x80, s0, s22, $0xb8;
	[tilespmem:$0x1F780] =	vst v63  }
0x5f: {  	s31 =	simm.s32 $0x2780  }
0x60: {  	[spmem:s2] =	stream.indirect.scatter.add.f32 [tilespmem:s18], [sflag:$0x4], $0x80, s31, s26, $0xb8;
	[tilespmem:$0x1F780] =	vst v63  }
0x61: {  	_ =	swait.ge [sflag:s28], $0x2800  }
0x62: {  	[sflag:s28] =	ssyncset.done $0x0  }
0x63: {  	[sflag:s28] =	ssyncadd.s32 $0xFFFFD800  }
0x64: {  	_ =	swait.ge [sflag:s20], $0x1400  }
0x65: {  	[sflag:s20] =	ssyncset.done $0x0  }
0x66: {  	[sflag:s20] =	ssyncadd.s32 $0xFFFFEC00  }
0x67: {  	_ =	swait.ge [sflag:s20], $0x1400  }
0x68: {  	[sflag:s20] =	ssyncset.done $0x0  }
0x69: {  	s17 =	simm.s32 $0xA0;
	[sflag:s20] =	ssyncadd.s32 $0xFFFFEC00  }
0x6a: {  	[tilespmem:s18], [sflag:$0x1] =	stream.indirect.gather [hbm4b:s4+s22], $0x80, s17, s22, $0xb8;
	[tilespmem:$0x1F780] =	vst v63  }
0x6b: {  	s0 =	simm.s32 $0xC8  }
0x6c: {  	[tilespmem:s23], [sflag:$0x1] =	stream.indirect.gather [hbm4b:s4+s22], $0x80, s0, s22, $0xb8;
	[tilespmem:$0x1F780] =	vst v63  }
0x6d: {  	s17 =	simm.s32 $0x2800  }
0x6e: {  	[spmem:s2] =	stream.indirect.scatter.add.f32 [tilespmem:s24], [sflag:$0x4], $0x80, s17, s26, $0xb8;
	[tilespmem:$0x1F780] =	vst v63  }
0x6f: {  	_ =	swait.ge [sflag:s28], $0x2800  }
0x70: {  	s1 =	simm.s32 $0x280;
	[sflag:s28] =	ssyncset.done $0x0  }
.LBB2_4:
0x71: {  	p0 =	sne.s32 s1, $0x9880;
	[sflag:s28] =	ssyncadd.s32 $0xFFFFD800;
	s31 =	sadd.s32 $0x100, s31  }
0x72: {  	s0 =	smov.u32 s1;
	s1 =	sadd.s32 $0x280, s1  }
0x73: {  	_ =	swait.ge [sflag:s19], $0x1400  }
0x74: {  	[sflag:s19] =	ssyncset.done $0x0  }
0x75: {  	[sflag:s19] =	ssyncadd.s32 $0xFFFFEC00  }
0x76: {  	_ =	swait.ge [sflag:s19], $0x1400  }
0x77: {  	s0 =	sshra.s32 s0, $0x2;
	[sflag:s19] =	ssyncset.done $0x0  }
0x78: {  	s17 =	sadd.s32 $0x50, s0;
	[sflag:s19] =	ssyncadd.s32 $0xFFFFEC00  }
0x79: {  	[tilespmem:s24], [sflag:$0x2] =	stream.indirect.gather [hbm4b:s4+s22], $0x80, s17, s22, $0xb8;
	[tilespmem:$0x1F780] =	vst v63  }
0x7a: {  	s17 =	sadd.s32 $0x78, s0  }
0x7b: {  	[tilespmem:s25], [sflag:$0x2] =	stream.indirect.gather [hbm4b:s4+s22], $0x80, s17, s22, $0xb8;
	[tilespmem:$0x1F780] =	vst v63  }
0x7c: {  	_ = 	snop  }
0x7d: {  	[spmem:s2] =	stream.indirect.scatter.add.f32 [tilespmem:s18], [sflag:$0x4], $0x80, s31, s26, $0xb8;
	[tilespmem:$0x1F780] =	vst v63  }
0x7e: {  	_ =	swait.ge [sflag:s28], $0x2800  }
0x7f: {  	[sflag:s28] =	ssyncset.done $0x0  }
0x80: {  	[sflag:s28] =	ssyncadd.s32 $0xFFFFD800  }
0x81: {  	_ =	swait.ge [sflag:s20], $0x1400  }
0x82: {  	[sflag:s20] =	ssyncset.done $0x0  }
0x83: {  	[sflag:s20] =	ssyncadd.s32 $0xFFFFEC00  }
0x84: {  	_ =	swait.ge [sflag:s20], $0x1400  }
0x85: {  	[sflag:s20] =	ssyncset.done $0x0  }
0x86: {  	s17 =	sadd.s32 $0xA0, s0;
	[sflag:s20] =	ssyncadd.s32 $0xFFFFEC00  }
0x87: {  	[tilespmem:s18], [sflag:$0x1] =	stream.indirect.gather [hbm4b:s4+s22], $0x80, s17, s22, $0xb8;
	[tilespmem:$0x1F780] =	vst v63  }
0x88: {  	s0 =	sadd.s32 $0xC8, s0  }
0x89: {  	[tilespmem:s23], [sflag:$0x1] =	stream.indirect.gather [hbm4b:s4+s22], $0x80, s0, s22, $0xb8;
	[tilespmem:$0x1F780] =	vst v63  }
.Ltmp1:
0x8a: {  	_ = 	snop;
	(pc) =	sbr.rel @p0 .LBB2_4-.Ltmp1, $4  }
0x8b: {  	s0 =	sadd.s32 $0x80, s31  }
0x8c: {  	[spmem:s2] =	stream.indirect.scatter.add.f32 [tilespmem:s24], [sflag:$0x4], $0x80, s0, s26, $0xb8;
	[tilespmem:$0x1F780] =	vst v63  }
0x8d: {  	_ =	swait.ge [sflag:s28], $0x2800  }
0x8e: {  	[sflag:s28] =	ssyncset.done $0x0  }
0x8f: {  	[sflag:s28] =	ssyncadd.s32 $0xFFFFD800  }
0x90: {  	_ =	swait.ge [sflag:s19], $0x1400  }
0x91: {  	[sflag:s19] =	ssyncset.done $0x0  }
0x92: {  	[sflag:s19] =	ssyncadd.s32 $0xFFFFEC00  }
0x93: {  	_ =	swait.ge [sflag:s19], $0x1400  }
0x94: {  	[sflag:s19] =	ssyncset.done $0x0  }
0x95: {  	[sflag:s19] =	ssyncadd.s32 $0xFFFFEC00  }
0x96: {  	[spmem:s2] =	stream.indirect.scatter.add.f32 [tilespmem:s18], [sflag:$0x4], $0x80, s29, s26, $0xb8;
	[tilespmem:$0x1F780] =	vst v63  }
0x97: {  	s0 =	stileid.u32;
	_ =	swait.ge [sflag:s28], $0x2800  }
0x98: {  	s1 =	sshrl.u32 s7, $0x3;
	s30 =	sadd.s32 $0x1, s30;
	[sflag:s28] =	ssyncset.done $0x0  }
0x99: {  	s0 =	sshll.u32 s0, $0x6;
	p0 =	sne.s32 s30, s16;
	[sflag:s28] =	ssyncadd.s32 $0xFFFFD800  }
.Ltmp2:
0x9a: {  	s0 =	sor.u32 $0x1C04, s0;
	[bflag:$0x0] =	sbarrier.arrive $0xFFFF;
	(pc) =	sbr.rel @p0 .LBB2_1-.Ltmp2, $4  }
0x9b: {  	[hbm:s15], [sflag:s0] =	dma.local [spmem:s1], $0x2800  }
0x9c: {  	_ =	swait.ge [sflag:s28], $0x2800  }
0x9d: {  	[sflag:s28] =	ssyncset.done $0x0  }
0x9e: {  	[sflag:s28] =	ssyncadd.s32 $0xFFFFD800  }
0x9f: {  	_ =	sfence.sel $0x180000  }
0xa0: {  	[bflag:$0x0] =	sbarrier.arrive $0xFFFF  }
0xa1: {  	_ =	strace $0x9000004D  }
0xa2: {  	s0 =	stileid.u32;
	[bflag:$0x2] =	sbarrier.arrive $0xFFFF  }
0xa3: {  	p0 =	sne.s32 s0, $0x0;
	s0 =	rddreg [dreg:$0x3]  }
0xa4: {  	s0 =	sadd.s32 @!p0 $0x100000, s0  }
0xa5: {  	[sflag:s0] =	ssyncadd.tile.s32 @!p0 $0x1;
	_ =	shalt  }
.Lfunc_end2:
_tile_overlayer_lowered:
.L_overlay_start_2:
0xa6: {  	(tag) =	ssettag $0x2  }
0xa7: {  	s0 =	rddreg [dreg:$0x0];
	s2 =	stileid.u32  }
0xa8: {  	s1 =	rddreg [dreg:$0x1];
	p0 =	sne.s32 s2, $0x0  }
0xa9: {  	s3 =	rddreg [dreg:$0x2];
	[bflag:$0x3] =	sbarrier.arrive $0xFFFF;
	s2 =	simm.s32 @!p0 $0x1C04  }
0xaa: {  	[timem:s3], [sflag:s2] =	dma.local @!p0 [hbm:s0], s1  }
0xab: {  	s0 =	simm.s32 @!p0 $0x4  }
0xac: {  	_ =	swait.ge @!p0 [sflag:s0], s1  }
0xad: {  	s1 =	ssub.s32 @!p0 $0x0, s1;
	[sflag:s0] =	ssyncset.done @!p0 $0x0  }
0xae: {  	[sflag:s0] =	ssyncadd.s32 @!p0 s1  }
0xaf: {  	[bflag:$0x3] =	sbarrier.arrive $0xFFFF  }
0xb0: {  	_ =	shalt  }

// kernel: kernel.9.cloned.1.call-start
scs
__scs_entry_jumppad:
0x0: {  	(pc) =	sbr.rel $0x88, $3  }
0x1: {  	(tag) =	ssettag $0x0;
	lr =	simm.s32 $0x1  }
0x2: {  	[smem:$0x3F98] =	sst lr;
	_ =	strace $0xD0000000  }
0x3: {  	_ = 	snop  }
0x4: {  	_ = 	snop  }
0x5: {  	_ = 	snop  }
0x6: {  	_ = 	snop  }
0x7: {  	_ = 	snop  }
__scs_overlays_trampoline_lowered:
0x8: {  	[smem:$0x3FA7] =	sst s0  }
0x9: {  	[smem:$0x3FA8] =	sst s1  }
0xa: {  	[smem:$0x3FA9] =	sst s2  }
0xb: {  	[smem:$0x3FAA] =	sst s3  }
0xc: {  	[smem:$0x3FAB] =	sst s4  }
0xd: {  	[smem:$0x3FAC] =	sst s5  }
0xe: {  	[smem:$0x3FAD] =	sst s6  }
0xf: {  	[smem:$0x3FAE] =	sst s7  }
0x10: {  	[smem:$0x3FAF] =	sst s8  }
0x11: {  	[smem:$0x3FB0] =	sst s9;
	s0 =	simm.s32 @!p0 $0x0  }
0x12: {  	s1 =	sld [smem:$0x3F96];
	s0 =	simm.s32 @p0 $0x1  }
0x13: {  	[smem:$0x3FB1] =	sst s0;
	s0 =	simm.s32 @!p1 $0x0  }
0x14: {  	s2 =	sld [smem:$0x3F95];
	s0 =	simm.s32 @p1 $0x1  }
0x15: {  	[smem:$0x3FB2] =	sst s0;
	s0 =	simm.s32 @!p2 $0x0  }
0x16: {  	s3 =	sld [smem:$0x3FDB];
	s0 =	simm.s32 @p2 $0x1  }
0x17: {  	s4 =	simm.s32 $0x1BF5;
	[smem:$0x3FB4] =	sst s0  }
0x18: {  	s0 =	sld [smem:$0x3F97];
	_ =	swait.ge [sflag:s4], $0x0  }
0x19: {  	s7 =	sld [smem:$0x3F98]  }
0x1a: {  	s8 =	sadd.s32 $0xFFFFE003, lr  }
0x1b: {  	s9 =	sadd.s32 $0xFFFFFEF7, lr;
	s5 =	simm.s32 $0xFFFFFFFF;
	p2 =	slt.u32 s8, $0xFFFFF086  }
0x1c: {  	p1 =	slt.u32 s9, $0xF7A;
	s5 =	simm.s32 @!p2 $0x0  }
0x1d: {  	s5 =	simm.s32 @p1 $0x1;
	p0 =	seq.s32 s7, s2  }
0x1e: {  	s7 =	smul.u32 @!p0 $0xF7A, s2;
	p2 =	seq.s32 @!p0 s5, $0x0  }
0x1f: {  	s9 =	smul.u32 $0xF7A, s1;
	s8 =	simm.s32 @!p0 $0x1BF5;
	p2 =	por !p2, p0  }
0x20: {  	[sflag:s8] =	ssyncset.s32 @!p0 $0xFFFFF086;
	s6 =	sadd.s32 @!p0 s3, s7;
	s7 =	simm.s32 @!p0 $0x108  }
0x21: {  	s3 =	sadd.s32 s3, s9;
	s6 =	sadd.s32 @!p0 $0x88, s6;
	s7 =	simm.s32 @p2 $0x1082  }
0x22: {  	[simem:s7], [sflag:s8] =	dma.local @!p0 [hbm:s6], $0xF7A  }
0x23: {  	s9 =	sor.u32 $0xD0000000, s2;
	s6 =	simm.s32 $0x108;
	_ =	swait.ge @!p0 [sflag:s8], $0x0  }
0x24: {  	s3 =	sadd.s32 $0x88, s3;
	s6 =	simm.s32 @!p1 $0x1082;
	[sflag:s4] =	ssyncset.s32 $0xFFFFF086  }
0x25: {  	[simem:s6], [sflag:s4] =	dma.local [hbm:s3], $0xF7A  }
0x26: {  	[smem:$0x3F98] =	sst s1;
	(tag) =	ssettag s2;
	_ =	strace s9  }
0x27: {  	s1 =	sld [smem:$0x3FA8]  }
0x28: {  	s2 =	sld [smem:$0x3FA9]  }
0x29: {  	s4 =	sld [smem:$0x3FAB]  }
0x2a: {  	p0 =	seq.s32 s5, $0x0;
	s5 =	sld [smem:$0x3FAC]  }
0x2b: {  	s6 =	sld [smem:$0x3FAD]  }
0x2c: {  	s7 =	sld [smem:$0x3FAE]  }
0x2d: {  	s3 =	simm.s32 $0x108;
	s8 =	sld [smem:$0x3FAF]  }
0x2e: {  	s3 =	simm.s32 @!p0 $0x1082;
	s9 =	sld [smem:$0x3FB0]  }
0x2f: {  	lr =	sadd.s32 s0, s3;
	s0 =	sld [smem:$0x3FA7]  }
0x30: {  	s3 =	sld [smem:$0x3FAA]  }
0x31: {  	[smem:$0x3FB3] =	sst s10  }
0x32: {  	s10 =	sld [smem:$0x3FB1];
	_ =	sdelay $0x3  }
0x33: {  	p0 =	seq.s32 s10, $0x1;
	s10 =	sld [smem:$0x3FB3];
	_ =	sdelay $0x3  }
0x34: {  	[smem:$0x3FB3] =	sst s10  }
0x35: {  	s10 =	sld [smem:$0x3FB2];
	_ =	sdelay $0x3  }
0x36: {  	p1 =	seq.s32 s10, $0x1;
	s10 =	sld [smem:$0x3FB3];
	_ =	sdelay $0x3  }
0x37: {  	[smem:$0x3FB3] =	sst s10  }
0x38: {  	s10 =	sld [smem:$0x3FB4]  }
0x39: {  	_ = 	snop;
	(pc) =	sbr.ind lr, $3  }
0x3a: {  	_ = 	snop  }
0x3b: {  	_ = 	snop  }
0x3c: {  	p2 =	seq.s32 s10, $0x1;
	s10 =	sld [smem:$0x3FB3]  }
0x3d: {  	_ =	shalt  }
0x3e: {  	_ =	shalt  }
0x3f: {  	_ =	shalt  }
0x40: {  	_ =	shalt  }
0x41: {  	_ =	shalt  }
0x42: {  	_ =	shalt  }
0x43: {  	_ =	shalt  }
0x44: {  	_ =	shalt  }
0x45: {  	_ =	shalt  }
0x46: {  	_ =	shalt  }
0x47: {  	_ =	shalt  }
0x48: {  	_ =	shalt  }
0x49: {  	_ =	shalt  }
0x4a: {  	_ =	shalt  }
0x4b: {  	_ =	shalt  }
0x4c: {  	_ =	shalt  }
0x4d: {  	_ =	shalt  }
0x4e: {  	_ =	shalt  }
0x4f: {  	_ =	shalt  }
0x50: {  	_ =	shalt  }
0x51: {  	_ =	shalt  }
0x52: {  	_ =	shalt  }
0x53: {  	_ =	shalt  }
0x54: {  	_ =	shalt  }
0x55: {  	_ =	shalt  }
0x56: {  	_ =	shalt  }
0x57: {  	_ =	shalt  }
0x58: {  	_ =	shalt  }
0x59: {  	_ =	shalt  }
0x5a: {  	_ =	shalt  }
0x5b: {  	_ =	shalt  }
0x5c: {  	_ =	shalt  }
0x5d: {  	_ =	shalt  }
0x5e: {  	_ =	shalt  }
0x5f: {  	_ =	shalt  }
0x60: {  	_ =	shalt  }
0x61: {  	_ =	shalt  }
0x62: {  	_ =	shalt  }
0x63: {  	_ =	shalt  }
0x64: {  	_ =	shalt  }
0x65: {  	_ =	shalt  }
0x66: {  	_ =	shalt  }
0x67: {  	_ =	shalt  }
0x68: {  	_ =	shalt  }
0x69: {  	_ =	shalt  }
0x6a: {  	_ =	shalt  }
0x6b: {  	_ =	shalt  }
0x6c: {  	_ =	shalt  }
0x6d: {  	_ =	shalt  }
0x6e: {  	_ =	shalt  }
0x6f: {  	_ =	shalt  }
0x70: {  	_ =	shalt  }
0x71: {  	_ =	shalt  }
0x72: {  	_ =	shalt  }
0x73: {  	_ =	shalt  }
0x74: {  	_ =	shalt  }
0x75: {  	_ =	shalt  }
0x76: {  	_ =	shalt  }
0x77: {  	_ =	shalt  }
0x78: {  	_ =	shalt  }
0x79: {  	_ =	shalt  }
0x7a: {  	_ =	shalt  }
0x7b: {  	_ =	shalt  }
0x7c: {  	_ =	shalt  }
0x7d: {  	_ =	shalt  }
0x7e: {  	_ =	shalt  }
0x7f: {  	_ =	shalt  }
0x80: {  	_ =	shalt  }
0x81: {  	_ =	shalt  }
0x82: {  	_ =	shalt  }
0x83: {  	_ =	shalt  }
0x84: {  	_ =	shalt  }
0x85: {  	_ =	shalt  }
0x86: {  	_ =	shalt  }
0x87: {  	_ =	shalt  }
.Lfunc_end0:
.L_simem_size_0:
called_computation_lowered:
.L_overlay_start_0:
0x88: {  	s2 =	sld [smem:$0x3FD9]  }
0x89: {  	s3 =	sld [smem:$0x3FFE];
	_ =	sdelay $0x1  }
0x8a: {  	s1 =	srdreg.scid  }
0x8b: {  	s0 =	sand.u32 $0x1, s1  }
0x8c: {  	s16 =	sshll.u32 s0, $0xA;
	s2 =	sadd.s32 s3, s2  }
0x8d: {  	s2 =	sadd.s32 s2, s16  }
0x8e: {  	[smem:$0x3FBF] =	sst s2  }
0x8f: {  	_ = 	snop  }
0x90: {  	(tm) =	ssettm $0x1  }
0x91: {  	s17 =	sld [smem:$0x3FFB];
	_ =	sdelay $0x3  }
0x92: {  	_ =	strace s17  }
0x93: {  	s2 =	sld [smem:$0x3FFC];
	_ =	sdelay $0x3  }
0x94: {  	_ =	strace s2  }
0x95: {  	s2 =	sld [smem:$0x3FFD];
	_ =	sdelay $0x3  }
0x96: {  	_ =	strace s2  }
0x97: {  	_ =	strace $0x8FFFFFFF  }
0x98: {  	s18 =	sld [smem:$0x3FDB];
	_ =	sdelay $0x1  }
0x99: {  	s19 =	simm.s32 $_scs_section_size  }
0x9a: {  	s4 =	simm.s32 $_size__tile_overlayer_lowered;
	s5 =	simm.s32 $_tile_overlayer_lowered  }
0x9b: {  	s22 =	simm.s32 $0x1BFF;
	s21 =	sshll.u32 s5, $0x1;
	s2 =	sadd.s32 s19, s18  }
0x9c: {  	s6 =	simm.s32 $0x0;
	s20 =	sshll.u32 s4, $0x1;
	s4 =	sadd.s32 s21, s2  }
0x9d: {  	[timem:s6], [sflag:s22] =	dma.local [hbm:s4], s20  }
0x9e: {  	_ =	swait.ge [sflag:s22], s20  }
0x9f: {  	s3 =	ssub.s32 $0x0, s20;
	[sflag:s22] =	ssyncset.done $0x0  }
0xa0: {  	[sflag:s22] =	ssyncadd.s32 s3;
	_ =	sdelay $0x1  }
0xa1: {  	s23 =	simm.s32 $0x1B8B  }
0xa2: {  	_ =	swait.ge [sflag:s23], $0x1  }
0xa3: {  	[sflag:s23] =	ssyncset.done $0x0  }
0xa4: {  	s25 =	simm.s32 $0x1B8E;
	s24 =	sld [smem:$0x3FFE];
	[sflag:s23] =	ssyncadd.s32 $0xFFFFFFFF  }
0xa5: {  	s26 =	simm.s32 $execute0_lowered;
	[smem:$0x3FD2] =	sst s25  }
0xa6: {  	s4 =	sshll.u32 s26, $0x1;
	_ =	strace $0x80000046;
	[dreg:$0x1] =	wrdreg $0xFFFFFFFF  }
0xa7: {  	s28 =	simm.s32 $_size_execute0_lowered;
	s2 =	sadd.s32 s2, s4;
	[dreg:$0x0] =	wrdreg $0x0  }
0xa8: {  	s4 =	sshll.u32 s28, $0x1;
	[dreg:$0x2] =	wrdreg s2  }
0xa9: {  	[dreg:$0x3] =	wrdreg s4  }
0xaa: {  	[dreg:$0x4] =	wrdreg $0xC0  }
0xab: {  	_ =	task [dreg:s6], $0x5FFFF  }
0xac: {  	[dreg:$0x1] =	wrdreg $0xFFFFFFFF  }
0xad: {  	[dreg:$0x0] =	wrdreg $0x60  }
0xae: {  	[dreg:$0x2] =	wrdreg s24  }
0xaf: {  	[dreg:$0x3] =	wrdreg $0x90000  }
0xb0: {  	[dreg:$0x4] =	wrdreg $0x9  }
0xb1: {  	_ =	task.clear_ibuf [dreg:s6], $0x5FFFF;
	_ =	strace $0x90000046  }
0xb2: {  	s29 =	simm.s32 $0x9;
	_ =	strace $0x80000048  }
0xb3: {  	_ =	swait.ge [sflag:s29], $0x1  }
0xb4: {  	[sflag:s29] =	ssyncadd.s32 $0xFFFFFFFF  }
0xb5: {  	_ =	strace $0x90000048  }
0xb6: {  	_ =	sfence  }
0xb7: {  	s30 =	sld [smem:$0x0];
	_ =	sdelay $0x2  }
0xb8: {  	s31 =	sshll.u32 s1, $0xD;
	s1 =	sshrl.u32 s1, $0x2  }
0xb9: {  	s3 =	sand.u32 $0x4000, s31;
	s1 =	sadd.s32 s1, s30  }
0xba: {  	s0 =	sor.u32 s3, s0;
	s1 =	sshll.u32 s1, $0x11  }
0xbb: {  	s0 =	sor.u32 s1, s0  }
0xbc: {  	s0 =	sadd.s32 $0x8F2B, s0  }
0xbd: {  	[sflag:s0] =	ssyncadd.remote.s32 $0x1  }
0xbe: {  	_ =	sfence.sel $0xFFFF  }
0xbf: {  	[dreg:$0x0] =	wrdreg $0xFFFFFFFF;
	(pc) =	sbr.abs _section_cstart, $3  }
0xc0: {  	[dreg:$0x1] =	wrdreg $0xFFFFFFFF  }
0xc1: {  	_ =	task.clear_ibuf [dreg:s6], $0x2FFFF;
	_ =	strace $0x9FFFFFFF  }
0xc2: {  	(tm) =	ssettm $0x7FFFFFFF  }
0xc3: {  	_ =	shalt  }
tec
execute0_lowered:
.L_overlay_start_1:
0x0: {  	(tag) =	ssettag $0x1  }
0x1: {  	s4 =	rddreg [dreg:$0x0]  }
0x2: {  	s2 =	rddreg [dreg:$0x1]  }
0x3: {  	s0 =	srdreg.scid;
	s1 =	rddreg [dreg:$0x2];
	s3 =	simm.s32 $0x0  }
0x4: {  	s15 =	simm.s32 $0x6800;
	s16 =	simm.s32 $0x1;
	s17 =	simm.s32 $0x2  }
0x5: {  	s18 =	simm.s32 $0x50;
	s19 =	simm.s32 $0x4000;
	s5 =	sand.u32 $0x1, s0  }
0x6: {  	s22 =	simm.s32 $0x3;
	s0 =	stileid.u32;
	s6 =	smul.u32 $0x140000, s5  }
0x7: {  	s23 =	simm.s32 $0x0;
	[smem:$0x7FF] =	sst s3;
	s7 =	smul.u32 $0x14000, s0  }
0x8: {  	s28 =	sshll.u32 s5, $0xB;
	s8 =	smul.u32 $0x50000, s0;
	_ =	strace $0x80000047  }
0x9: {  	s5 =	ssub.s32 $0x2, s5;
	s29 =	sshll.u32 s0, $0xC;
	s20 =	sshll.u32 s0, $0x6  }
0xa: {  	s31 =	sshrl.u32 s5, $0x1;
	s20 =	sor.u32 $0x1C03, s20;
	s6 =	sadd.s32 s7, s6  }
0xb: {  	s7 =	sadd.s32 s28, s4;
	s30 =	sshrl.u32 s8, $0x2;
	s14 =	ssub.s32 s5, s31  }
0xc: {  	s6 =	sshrl.u32 s6, $0x3;
	s7 =	sadd.s32 s29, s7;
	s14 =	smax.u32 s14, $0x1  }
0xd: {  	s13 =	sadd.s32 s6, s4;
	s4 =	sadd.s32 s30, s2;
	s5 =	sadd.s32 $0xC800, s7  }
0xe: {  	s6 =	sadd.s32 $0x2800, s4;
	s7 =	sadd.s32 $0x5000, s4;
	s8 =	sadd.s32 $0x7800, s4  }
0xf: {  	s9 =	sadd.s32 $0xA000, s4;
	s10 =	sadd.s32 $0xC800, s4;
	s11 =	sadd.s32 $0xF000, s4  }
0x10: {  	v0 =	vimm.f32 $0.0e+00;
	v1 =	vimm.f32 $1.000000000e+00;
	s12 =	sadd.s32 $0x11800, s4;
	s13 =	sadd.s32 $0x1C800, s13;
	s21 =	sshrl.u32 s4, $0x3  }
.LBB2_1:
0x11: {  	[tilespmem:s3], [sflag:$0x1] =	stream.linear.gather [hbm4b:s5+s3], $0x3E80, $0x38;
	[tilespmem:$0x1D000] =	vst v63  }
0x12: {  	s24 =	simm.s32 $0x0;
	s25 =	simm.s32 $0x200  }
.LBB2_2:
0x13: {  	p0 =	sne.s32 s25, $0x9E00;
	[tilespmem:s24+$0x6870] =	vst v0  }
0x14: {  	[tilespmem:s24+$0x6800] =	vst v0  }
0x15: {  	[tilespmem:s24+$0x6810] =	vst v0  }
.Ltmp0:
0x16: {  	[tilespmem:s24+$0x6820] =	vst v0;
	(pc) =	sbr.rel @p0 .LBB2_2-.Ltmp0, $4  }
0x17: {  	[tilespmem:s24+$0x6830] =	vst v0  }
0x18: {  	[tilespmem:s24+$0x6840] =	vst v0  }
0x19: {  	[tilespmem:s24+$0x6850] =	vst v0  }
0x1a: {  	[tilespmem:s24+$0x6860] =	vst v0;
	s24 =	sshra.s32 s25, $0x2;
	s25 =	sadd.s32 $0x200, s25  }
0x1b: {  	[tilespmem:s24+$0x6870] =	vst v0  }
0x1c: {  	[tilespmem:s24+$0x6800] =	vst v0  }
0x1d: {  	[tilespmem:s24+$0x6810] =	vst v0  }
0x1e: {  	[tilespmem:s24+$0x6820] =	vst v0  }
0x1f: {  	[tilespmem:s24+$0x6830] =	vst v0  }
0x20: {  	[tilespmem:s24+$0x6840] =	vst v0  }
0x21: {  	[tilespmem:s24+$0x6850] =	vst v0  }
0x22: {  	[tilespmem:s24+$0x6860] =	vst v0  }
0x23: {  	[spmem:s4] =	stream.linear.scatter [tilespmem:s15], [sflag:$0x2], $0x2800, $0x38;
	[tilespmem:$0x1D000] =	vst v63  }
0x24: {  	_ = 	snop  }
0x25: {  	[spmem:s6] =	stream.linear.scatter [tilespmem:s15], [sflag:$0x2], $0x2800, $0x38;
	[tilespmem:$0x1D000] =	vst v63  }
0x26: {  	_ = 	snop  }
0x27: {  	[spmem:s7] =	stream.linear.scatter [tilespmem:s15], [sflag:$0x2], $0x2800, $0x38;
	[tilespmem:$0x1D000] =	vst v63  }
0x28: {  	_ = 	snop  }
0x29: {  	[spmem:s8] =	stream.linear.scatter [tilespmem:s15], [sflag:$0x2], $0x2800, $0x38;
	[tilespmem:$0x1D000] =	vst v63  }
0x2a: {  	_ = 	snop  }
0x2b: {  	[spmem:s9] =	stream.linear.scatter [tilespmem:s15], [sflag:$0x2], $0x2800, $0x38;
	[tilespmem:$0x1D000] =	vst v63  }
0x2c: {  	_ = 	snop  }
0x2d: {  	[spmem:s10] =	stream.linear.scatter [tilespmem:s15], [sflag:$0x2], $0x2800, $0x38;
	[tilespmem:$0x1D000] =	vst v63  }
0x2e: {  	_ = 	snop  }
0x2f: {  	[spmem:s11] =	stream.linear.scatter [tilespmem:s15], [sflag:$0x2], $0x2800, $0x38;
	[tilespmem:$0x1D000] =	vst v63  }
0x30: {  	s24 =	simm.s32 $0x0;
	s25 =	simm.s32 $0x200  }
0x31: {  	[spmem:s12] =	stream.linear.scatter [tilespmem:s15], [sflag:$0x2], $0x2800, $0x38;
	[tilespmem:$0x1D000] =	vst v63  }
.LBB2_4:
0x32: {  	p0 =	sne.s32 s25, $0x9E00;
	[tilespmem:s24+$0x4070] =	vst v1  }
0x33: {  	[tilespmem:s24+$0x4000] =	vst v1  }
0x34: {  	[tilespmem:s24+$0x4010] =	vst v1  }
.Ltmp1:
0x35: {  	[tilespmem:s24+$0x4020] =	vst v1;
	(pc) =	sbr.rel @p0 .LBB2_4-.Ltmp1, $4  }
0x36: {  	[tilespmem:s24+$0x4030] =	vst v1  }
0x37: {  	[tilespmem:s24+$0x4040] =	vst v1  }
0x38: {  	[tilespmem:s24+$0x4050] =	vst v1  }
0x39: {  	[tilespmem:s24+$0x4060] =	vst v1;
	s24 =	sshra.s32 s25, $0x2;
	s25 =	sadd.s32 $0x200, s25  }
0x3a: {  	[tilespmem:s24+$0x4070] =	vst v1  }
0x3b: {  	[tilespmem:s24+$0x4000] =	vst v1  }
0x3c: {  	[tilespmem:s24+$0x4010] =	vst v1  }
0x3d: {  	[tilespmem:s24+$0x4020] =	vst v1  }
0x3e: {  	[tilespmem:s24+$0x4030] =	vst v1  }
0x3f: {  	[tilespmem:s24+$0x4040] =	vst v1  }
0x40: {  	[tilespmem:s24+$0x4050] =	vst v1  }
0x41: {  	[tilespmem:s24+$0x4060] =	vst v1  }
0x42: {  	_ =	swait.ge [sflag:s16], $0x3E80  }
0x43: {  	[sflag:s16] =	ssyncset.done $0x0  }
0x44: {  	[sflag:s16] =	ssyncadd.s32 $0xFFFFC180  }
0x45: {  	_ =	swait.ge [sflag:s17], $0x2800  }
0x46: {  	[sflag:s17] =	ssyncset.done $0x0  }
0x47: {  	[sflag:s17] =	ssyncadd.s32 $0xFFFFD800  }
0x48: {  	_ =	swait.ge [sflag:s17], $0x2800  }
0x49: {  	[sflag:s17] =	ssyncset.done $0x0  }
0x4a: {  	[sflag:s17] =	ssyncadd.s32 $0xFFFFD800  }
0x4b: {  	_ =	swait.ge [sflag:s17], $0x2800  }
0x4c: {  	[sflag:s17] =	ssyncset.done $0x0  }
0x4d: {  	[sflag:s17] =	ssyncadd.s32 $0xFFFFD800  }
0x4e: {  	_ =	swait.ge [sflag:s17], $0x2800  }
0x4f: {  	[sflag:s17] =	ssyncset.done $0x0  }
0x50: {  	[sflag:s17] =	ssyncadd.s32 $0xFFFFD800  }
0x51: {  	_ =	swait.ge [sflag:s17], $0x2800  }
0x52: {  	[sflag:s17] =	ssyncset.done $0x0  }
0x53: {  	[sflag:s17] =	ssyncadd.s32 $0xFFFFD800  }
0x54: {  	_ =	swait.ge [sflag:s17], $0x2800  }
0x55: {  	[sflag:s17] =	ssyncset.done $0x0  }
0x56: {  	[sflag:s17] =	ssyncadd.s32 $0xFFFFD800  }
0x57: {  	_ =	swait.ge [sflag:s17], $0x2800  }
0x58: {  	[sflag:s17] =	ssyncset.done $0x0  }
0x59: {  	[sflag:s17] =	ssyncadd.s32 $0xFFFFD800  }
0x5a: {  	_ =	swait.ge [sflag:s17], $0x2800  }
0x5b: {  	[sflag:s17] =	ssyncset.done $0x0  }
0x5c: {  	[sflag:s17] =	ssyncadd.s32 $0xFFFFD800  }
0x5d: {  	[bflag:$0x0] =	sbarrier.arrive $0xFFFF  }
0x5e: {  	[spmem:s2] =	stream.indirect.scatter.add.f32 [tilespmem:s19], [sflag:$0x2], $0x80, s3, s18, $0xb8;
	[tilespmem:$0x1D000] =	vst v63  }
0x5f: {  	s31 =	simm.s32 $0x80  }
0x60: {  	[spmem:s2] =	stream.indirect.scatter.add.f32 [tilespmem:s19], [sflag:$0x2], $0x80, s31, s18, $0xb8;
	[tilespmem:$0x1D000] =	vst v63  }
0x61: {  	_ =	swait.ge [sflag:s17], $0x2800  }
0x62: {  	s24 =	simm.s32 $0x400;
	[sflag:s17] =	ssyncset.done $0x0  }
.LBB2_6:
0x63: {  	s25 =	sshra.s32 s24, $0x2;
	[sflag:s17] =	ssyncadd.s32 $0xFFFFD800;
	p0 =	sne.s32 s24, $0xF800  }
0x64: {  	[spmem:s2] =	stream.indirect.scatter.add.f32 [tilespmem:s19], [sflag:$0x2], $0x80, s25, s18, $0xb8;
	[tilespmem:$0x1D000] =	vst v63  }
.Ltmp2:
0x65: {  	_ = 	snop;
	(pc) =	sbr.rel @p0 .LBB2_6-.Ltmp2, $4  }
0x66: {  	_ = 	snop  }
0x67: {  	s24 =	sadd.s32 $0x200, s24  }
0x68: {  	_ =	swait.ge [sflag:s17], $0x2800  }
0x69: {  	[sflag:s17] =	ssyncset.done $0x0  }
0x6a: {  	[sflag:s17] =	ssyncadd.s32 $0xFFFFD800  }
0x6b: {  	_ =	swait.ge [sflag:s17], $0x2800  }
0x6c: {  	s23 =	sadd.s32 $0x1, s23;
	[sflag:s17] =	ssyncset.done $0x0  }
0x6d: {  	p0 =	sne.s32 s23, s14;
	[sflag:s17] =	ssyncadd.s32 $0xFFFFD800  }
.Ltmp3:
0x6e: {  	[bflag:$0x0] =	sbarrier.arrive $0xFFFF;
	(pc) =	sbr.rel @p0 .LBB2_1-.Ltmp3, $4  }
0x6f: {  	[hbm:s13], [sflag:s20] =	dma.local [spmem:s21], $0x2800  }
0x70: {  	_ =	swait.ge [sflag:s22], $0x2800  }
0x71: {  	[sflag:s22] =	ssyncset.done $0x0  }
0x72: {  	[sflag:s22] =	ssyncadd.s32 $0xFFFFD800  }
0x73: {  	_ =	sfence.sel $0x180000  }
0x74: {  	[bflag:$0x0] =	sbarrier.arrive $0xFFFF  }
0x75: {  	p0 =	sne.s32 s0, $0x0;
	_ =	strace $0x90000047  }
0x76: {  	s0 =	sadd.s32 @!p0 $0x100000, s1;
	[bflag:$0x2] =	sbarrier.arrive $0xFFFF  }
0x77: {  	[sflag:s0] =	ssyncadd.tile.s32 @!p0 $0x1;
	_ =	shalt  }
.Lfunc_end2:
_tile_overlayer_lowered:
.L_overlay_start_2:
0x78: {  	(tag) =	ssettag $0x2  }
0x79: {  	s0 =	rddreg [dreg:$0x0];
	s2 =	stileid.u32  }
0x7a: {  	s1 =	rddreg [dreg:$0x1];
	p0 =	sne.s32 s2, $0x0  }
0x7b: {  	s3 =	rddreg [dreg:$0x2];
	[bflag:$0x3] =	sbarrier.arrive $0xFFFF;
	s2 =	simm.s32 @!p0 $0x1C03  }
0x7c: {  	[timem:s3], [sflag:s2] =	dma.local @!p0 [hbm:s0], s1  }
0x7d: {  	s0 =	simm.s32 @!p0 $0x3  }
0x7e: {  	_ =	swait.ge @!p0 [sflag:s0], s1  }
0x7f: {  	s1 =	ssub.s32 @!p0 $0x0, s1;
	[sflag:s0] =	ssyncset.done @!p0 $0x0  }
0x80: {  	[sflag:s0] =	ssyncadd.s32 @!p0 s1  }
0x81: {  	[bflag:$0x3] =	sbarrier.arrive $0xFFFF  }
0x82: {  	_ =	shalt  }

</sc_bundles>
